<compile_context>
chip_gen: v7x
topology: tpu7x:2x2x1
jax: 0.10.2.dev20260603
libtpu: 0.0.44.dev20260713+nightly
codegen_flags: <defaults>
</compile_context>

<pallas_src>
import functools

import jax
import jax.numpy as jnp
from jax import lax
from jax.experimental import pallas as pl
from jax.experimental.pallas import tpu as pltpu
from jax.experimental.pallas import tpu_sc as plsc

N = 10000
D = 128
E = 320000
NCLS = 40
NPAD = 10240
NC = 2
NS = 16
NW = NC * NS
EPT = E // NW
C = 128
NCHUNK = 80
EPTP = NCHUNK * C
RPS = NPAD // NS
BM = 1024


def _vector_mesh():
    return plsc.VectorSubcoreMesh(core_axis_name="core", subcore_axis_name="subcore")


def _sc_warmup():

    @functools.partial(
        pl.kernel,
        out_type=jax.ShapeDtypeStruct((NC, 1, 16), jnp.float32),
        mesh=_vector_mesh(),
        scratch_types=[pltpu.VMEM((1, 16), jnp.float32)],
    )
    def k(out_hbm, buf):
        cid = lax.axis_index("core")
        sid = lax.axis_index("subcore")

        @pl.when(sid == 0)
        def _():
            buf[0] = jnp.zeros((16,), jnp.float32)
            pltpu.sync_copy(buf, out_hbm.at[cid])

    return k()


def _sc_degree(dstp):

    @functools.partial(
        pl.kernel,
        out_type=jax.ShapeDtypeStruct((NC, NPAD, 16), jnp.float32),
        mesh=_vector_mesh(),
        scratch_types=[
            pltpu.VMEM((NCHUNK, C), jnp.int32),
            pltpu.VMEM((C, 16), jnp.float32),
            pltpu.VMEM_SHARED((NPAD, 16), jnp.float32),
        ],
    )
    def k(dstp_hbm, out_hbm, dst_v, ones_v, acc_sp):
        cid = lax.axis_index("core")
        sid = lax.axis_index("subcore")
        wid = cid * NS + sid

        @pl.loop(0, C)
        def _(i):
            ones_v[i] = jnp.zeros((16,), jnp.float32)

        @pl.loop(0, RPS, step=C)
        def _(r):
            pltpu.sync_copy(ones_v, acc_sp.at[pl.ds(sid * RPS + r, C)])

        @pl.loop(0, C)
        def _(i):
            ones_v[i] = jnp.ones((16,), jnp.float32)

        pltpu.sync_copy(dstp_hbm.at[wid], dst_v)
        plsc.subcore_barrier()

        @pl.loop(0, NCHUNK)
        def _(c):
            pltpu.sync_copy(ones_v, acc_sp.at[dst_v.at[c]], add=True)

        plsc.subcore_barrier()
        pltpu.sync_copy(acc_sp.at[pl.ds(sid * RPS, RPS)],
                        out_hbm.at[cid, pl.ds(sid * RPS, RPS)])

    return k(dstp)


def _sc_scatter(hs, pck):

    @functools.partial(
        pl.kernel,
        out_type=jax.ShapeDtypeStruct((NC, NPAD, D), jnp.float32),
        mesh=_vector_mesh(),
        scratch_types=[
            pltpu.VMEM((NCHUNK, C), jnp.int32),
            pltpu.VMEM((1, C), jnp.int32),
            pltpu.VMEM((1, C), jnp.int32),
            pltpu.VMEM((1, C), jnp.int32),
            pltpu.VMEM((1, C), jnp.int32),
            pltpu.VMEM((C, D), jnp.float32),
            pltpu.VMEM((C, D), jnp.float32),
            pltpu.VMEM_SHARED((NPAD, D), jnp.float32),
        ],
    )
    def k(hs_hbm, pck_hbm, out_hbm,
          pck_v, src0, src1, dst0, dst1, buf0, buf1, acc_sp):
        cid = lax.axis_index("core")
        sid = lax.axis_index("subcore")
        wid = cid * NS + sid

        def unpack_src(c, row):
            for j in range(C // 16):
                v = pck_v[c, pl.ds(j * 16, 16)]
                row[0, pl.ds(j * 16, 16)] = lax.bitwise_and(v, 0xFFFF)

        def unpack_dst(c, row):
            for j in range(C // 16):
                v = pck_v[c, pl.ds(j * 16, 16)]
                row[0, pl.ds(j * 16, 16)] = lax.shift_right_logical(v, 16)

        @pl.when(cid == 0)
        def _():
            pltpu.sync_copy(hs_hbm.at[pl.ds(sid * RPS, RPS)],
                            acc_sp.at[pl.ds(sid * RPS, RPS)])

        @pl.when(cid != 0)
        def _():
            @pl.loop(0, C)
            def _(i):
                for j in range(D // 16):
                    buf0[i, pl.ds(j * 16, 16)] = jnp.zeros((16,), jnp.float32)

            @pl.loop(0, RPS, step=C)
            def _(r):
                pltpu.sync_copy(buf0, acc_sp.at[pl.ds(sid * RPS + r, C)])

        pltpu.sync_copy(pck_hbm.at[wid], pck_v)
        plsc.subcore_barrier()

        @pl.loop(0, NCHUNK, step=2)
        def _(c):
            unpack_src(c, src0)
            pltpu.sync_copy(hs_hbm.at[src0.at[0]], buf0)
            unpack_dst(c, dst0)
            pltpu.sync_copy(buf0, acc_sp.at[dst0.at[0]], add=True)
            unpack_src(c + 1, src1)
            pltpu.sync_copy(hs_hbm.at[src1.at[0]], buf1)
            unpack_dst(c + 1, dst1)
            pltpu.sync_copy(buf1, acc_sp.at[dst1.at[0]], add=True)

        plsc.subcore_barrier()
        pltpu.sync_copy(acc_sp.at[pl.ds(sid * RPS, RPS)],
                        out_hbm.at[cid, pl.ds(sid * RPS, RPS)])

    return k(hs, pck)


def _tc_mm1(x_p, W1):

    def body(x_ref, w_ref, h_ref):
        h_ref[...] = jnp.dot(x_ref[...], w_ref[...],
                             preferred_element_type=jnp.float32)

    return pl.pallas_call(
        body,
        grid=(NPAD // BM,),
        in_specs=[
            pl.BlockSpec((BM, D), lambda i: (i, 0)),
            pl.BlockSpec((D, D), lambda i: (0, 0)),
        ],
        out_specs=pl.BlockSpec((BM, D), lambda i: (i, 0)),
        out_shape=jax.ShapeDtypeStruct((NPAD, D), jnp.float32),
    )(x_p, W1)


def _tc_scale(h, degp):

    def body(h_ref, dp_ref, hs_ref, dis_ref):
        d = dp_ref[0] + dp_ref[1]
        deg = d[:, 0:1] + 1.0
        dis = lax.rsqrt(deg)
        hs_ref[...] = h_ref[...] * dis
        dis_ref[...] = dis

    return pl.pallas_call(
        body,
        grid=(NPAD // BM,),
        in_specs=[
            pl.BlockSpec((BM, D), lambda i: (i, 0)),
            pl.BlockSpec((2, BM, 16), lambda i: (0, i, 0)),
        ],
        out_specs=[
            pl.BlockSpec((BM, D), lambda i: (i, 0)),
            pl.BlockSpec((BM, 1), lambda i: (i, 0)),
        ],
        out_shape=[
            jax.ShapeDtypeStruct((NPAD, D), jnp.float32),
            jax.ShapeDtypeStruct((NPAD, 1), jnp.float32),
        ],
    )(h, degp)


def _tc_mid(P, dis, b1r, W2):

    def body(p_ref, dis_ref, b_ref, w_ref, hs2_ref):
        s = (p_ref[0] + p_ref[1]) * dis_ref[...] + b_ref[...]
        a = jnp.maximum(s, 0.0)
        h2 = jnp.dot(a, w_ref[...], preferred_element_type=jnp.float32)
        hs2_ref[...] = h2 * dis_ref[...]

    return pl.pallas_call(
        body,
        grid=(NPAD // BM,),
        in_specs=[
            pl.BlockSpec((2, BM, D), lambda i: (0, i, 0)),
            pl.BlockSpec((BM, 1), lambda i: (i, 0)),
            pl.BlockSpec((1, D), lambda i: (0, 0)),
            pl.BlockSpec((D, D), lambda i: (0, 0)),
        ],
        out_specs=pl.BlockSpec((BM, D), lambda i: (i, 0)),
        out_shape=jax.ShapeDtypeStruct((NPAD, D), jnp.float32),
    )(P, dis, b1r, W2)


def _tc_out(P, dis, b2r, Wo_p, bo_p):

    def body(p_ref, dis_ref, b_ref, wo_ref, bo_ref, o_ref):
        s = (p_ref[0] + p_ref[1]) * dis_ref[...] + b_ref[...]
        a = jnp.maximum(s, 0.0)
        logits = jnp.dot(a, wo_ref[...], preferred_element_type=jnp.float32)
        logits = logits + bo_ref[...]
        m = jnp.max(logits, axis=1, keepdims=True)
        e = jnp.exp(logits - m)
        o_ref[...] = e / jnp.sum(e, axis=1, keepdims=True)

    return pl.pallas_call(
        body,
        grid=(NPAD // BM,),
        in_specs=[
            pl.BlockSpec((2, BM, D), lambda i: (0, i, 0)),
            pl.BlockSpec((BM, 1), lambda i: (i, 0)),
            pl.BlockSpec((1, D), lambda i: (0, 0)),
            pl.BlockSpec((D, D), lambda i: (0, 0)),
            pl.BlockSpec((1, D), lambda i: (0, 0)),
        ],
        out_specs=pl.BlockSpec((BM, D), lambda i: (i, 0)),
        out_shape=jax.ShapeDtypeStruct((NPAD, D), jnp.float32),
    )(P, dis, b2r, Wo_p, bo_p)


def kernel(x, edge_index, W1, b1, W2, b2, W_out, b_out):
    f32 = jnp.float32
    src = edge_index[0].reshape(NW, EPT)
    dst = edge_index[1].reshape(NW, EPT)
    npadE = EPTP - EPT
    pad_src = jnp.broadcast_to((jnp.arange(npadE, dtype=jnp.int32) * 41) % N,
                               (NW, npadE))
    pad_dst = jnp.broadcast_to(N + jnp.arange(npadE, dtype=jnp.int32),
                               (NW, npadE))
    srcp = jnp.concatenate([src, pad_src], axis=1).reshape(NW, NCHUNK, C)
    dstp = jnp.concatenate([dst, pad_dst], axis=1).reshape(NW, NCHUNK, C)
    pck = (dstp << 16) | srcp

    x_p = jnp.zeros((NPAD, D), f32).at[:N].set(x)
    b1r = b1.reshape(1, D)
    b2r = b2.reshape(1, D)
    Wo_p = jnp.zeros((D, D), f32).at[:, :NCLS].set(W_out)
    bo_p = jnp.full((1, D), -1e9, f32).at[0, :NCLS].set(b_out)

    warm = _sc_warmup()
    dstp, _ = lax.optimization_barrier((dstp, warm))
    degp = _sc_degree(dstp)
    degp, _ = lax.optimization_barrier((degp, dstp))
    h1 = _tc_mm1(x_p, W1)
    hs1, dis = _tc_scale(h1, degp)
    P1 = _sc_scatter(hs1, pck)
    P1, _, _ = lax.optimization_barrier((P1, pck, hs1))
    hs2 = _tc_mid(P1, dis, b1r, W2)
    P2 = _sc_scatter(hs2, pck)
    P2, _, _ = lax.optimization_barrier((P2, pck, hs2))
    out = _tc_out(P2, dis, b2r, Wo_p, bo_p)
    return out[:N, :NCLS]

# --- scband reference (transcript-rebuilt; emitter-appended) ---
"""Pipeline reference for scband-gcn-19404662243570 (READ-ONLY COPY).

The authoritative reference and input builder live on the scoring server;
editing this copy changes nothing except your own understanding.
"""

import jax, jax.numpy as jnp
import numpy as np

N_NODES = 10000
D_FEAT = 128
HIDDEN = 128
N_CLASSES = 40
N_EDGES = 320000


def setup_inputs(seed: int = 0) -> dict:
    key = jax.random.key(seed)
    ks = jax.random.split(key, 8)
    x = jax.random.normal(ks[0], (N_NODES, D_FEAT), dtype=jnp.float32)
    edge_index = jax.random.randint(ks[1], (2, N_EDGES), 0, N_NODES, dtype=jnp.int64 if jax.config.jax_enable_x64 else jnp.int32).astype(jnp.int32)
    s1 = 1.0 / np.sqrt(D_FEAT)
    s2 = 1.0 / np.sqrt(HIDDEN)
    W1 = jax.random.uniform(ks[2], (D_FEAT, HIDDEN), minval=-s1, maxval=s1, dtype=jnp.float32)
    b1 = jnp.zeros((HIDDEN,), dtype=jnp.float32)
    W2 = jax.random.uniform(ks[3], (HIDDEN, HIDDEN), minval=-s2, maxval=s2, dtype=jnp.float32)
    b2 = jnp.zeros((HIDDEN,), dtype=jnp.float32)
    W_out = jax.random.uniform(ks[4], (HIDDEN, N_CLASSES), minval=-s2, maxval=s2, dtype=jnp.float32)
    b_out = jax.random.uniform(ks[5], (N_CLASSES,), minval=-s2, maxval=s2, dtype=jnp.float32)
    return {"x": x, "edge_index": edge_index, "W1": W1, "b1": b1, "W2": W2, "b2": b2, "W_out": W_out, "b_out": b_out}


def gcn_conv(x, edge_index, W, b, num_nodes):
    # GCNConv: x' = D^{-1/2} (A + I) D^{-1/2} X W + b
    src = edge_index[0]
    dst = edge_index[1]
    loop = jnp.arange(num_nodes, dtype=src.dtype)
    src = jnp.concatenate([src, loop])
    dst = jnp.concatenate([dst, loop])
    deg = jnp.zeros((num_nodes,), dtype=x.dtype).at[dst].add(1.0)
    deg_inv_sqrt = jnp.where(deg > 0, jax.lax.rsqrt(jnp.maximum(deg, 1e-12)), 0.0)
    norm = deg_inv_sqrt[src] * deg_inv_sqrt[dst]
    h = x @ W
    msg = h[src] * norm[:, None]
    out = jnp.zeros((num_nodes, W.shape[1]), dtype=x.dtype).at[dst].add(msg)
    return out + b


def reference(x, edge_index, W1, b1, W2, b2, W_out, b_out):
    num_nodes = x.shape[0]
    h = gcn_conv(x, edge_index, W1, b1, num_nodes)
    h = jax.nn.relu(h)
    # dropout is identity in eval mode
    h = gcn_conv(h, edge_index, W2, b2, num_nodes)
    h = jax.nn.relu(h)
    logits = h @ W_out + b_out
    return jax.nn.softmax(logits, axis=1)

if __name__ == "__main__":
    import jax
    _d = setup_inputs()
    print(jax.jit(kernel)(*tuple(_d.values())))

</pallas_src>

<mosaic_0001>
#map = affine_map<(d0, d1) -> (0, 0)>
#map1 = affine_map<(d0, d1) -> (0, 0, 0)>
module attributes {stable_mosaic.version = 14 : i64} {
  func.func @k(%arg0: i32, %arg1: i32, %arg2: memref<10240x128xf32, #tpu.memory_space<hbm>>, %arg3: memref<32x80x128xi32, #tpu.memory_space<hbm>>, %arg4: memref<2x10240x128xf32, #tpu.memory_space<hbm>>, %arg5: memref<80x128xi32, #tpu.memory_space<vmem>>, %arg6: memref<1x128xi32, #tpu.memory_space<vmem>>, %arg7: memref<1x128xi32, #tpu.memory_space<vmem>>, %arg8: memref<1x128xi32, #tpu.memory_space<vmem>>, %arg9: memref<1x128xi32, #tpu.memory_space<vmem>>, %arg10: memref<128x128xf32, #tpu.memory_space<vmem>>, %arg11: memref<128x128xf32, #tpu.memory_space<vmem>>, %arg12: memref<10240x128xf32, #tpu.memory_space<vmem_shared>>) attributes {dimension_semantics = [#tpu.dimension_semantics<core_parallel>, #tpu.dimension_semantics<subcore_parallel>], iteration_bounds = array<i64: 2, 16>, scalar_prefetch = 0 : i64, scratch_operands = 8 : i64, tpu.core_type = #tpu.core_type<sc_vector_subcore>, window_params = [{transform_indices = #map}, {transform_indices = #map1}, {transform_indices = #map1}]} {
    %mul3A = arith.constant 16 : i32
    %mul3A_0 = arith.muli %arg0, %mul3A : i32
    %add3A = arith.addi %mul3A_0, %arg1 : i32
    %eq3A = arith.constant 0 : i32
    %eq3A_1 = arith.cmpi eq, %arg0, %eq3A : i32
    %convert_element_type3A = arith.extui %eq3A_1 : i1 to i32
    %cond3A = arith.constant 0 : i32
    %cond3A_2 = arith.cmpi ne, %convert_element_type3A, %cond3A : i32
    scf.if %cond3A_2 {
      %mul3A_16 = arith.constant 640 : i32
      %mul3A_17 = arith.muli %arg1, %mul3A_16 : i32
      %mul3A_18 = arith.constant 640 : i32
      %mul3A_19 = arith.muli %arg1, %mul3A_18 : i32
      "tpu.region"() ({
        %run_scoped3A = tpu.sem_alloc : memref<!tpu.dma_semaphore, #tpu.memory_space<semaphore_mem>>
        %dma_start3A = arith.constant 0 : i32
        %dma_start3A_20 = tpu.memref_slice %arg12[%mul3A_19, %dma_start3A] : memref<10240x128xf32, #tpu.memory_space<vmem_shared>> -> memref<640x128xf32, #tpu.memory_space<vmem_shared>>
        %dma_start3A_21 = arith.constant 0 : i32
        %dma_start3A_22 = tpu.memref_slice %arg2[%mul3A_17, %dma_start3A_21] : memref<10240x128xf32, #tpu.memory_space<hbm>> -> memref<640x128xf32, #tpu.memory_space<hbm>>
        tpu.enqueue_dma source(%dma_start3A_22 : memref<640x128xf32, #tpu.memory_space<hbm>>) target(%dma_start3A_20 : memref<640x128xf32, #tpu.memory_space<vmem_shared>>) target_semaphore(%run_scoped3A : memref<!tpu.dma_semaphore, #tpu.memory_space<semaphore_mem>>)
        %dma_wait3A = arith.constant 0 : i32
        %dma_wait3A_23 = tpu.memref_slice %arg12[%mul3A_19, %dma_wait3A] : memref<10240x128xf32, #tpu.memory_space<vmem_shared>> -> memref<640x128xf32, #tpu.memory_space<vmem_shared>>
        %dma_wait3A_24 = arith.constant 0 : i32
        %dma_wait3A_25 = tpu.memref_slice %arg2[%mul3A_17, %dma_wait3A_24] : memref<10240x128xf32, #tpu.memory_space<hbm>> -> memref<640x128xf32, #tpu.memory_space<hbm>>
        tpu.wait_dma2 semaphore(%run_scoped3A : memref<!tpu.dma_semaphore, #tpu.memory_space<semaphore_mem>>) src(%dma_wait3A_25 : memref<640x128xf32, #tpu.memory_space<hbm>>) dst(%dma_wait3A_23 : memref<640x128xf32, #tpu.memory_space<vmem_shared>>)
        tpu.yield
      }) : () -> ()
    } else {
    }
    %ne3A = arith.constant 0 : i32
    %ne3A_3 = arith.cmpi ne, %arg0, %ne3A : i32
    %convert_element_type3A_4 = arith.extui %ne3A_3 : i1 to i32
    %cond3A_5 = arith.constant 0 : i32
    %cond3A_6 = arith.cmpi ne, %convert_element_type3A_4, %cond3A_5 : i32
    scf.if %cond3A_6 {
      %scan3A_16 = arith.constant 0 : i32
      %scan3A_17 = arith.constant 128 : i32
      %scan3A_18 = arith.addi %scan3A_16, %scan3A_17 : i32
      %scan3A_19 = arith.constant 1 : i32
      scf.for %scan3A_26 = %scan3A_16 to %scan3A_18 step %scan3A_19  : i32 {
        %mul3A_27 = arith.constant 1 : i32
        %mul3A_28 = arith.muli %scan3A_26, %mul3A_27 : i32
        %add3A_29 = arith.constant 0 : i32
        %add3A_30 = arith.addi %add3A_29, %mul3A_28 : i32
        %broadcast_in_dim3A = arith.constant 0.000000e+00 : f32
        %broadcast_in_dim3A_31 = vector.broadcast %broadcast_in_dim3A : f32 to vector<16xf32>
        %swap3A = arith.index_cast %add3A_30 : i32 to index
        %swap3A_32 = arith.constant 0 : index
        %swap3A_33 = tpu.vector_load %arg10[%swap3A, %swap3A_32] {strides = array<i32>} : memref<128x128xf32, #tpu.memory_space<vmem>>, vector<1x16xf32>,
        %swap3A_34 = vector.shape_cast %swap3A_33 : vector<1x16xf32> to vector<16xf32>
        %swap3A_35 = vector.shape_cast %broadcast_in_dim3A_31 : vector<16xf32> to vector<1x16xf32>
        tpu.vector_store %arg10[%swap3A, %swap3A_32], %swap3A_35 {strides = array<i32>} : memref<128x128xf32, #tpu.memory_space<vmem>>, vector<1x16xf32>,
        %broadcast_in_dim3A_36 = arith.constant 0.000000e+00 : f32
        %broadcast_in_dim3A_37 = vector.broadcast %broadcast_in_dim3A_36 : f32 to vector<16xf32>
        %swap3A_38 = arith.index_cast %add3A_30 : i32 to index
        %swap3A_39 = arith.constant 16 : index
        %swap3A_40 = tpu.vector_load %arg10[%swap3A_38, %swap3A_39] {strides = array<i32>} : memref<128x128xf32, #tpu.memory_space<vmem>>, vector<1x16xf32>,
        %swap3A_41 = vector.shape_cast %swap3A_40 : vector<1x16xf32> to vector<16xf32>
        %swap3A_42 = vector.shape_cast %broadcast_in_dim3A_37 : vector<16xf32> to vector<1x16xf32>
        tpu.vector_store %arg10[%swap3A_38, %swap3A_39], %swap3A_42 {strides = array<i32>} : memref<128x128xf32, #tpu.memory_space<vmem>>, vector<1x16xf32>,
        %broadcast_in_dim3A_43 = arith.constant 0.000000e+00 : f32
        %broadcast_in_dim3A_44 = vector.broadcast %broadcast_in_dim3A_43 : f32 to vector<16xf32>
        %swap3A_45 = arith.index_cast %add3A_30 : i32 to index
        %swap3A_46 = arith.constant 32 : index
        %swap3A_47 = tpu.vector_load %arg10[%swap3A_45, %swap3A_46] {strides = array<i32>} : memref<128x128xf32, #tpu.memory_space<vmem>>, vector<1x16xf32>,
        %swap3A_48 = vector.shape_cast %swap3A_47 : vector<1x16xf32> to vector<16xf32>
        %swap3A_49 = vector.shape_cast %broadcast_in_dim3A_44 : vector<16xf32> to vector<1x16xf32>
        tpu.vector_store %arg10[%swap3A_45, %swap3A_46], %swap3A_49 {strides = array<i32>} : memref<128x128xf32, #tpu.memory_space<vmem>>, vector<1x16xf32>,
        %broadcast_in_dim3A_50 = arith.constant 0.000000e+00 : f32
        %broadcast_in_dim3A_51 = vector.broadcast %broadcast_in_dim3A_50 : f32 to vector<16xf32>
        %swap3A_52 = arith.index_cast %add3A_30 : i32 to index
        %swap3A_53 = arith.constant 48 : index
        %swap3A_54 = tpu.vector_load %arg10[%swap3A_52, %swap3A_53] {strides = array<i32>} : memref<128x128xf32, #tpu.memory_space<vmem>>, vector<1x16xf32>,
        %swap3A_55 = vector.shape_cast %swap3A_54 : vector<1x16xf32> to vector<16xf32>
        %swap3A_56 = vector.shape_cast %broadcast_in_dim3A_51 : vector<16xf32> to vector<1x16xf32>
        tpu.vector_store %arg10[%swap3A_52, %swap3A_53], %swap3A_56 {strides = array<i32>} : memref<128x128xf32, #tpu.memory_space<vmem>>, vector<1x16xf32>,
        %broadcast_in_dim3A_57 = arith.constant 0.000000e+00 : f32
        %broadcast_in_dim3A_58 = vector.broadcast %broadcast_in_dim3A_57 : f32 to vector<16xf32>
        %swap3A_59 = arith.index_cast %add3A_30 : i32 to index
        %swap3A_60 = arith.constant 64 : index
        %swap3A_61 = tpu.vector_load %arg10[%swap3A_59, %swap3A_60] {strides = array<i32>} : memref<128x128xf32, #tpu.memory_space<vmem>>, vector<1x16xf32>,
        %swap3A_62 = vector.shape_cast %swap3A_61 : vector<1x16xf32> to vector<16xf32>
        %swap3A_63 = vector.shape_cast %broadcast_in_dim3A_58 : vector<16xf32> to vector<1x16xf32>
        tpu.vector_store %arg10[%swap3A_59, %swap3A_60], %swap3A_63 {strides = array<i32>} : memref<128x128xf32, #tpu.memory_space<vmem>>, vector<1x16xf32>,
        %broadcast_in_dim3A_64 = arith.constant 0.000000e+00 : f32
        %broadcast_in_dim3A_65 = vector.broadcast %broadcast_in_dim3A_64 : f32 to vector<16xf32>
        %swap3A_66 = arith.index_cast %add3A_30 : i32 to index
        %swap3A_67 = arith.constant 80 : index
        %swap3A_68 = tpu.vector_load %arg10[%swap3A_66, %swap3A_67] {strides = array<i32>} : memref<128x128xf32, #tpu.memory_space<vmem>>, vector<1x16xf32>,
        %swap3A_69 = vector.shape_cast %swap3A_68 : vector<1x16xf32> to vector<16xf32>
        %swap3A_70 = vector.shape_cast %broadcast_in_dim3A_65 : vector<16xf32> to vector<1x16xf32>
        tpu.vector_store %arg10[%swap3A_66, %swap3A_67], %swap3A_70 {strides = array<i32>} : memref<128x128xf32, #tpu.memory_space<vmem>>, vector<1x16xf32>,
        %broadcast_in_dim3A_71 = arith.constant 0.000000e+00 : f32
        %broadcast_in_dim3A_72 = vector.broadcast %broadcast_in_dim3A_71 : f32 to vector<16xf32>
        %swap3A_73 = arith.index_cast %add3A_30 : i32 to index
        %swap3A_74 = arith.constant 96 : index
        %swap3A_75 = tpu.vector_load %arg10[%swap3A_73, %swap3A_74] {strides = array<i32>} : memref<128x128xf32, #tpu.memory_space<vmem>>, vector<1x16xf32>,
        %swap3A_76 = vector.shape_cast %swap3A_75 : vector<1x16xf32> to vector<16xf32>
        %swap3A_77 = vector.shape_cast %broadcast_in_dim3A_72 : vector<16xf32> to vector<1x16xf32>
        tpu.vector_store %arg10[%swap3A_73, %swap3A_74], %swap3A_77 {strides = array<i32>} : memref<128x128xf32, #tpu.memory_space<vmem>>, vector<1x16xf32>,
        %broadcast_in_dim3A_78 = arith.constant 0.000000e+00 : f32
        %broadcast_in_dim3A_79 = vector.broadcast %broadcast_in_dim3A_78 : f32 to vector<16xf32>
        %swap3A_80 = arith.index_cast %add3A_30 : i32 to index
        %swap3A_81 = arith.constant 112 : index
        %swap3A_82 = tpu.vector_load %arg10[%swap3A_80, %swap3A_81] {strides = array<i32>} : memref<128x128xf32, #tpu.memory_space<vmem>>, vector<1x16xf32>,
        %swap3A_83 = vector.shape_cast %swap3A_82 : vector<1x16xf32> to vector<16xf32>
        %swap3A_84 = vector.shape_cast %broadcast_in_dim3A_79 : vector<16xf32> to vector<1x16xf32>
        tpu.vector_store %arg10[%swap3A_80, %swap3A_81], %swap3A_84 {strides = array<i32>} : memref<128x128xf32, #tpu.memory_space<vmem>>, vector<1x16xf32>,
      }
      %scan3A_20 = arith.constant 128 : i32
      %scan3A_21 = arith.constant 0 : i32
      %scan3A_22 = arith.constant 5 : i32
      %scan3A_23 = arith.addi %scan3A_21, %scan3A_22 : i32
      %scan3A_24 = arith.constant 1 : i32
      scf.for %scan3A_26 = %scan3A_21 to %scan3A_23 step %scan3A_24  : i32 {
        %mul3A_27 = arith.constant 128 : i32
        %mul3A_28 = arith.muli %scan3A_26, %mul3A_27 : i32
        %add3A_29 = arith.constant 0 : i32
        %add3A_30 = arith.addi %add3A_29, %mul3A_28 : i32
        %mul3A_31 = arith.constant 640 : i32
        %mul3A_32 = arith.muli %arg1, %mul3A_31 : i32
        %add3A_33 = arith.addi %mul3A_32, %add3A_30 : i32
        "tpu.region"() ({
          %run_scoped3A = tpu.sem_alloc : memref<!tpu.dma_semaphore, #tpu.memory_space<semaphore_mem>>
          %dma_start3A = arith.constant 0 : i32
          %dma_start3A_34 = tpu.memref_slice %arg12[%add3A_33, %dma_start3A] : memref<10240x128xf32, #tpu.memory_space<vmem_shared>> -> memref<128x128xf32, #tpu.memory_space<vmem_shared>>
          %dma_start3A_35 = arith.constant 0 : i32
          %dma_start3A_36 = tpu.memref_slice %arg12[%add3A_33, %dma_start3A_35] : memref<10240x128xf32, #tpu.memory_space<vmem_shared>> -> memref<128x128xf32, #tpu.memory_space<vmem_shared>>
          tpu.enqueue_dma source(%arg10 : memref<128x128xf32, #tpu.memory_space<vmem>>) target(%dma_start3A_36 : memref<128x128xf32, #tpu.memory_space<vmem_shared>>) target_semaphore(%run_scoped3A : memref<!tpu.dma_semaphore, #tpu.memory_space<semaphore_mem>>)
          %dma_wait3A = arith.constant 0 : i32
          %dma_wait3A_37 = tpu.memref_slice %arg12[%add3A_33, %dma_wait3A] : memref<10240x128xf32, #tpu.memory_space<vmem_shared>> -> memref<128x128xf32, #tpu.memory_space<vmem_shared>>
          %dma_wait3A_38 = arith.constant 0 : i32
          %dma_wait3A_39 = tpu.memref_slice %arg12[%add3A_33, %dma_wait3A_38] : memref<10240x128xf32, #tpu.memory_space<vmem_shared>> -> memref<128x128xf32, #tpu.memory_space<vmem_shared>>
          tpu.wait_dma2 semaphore(%run_scoped3A : memref<!tpu.dma_semaphore, #tpu.memory_space<semaphore_mem>>) src(%arg10 : memref<128x128xf32, #tpu.memory_space<vmem>>) dst(%dma_wait3A_39 : memref<128x128xf32, #tpu.memory_space<vmem_shared>>)
          tpu.yield
        }) : () -> ()
      }
      %scan3A_25 = arith.constant 5 : i32
    } else {
    }
    "tpu.region"() ({
      %run_scoped3A = tpu.sem_alloc : memref<!tpu.dma_semaphore, #tpu.memory_space<semaphore_mem>>
      %dma_start3A = arith.constant 0 : i32
      %dma_start3A_16 = arith.constant 0 : i32
      %dma_start3A_17 = tpu.memref_slice %arg3[%add3A, %dma_start3A, %dma_start3A_16] : memref<32x80x128xi32, #tpu.memory_space<hbm>> -> memref<1x80x128xi32, #tpu.memory_space<hbm>>
      %dma_start3A_18 = tpu.memref_squeeze %dma_start3A_17 : memref<1x80x128xi32, #tpu.memory_space<hbm>> -> memref<80x128xi32, #tpu.memory_space<hbm>>
      %dma_start3A_19 = arith.constant 0 : i32
      %dma_start3A_20 = arith.constant 0 : i32
      %dma_start3A_21 = tpu.memref_slice %arg3[%add3A, %dma_start3A_19, %dma_start3A_20] : memref<32x80x128xi32, #tpu.memory_space<hbm>> -> memref<1x80x128xi32, #tpu.memory_space<hbm>>
      %dma_start3A_22 = tpu.memref_squeeze %dma_start3A_21 : memref<1x80x128xi32, #tpu.memory_space<hbm>> -> memref<80x128xi32, #tpu.memory_space<hbm>>
      tpu.enqueue_dma source(%dma_start3A_22 : memref<80x128xi32, #tpu.memory_space<hbm>>) target(%arg5 : memref<80x128xi32, #tpu.memory_space<vmem>>) target_semaphore(%run_scoped3A : memref<!tpu.dma_semaphore, #tpu.memory_space<semaphore_mem>>)
      %dma_wait3A = arith.constant 0 : i32
      %dma_wait3A_23 = arith.constant 0 : i32
      %dma_wait3A_24 = tpu.memref_slice %arg3[%add3A, %dma_wait3A, %dma_wait3A_23] : memref<32x80x128xi32, #tpu.memory_space<hbm>> -> memref<1x80x128xi32, #tpu.memory_space<hbm>>
      %dma_wait3A_25 = tpu.memref_squeeze %dma_wait3A_24 : memref<1x80x128xi32, #tpu.memory_space<hbm>> -> memref<80x128xi32, #tpu.memory_space<hbm>>
      %dma_wait3A_26 = arith.constant 0 : i32
      %dma_wait3A_27 = arith.constant 0 : i32
      %dma_wait3A_28 = tpu.memref_slice %arg3[%add3A, %dma_wait3A_26, %dma_wait3A_27] : memref<32x80x128xi32, #tpu.memory_space<hbm>> -> memref<1x80x128xi32, #tpu.memory_space<hbm>>
      %dma_wait3A_29 = tpu.memref_squeeze %dma_wait3A_28 : memref<1x80x128xi32, #tpu.memory_space<hbm>> -> memref<80x128xi32, #tpu.memory_space<hbm>>
      tpu.wait_dma2 semaphore(%run_scoped3A : memref<!tpu.dma_semaphore, #tpu.memory_space<semaphore_mem>>) src(%dma_wait3A_29 : memref<80x128xi32, #tpu.memory_space<hbm>>) dst(%arg5 : memref<80x128xi32, #tpu.memory_space<vmem>>)
      tpu.yield
    }) : () -> ()
    %barrier3A = arith.constant 0 : index
    tpu.barrier barrier_id(%barrier3A)
    %scan3A = arith.constant 0 : i32
    %scan3A_7 = arith.constant 40 : i32
    %scan3A_8 = arith.addi %scan3A, %scan3A_7 : i32
    %scan3A_9 = arith.constant 1 : i32
    scf.for %scan3A_16 = %scan3A to %scan3A_8 step %scan3A_9  : i32 {
      %mul3A_17 = arith.constant 2 : i32
      %mul3A_18 = arith.muli %scan3A_16, %mul3A_17 : i32
      %add3A_19 = arith.constant 0 : i32
      %add3A_20 = arith.addi %add3A_19, %mul3A_18 : i32
      %get3A = arith.index_cast %add3A_20 : i32 to index
      %get3A_21 = arith.constant 0 : index
      %get3A_22 = tpu.vector_load %arg5[%get3A, %get3A_21] {strides = array<i32>} : memref<80x128xi32, #tpu.memory_space<vmem>>, vector<1x16xi32>,
      %get3A_23 = vector.shape_cast %get3A_22 : vector<1x16xi32> to vector<16xi32>
      %and3A = arith.constant 65535 : i32
      %and3A_24 = vector.broadcast %and3A : i32 to vector<16xi32>
      %and3A_25 = arith.andi %get3A_23, %and3A_24 : vector<16xi32>
      %swap3A = arith.constant 0 : i32
      %swap3A_26 = arith.index_cast %swap3A : i32 to index
      %swap3A_27 = arith.constant 0 : index
      %swap3A_28 = tpu.vector_load %arg6[%swap3A_26, %swap3A_27] {strides = array<i32>} : memref<1x128xi32, #tpu.memory_space<vmem>>, vector<1x16xi32>,
      %swap3A_29 = vector.shape_cast %swap3A_28 : vector<1x16xi32> to vector<16xi32>
      %swap3A_30 = vector.shape_cast %and3A_25 : vector<16xi32> to vector<1x16xi32>
      tpu.vector_store %arg6[%swap3A_26, %swap3A_27], %swap3A_30 {strides = array<i32>} : memref<1x128xi32, #tpu.memory_space<vmem>>, vector<1x16xi32>,
      %get3A_31 = arith.index_cast %add3A_20 : i32 to index
      %get3A_32 = arith.constant 16 : index
      %get3A_33 = tpu.vector_load %arg5[%get3A_31, %get3A_32] {strides = array<i32>} : memref<80x128xi32, #tpu.memory_space<vmem>>, vector<1x16xi32>,
      %get3A_34 = vector.shape_cast %get3A_33 : vector<1x16xi32> to vector<16xi32>
      %and3A_35 = arith.constant 65535 : i32
      %and3A_36 = vector.broadcast %and3A_35 : i32 to vector<16xi32>
      %and3A_37 = arith.andi %get3A_34, %and3A_36 : vector<16xi32>
      %swap3A_38 = arith.constant 0 : i32
      %swap3A_39 = arith.index_cast %swap3A_38 : i32 to index
      %swap3A_40 = arith.constant 16 : index
      %swap3A_41 = tpu.vector_load %arg6[%swap3A_39, %swap3A_40] {strides = array<i32>} : memref<1x128xi32, #tpu.memory_space<vmem>>, vector<1x16xi32>,
      %swap3A_42 = vector.shape_cast %swap3A_41 : vector<1x16xi32> to vector<16xi32>
      %swap3A_43 = vector.shape_cast %and3A_37 : vector<16xi32> to vector<1x16xi32>
      tpu.vector_store %arg6[%swap3A_39, %swap3A_40], %swap3A_43 {strides = array<i32>} : memref<1x128xi32, #tpu.memory_space<vmem>>, vector<1x16xi32>,
      %get3A_44 = arith.index_cast %add3A_20 : i32 to index
      %get3A_45 = arith.constant 32 : index
      %get3A_46 = tpu.vector_load %arg5[%get3A_44, %get3A_45] {strides = array<i32>} : memref<80x128xi32, #tpu.memory_space<vmem>>, vector<1x16xi32>,
      %get3A_47 = vector.shape_cast %get3A_46 : vector<1x16xi32> to vector<16xi32>
      %and3A_48 = arith.constant 65535 : i32
      %and3A_49 = vector.broadcast %and3A_48 : i32 to vector<16xi32>
      %and3A_50 = arith.andi %get3A_47, %and3A_49 : vector<16xi32>
      %swap3A_51 = arith.constant 0 : i32
      %swap3A_52 = arith.index_cast %swap3A_51 : i32 to index
      %swap3A_53 = arith.constant 32 : index
      %swap3A_54 = tpu.vector_load %arg6[%swap3A_52, %swap3A_53] {strides = array<i32>} : memref<1x128xi32, #tpu.memory_space<vmem>>, vector<1x16xi32>,
      %swap3A_55 = vector.shape_cast %swap3A_54 : vector<1x16xi32> to vector<16xi32>
      %swap3A_56 = vector.shape_cast %and3A_50 : vector<16xi32> to vector<1x16xi32>
      tpu.vector_store %arg6[%swap3A_52, %swap3A_53], %swap3A_56 {strides = array<i32>} : memref<1x128xi32, #tpu.memory_space<vmem>>, vector<1x16xi32>,
      %get3A_57 = arith.index_cast %add3A_20 : i32 to index
      %get3A_58 = arith.constant 48 : index
      %get3A_59 = tpu.vector_load %arg5[%get3A_57, %get3A_58] {strides = array<i32>} : memref<80x128xi32, #tpu.memory_space<vmem>>, vector<1x16xi32>,
      %get3A_60 = vector.shape_cast %get3A_59 : vector<1x16xi32> to vector<16xi32>
      %and3A_61 = arith.constant 65535 : i32
      %and3A_62 = vector.broadcast %and3A_61 : i32 to vector<16xi32>
      %and3A_63 = arith.andi %get3A_60, %and3A_62 : vector<16xi32>
      %swap3A_64 = arith.constant 0 : i32
      %swap3A_65 = arith.index_cast %swap3A_64 : i32 to index
      %swap3A_66 = arith.constant 48 : index
      %swap3A_67 = tpu.vector_load %arg6[%swap3A_65, %swap3A_66] {strides = array<i32>} : memref<1x128xi32, #tpu.memory_space<vmem>>, vector<1x16xi32>,
      %swap3A_68 = vector.shape_cast %swap3A_67 : vector<1x16xi32> to vector<16xi32>
      %swap3A_69 = vector.shape_cast %and3A_63 : vector<16xi32> to vector<1x16xi32>
      tpu.vector_store %arg6[%swap3A_65, %swap3A_66], %swap3A_69 {strides = array<i32>} : memref<1x128xi32, #tpu.memory_space<vmem>>, vector<1x16xi32>,
      %get3A_70 = arith.index_cast %add3A_20 : i32 to index
      %get3A_71 = arith.constant 64 : index
      %get3A_72 = tpu.vector_load %arg5[%get3A_70, %get3A_71] {strides = array<i32>} : memref<80x128xi32, #tpu.memory_space<vmem>>, vector<1x16xi32>,
      %get3A_73 = vector.shape_cast %get3A_72 : vector<1x16xi32> to vector<16xi32>
      %and3A_74 = arith.constant 65535 : i32
      %and3A_75 = vector.broadcast %and3A_74 : i32 to vector<16xi32>
      %and3A_76 = arith.andi %get3A_73, %and3A_75 : vector<16xi32>
      %swap3A_77 = arith.constant 0 : i32
      %swap3A_78 = arith.index_cast %swap3A_77 : i32 to index
      %swap3A_79 = arith.constant 64 : index
      %swap3A_80 = tpu.vector_load %arg6[%swap3A_78, %swap3A_79] {strides = array<i32>} : memref<1x128xi32, #tpu.memory_space<vmem>>, vector<1x16xi32>,
      %swap3A_81 = vector.shape_cast %swap3A_80 : vector<1x16xi32> to vector<16xi32>
      %swap3A_82 = vector.shape_cast %and3A_76 : vector<16xi32> to vector<1x16xi32>
      tpu.vector_store %arg6[%swap3A_78, %swap3A_79], %swap3A_82 {strides = array<i32>} : memref<1x128xi32, #tpu.memory_space<vmem>>, vector<1x16xi32>,
      %get3A_83 = arith.index_cast %add3A_20 : i32 to index
      %get3A_84 = arith.constant 80 : index
      %get3A_85 = tpu.vector_load %arg5[%get3A_83, %get3A_84] {strides = array<i32>} : memref<80x128xi32, #tpu.memory_space<vmem>>, vector<1x16xi32>,
      %get3A_86 = vector.shape_cast %get3A_85 : vector<1x16xi32> to vector<16xi32>
      %and3A_87 = arith.constant 65535 : i32
      %and3A_88 = vector.broadcast %and3A_87 : i32 to vector<16xi32>
      %and3A_89 = arith.andi %get3A_86, %and3A_88 : vector<16xi32>
      %swap3A_90 = arith.constant 0 : i32
      %swap3A_91 = arith.index_cast %swap3A_90 : i32 to index
      %swap3A_92 = arith.constant 80 : index
      %swap3A_93 = tpu.vector_load %arg6[%swap3A_91, %swap3A_92] {strides = array<i32>} : memref<1x128xi32, #tpu.memory_space<vmem>>, vector<1x16xi32>,
      %swap3A_94 = vector.shape_cast %swap3A_93 : vector<1x16xi32> to vector<16xi32>
      %swap3A_95 = vector.shape_cast %and3A_89 : vector<16xi32> to vector<1x16xi32>
      tpu.vector_store %arg6[%swap3A_91, %swap3A_92], %swap3A_95 {strides = array<i32>} : memref<1x128xi32, #tpu.memory_space<vmem>>, vector<1x16xi32>,
      %get3A_96 = arith.index_cast %add3A_20 : i32 to index
      %get3A_97 = arith.constant 96 : index
      %get3A_98 = tpu.vector_load %arg5[%get3A_96, %get3A_97] {strides = array<i32>} : memref<80x128xi32, #tpu.memory_space<vmem>>, vector<1x16xi32>,
      %get3A_99 = vector.shape_cast %get3A_98 : vector<1x16xi32> to vector<16xi32>
      %and3A_100 = arith.constant 65535 : i32
      %and3A_101 = vector.broadcast %and3A_100 : i32 to vector<16xi32>
      %and3A_102 = arith.andi %get3A_99, %and3A_101 : vector<16xi32>
      %swap3A_103 = arith.constant 0 : i32
      %swap3A_104 = arith.index_cast %swap3A_103 : i32 to index
      %swap3A_105 = arith.constant 96 : index
      %swap3A_106 = tpu.vector_load %arg6[%swap3A_104, %swap3A_105] {strides = array<i32>} : memref<1x128xi32, #tpu.memory_space<vmem>>, vector<1x16xi32>,
      %swap3A_107 = vector.shape_cast %swap3A_106 : vector<1x16xi32> to vector<16xi32>
      %swap3A_108 = vector.shape_cast %and3A_102 : vector<16xi32> to vector<1x16xi32>
      tpu.vector_store %arg6[%swap3A_104, %swap3A_105], %swap3A_108 {strides = array<i32>} : memref<1x128xi32, #tpu.memory_space<vmem>>, vector<1x16xi32>,
      %get3A_109 = arith.index_cast %add3A_20 : i32 to index
      %get3A_110 = arith.constant 112 : index
      %get3A_111 = tpu.vector_load %arg5[%get3A_109, %get3A_110] {strides = array<i32>} : memref<80x128xi32, #tpu.memory_space<vmem>>, vector<1x16xi32>,
      %get3A_112 = vector.shape_cast %get3A_111 : vector<1x16xi32> to vector<16xi32>
      %and3A_113 = arith.constant 65535 : i32
      %and3A_114 = vector.broadcast %and3A_113 : i32 to vector<16xi32>
      %and3A_115 = arith.andi %get3A_112, %and3A_114 : vector<16xi32>
      %swap3A_116 = arith.constant 0 : i32
      %swap3A_117 = arith.index_cast %swap3A_116 : i32 to index
      %swap3A_118 = arith.constant 112 : index
      %swap3A_119 = tpu.vector_load %arg6[%swap3A_117, %swap3A_118] {strides = array<i32>} : memref<1x128xi32, #tpu.memory_space<vmem>>, vector<1x16xi32>,
      %swap3A_120 = vector.shape_cast %swap3A_119 : vector<1x16xi32> to vector<16xi32>
      %swap3A_121 = vector.shape_cast %and3A_115 : vector<16xi32> to vector<1x16xi32>
      tpu.vector_store %arg6[%swap3A_117, %swap3A_118], %swap3A_121 {strides = array<i32>} : memref<1x128xi32, #tpu.memory_space<vmem>>, vector<1x16xi32>,
      %run_scoped3A = arith.constant 0 : i32
      "tpu.region"() ({
        %run_scoped3A_440 = tpu.sem_alloc : memref<!tpu.dma_semaphore, #tpu.memory_space<semaphore_mem>>
        %dma_start3A = arith.constant 0 : i32
        %dma_start3A_441 = tpu.memref_slice %arg6[%run_scoped3A, %dma_start3A] : memref<1x128xi32, #tpu.memory_space<vmem>> -> memref<1x128xi32, #tpu.memory_space<vmem>>
        %dma_start3A_442 = tpu.memref_squeeze %dma_start3A_441 : memref<1x128xi32, #tpu.memory_space<vmem>> -> memref<128xi32, #tpu.memory_space<vmem>>
        %dma_start3A_443 = arith.constant 0 : i32
        %dma_start3A_444 = arith.constant 0 : i32
        %dma_start3A_445 = tpu.memref_slice %arg2[%dma_start3A_443, %dma_start3A_444] : memref<10240x128xf32, #tpu.memory_space<hbm>> -> memref<10240x128xf32, #tpu.memory_space<hbm>>
        tpu.enqueue_indirect_dma source(%dma_start3A_445 : memref<10240x128xf32, #tpu.memory_space<hbm>>) target(%arg10 : memref<128x128xf32, #tpu.memory_space<vmem>>) offsets(%dma_start3A_442 : memref<128xi32, #tpu.memory_space<vmem>>) semaphore(%run_scoped3A_440 : memref<!tpu.dma_semaphore, #tpu.memory_space<semaphore_mem>>)
        %dma_wait3A = arith.constant 0 : i32
        %dma_wait3A_446 = tpu.memref_slice %arg6[%run_scoped3A, %dma_wait3A] : memref<1x128xi32, #tpu.memory_space<vmem>> -> memref<1x128xi32, #tpu.memory_space<vmem>>
        %dma_wait3A_447 = tpu.memref_squeeze %dma_wait3A_446 : memref<1x128xi32, #tpu.memory_space<vmem>> -> memref<128xi32, #tpu.memory_space<vmem>>
        %dma_wait3A_448 = arith.constant 0 : i32
        %dma_wait3A_449 = arith.constant 0 : i32
        %dma_wait3A_450 = tpu.memref_slice %arg2[%dma_wait3A_448, %dma_wait3A_449] : memref<10240x128xf32, #tpu.memory_space<hbm>> -> memref<10240x128xf32, #tpu.memory_space<hbm>>
        tpu.wait_indirect_dma semaphore(%run_scoped3A_440 : memref<!tpu.dma_semaphore, #tpu.memory_space<semaphore_mem>>) src(%dma_wait3A_450 : memref<10240x128xf32, #tpu.memory_space<hbm>>) dst(%arg10 : memref<128x128xf32, #tpu.memory_space<vmem>>)
        tpu.yield
      }) : () -> ()
      %get3A_122 = arith.index_cast %add3A_20 : i32 to index
      %get3A_123 = arith.constant 0 : index
      %get3A_124 = tpu.vector_load %arg5[%get3A_122, %get3A_123] {strides = array<i32>} : memref<80x128xi32, #tpu.memory_space<vmem>>, vector<1x16xi32>,
      %get3A_125 = vector.shape_cast %get3A_124 : vector<1x16xi32> to vector<16xi32>
      %shift_right_logical3A = arith.constant 16 : i32
      %shift_right_logical3A_126 = vector.broadcast %shift_right_logical3A : i32 to vector<16xi32>
      %shift_right_logical3A_127 = arith.shrui %get3A_125, %shift_right_logical3A_126 : vector<16xi32>
      %swap3A_128 = arith.constant 0 : i32
      %swap3A_129 = arith.index_cast %swap3A_128 : i32 to index
      %swap3A_130 = arith.constant 0 : index
      %swap3A_131 = tpu.vector_load %arg8[%swap3A_129, %swap3A_130] {strides = array<i32>} : memref<1x128xi32, #tpu.memory_space<vmem>>, vector<1x16xi32>,
      %swap3A_132 = vector.shape_cast %swap3A_131 : vector<1x16xi32> to vector<16xi32>
      %swap3A_133 = vector.shape_cast %shift_right_logical3A_127 : vector<16xi32> to vector<1x16xi32>
      tpu.vector_store %arg8[%swap3A_129, %swap3A_130], %swap3A_133 {strides = array<i32>} : memref<1x128xi32, #tpu.memory_space<vmem>>, vector<1x16xi32>,
      %get3A_134 = arith.index_cast %add3A_20 : i32 to index
      %get3A_135 = arith.constant 16 : index
      %get3A_136 = tpu.vector_load %arg5[%get3A_134, %get3A_135] {strides = array<i32>} : memref<80x128xi32, #tpu.memory_space<vmem>>, vector<1x16xi32>,
      %get3A_137 = vector.shape_cast %get3A_136 : vector<1x16xi32> to vector<16xi32>
      %shift_right_logical3A_138 = arith.constant 16 : i32
      %shift_right_logical3A_139 = vector.broadcast %shift_right_logical3A_138 : i32 to vector<16xi32>
      %shift_right_logical3A_140 = arith.shrui %get3A_137, %shift_right_logical3A_139 : vector<16xi32>
      %swap3A_141 = arith.constant 0 : i32
      %swap3A_142 = arith.index_cast %swap3A_141 : i32 to index
      %swap3A_143 = arith.constant 16 : index
      %swap3A_144 = tpu.vector_load %arg8[%swap3A_142, %swap3A_143] {strides = array<i32>} : memref<1x128xi32, #tpu.memory_space<vmem>>, vector<1x16xi32>,
      %swap3A_145 = vector.shape_cast %swap3A_144 : vector<1x16xi32> to vector<16xi32>
      %swap3A_146 = vector.shape_cast %shift_right_logical3A_140 : vector<16xi32> to vector<1x16xi32>
      tpu.vector_store %arg8[%swap3A_142, %swap3A_143], %swap3A_146 {strides = array<i32>} : memref<1x128xi32, #tpu.memory_space<vmem>>, vector<1x16xi32>,
      %get3A_147 = arith.index_cast %add3A_20 : i32 to index
      %get3A_148 = arith.constant 32 : index
      %get3A_149 = tpu.vector_load %arg5[%get3A_147, %get3A_148] {strides = array<i32>} : memref<80x128xi32, #tpu.memory_space<vmem>>, vector<1x16xi32>,
      %get3A_150 = vector.shape_cast %get3A_149 : vector<1x16xi32> to vector<16xi32>
      %shift_right_logical3A_151 = arith.constant 16 : i32
      %shift_right_logical3A_152 = vector.broadcast %shift_right_logical3A_151 : i32 to vector<16xi32>
      %shift_right_logical3A_153 = arith.shrui %get3A_150, %shift_right_logical3A_152 : vector<16xi32>
      %swap3A_154 = arith.constant 0 : i32
      %swap3A_155 = arith.index_cast %swap3A_154 : i32 to index
      %swap3A_156 = arith.constant 32 : index
      %swap3A_157 = tpu.vector_load %arg8[%swap3A_155, %swap3A_156] {strides = array<i32>} : memref<1x128xi32, #tpu.memory_space<vmem>>, vector<1x16xi32>,
      %swap3A_158 = vector.shape_cast %swap3A_157 : vector<1x16xi32> to vector<16xi32>
      %swap3A_159 = vector.shape_cast %shift_right_logical3A_153 : vector<16xi32> to vector<1x16xi32>
      tpu.vector_store %arg8[%swap3A_155, %swap3A_156], %swap3A_159 {strides = array<i32>} : memref<1x128xi32, #tpu.memory_space<vmem>>, vector<1x16xi32>,
      %get3A_160 = arith.index_cast %add3A_20 : i32 to index
      %get3A_161 = arith.constant 48 : index
      %get3A_162 = tpu.vector_load %arg5[%get3A_160, %get3A_161] {strides = array<i32>} : memref<80x128xi32, #tpu.memory_space<vmem>>, vector<1x16xi32>,
      %get3A_163 = vector.shape_cast %get3A_162 : vector<1x16xi32> to vector<16xi32>
      %shift_right_logical3A_164 = arith.constant 16 : i32
      %shift_right_logical3A_165 = vector.broadcast %shift_right_logical3A_164 : i32 to vector<16xi32>
      %shift_right_logical3A_166 = arith.shrui %get3A_163, %shift_right_logical3A_165 : vector<16xi32>
      %swap3A_167 = arith.constant 0 : i32
      %swap3A_168 = arith.index_cast %swap3A_167 : i32 to index
      %swap3A_169 = arith.constant 48 : index
      %swap3A_170 = tpu.vector_load %arg8[%swap3A_168, %swap3A_169] {strides = array<i32>} : memref<1x128xi32, #tpu.memory_space<vmem>>, vector<1x16xi32>,
      %swap3A_171 = vector.shape_cast %swap3A_170 : vector<1x16xi32> to vector<16xi32>
      %swap3A_172 = vector.shape_cast %shift_right_logical3A_166 : vector<16xi32> to vector<1x16xi32>
      tpu.vector_store %arg8[%swap3A_168, %swap3A_169], %swap3A_172 {strides = array<i32>} : memref<1x128xi32, #tpu.memory_space<vmem>>, vector<1x16xi32>,
      %get3A_173 = arith.index_cast %add3A_20 : i32 to index
      %get3A_174 = arith.constant 64 : index
      %get3A_175 = tpu.vector_load %arg5[%get3A_173, %get3A_174] {strides = array<i32>} : memref<80x128xi32, #tpu.memory_space<vmem>>, vector<1x16xi32>,
      %get3A_176 = vector.shape_cast %get3A_175 : vector<1x16xi32> to vector<16xi32>
      %shift_right_logical3A_177 = arith.constant 16 : i32
      %shift_right_logical3A_178 = vector.broadcast %shift_right_logical3A_177 : i32 to vector<16xi32>
      %shift_right_logical3A_179 = arith.shrui %get3A_176, %shift_right_logical3A_178 : vector<16xi32>
      %swap3A_180 = arith.constant 0 : i32
      %swap3A_181 = arith.index_cast %swap3A_180 : i32 to index
      %swap3A_182 = arith.constant 64 : index
      %swap3A_183 = tpu.vector_load %arg8[%swap3A_181, %swap3A_182] {strides = array<i32>} : memref<1x128xi32, #tpu.memory_space<vmem>>, vector<1x16xi32>,
      %swap3A_184 = vector.shape_cast %swap3A_183 : vector<1x16xi32> to vector<16xi32>
      %swap3A_185 = vector.shape_cast %shift_right_logical3A_179 : vector<16xi32> to vector<1x16xi32>
      tpu.vector_store %arg8[%swap3A_181, %swap3A_182], %swap3A_185 {strides = array<i32>} : memref<1x128xi32, #tpu.memory_space<vmem>>, vector<1x16xi32>,
      %get3A_186 = arith.index_cast %add3A_20 : i32 to index
      %get3A_187 = arith.constant 80 : index
      %get3A_188 = tpu.vector_load %arg5[%get3A_186, %get3A_187] {strides = array<i32>} : memref<80x128xi32, #tpu.memory_space<vmem>>, vector<1x16xi32>,
      %get3A_189 = vector.shape_cast %get3A_188 : vector<1x16xi32> to vector<16xi32>
      %shift_right_logical3A_190 = arith.constant 16 : i32
      %shift_right_logical3A_191 = vector.broadcast %shift_right_logical3A_190 : i32 to vector<16xi32>
      %shift_right_logical3A_192 = arith.shrui %get3A_189, %shift_right_logical3A_191 : vector<16xi32>
      %swap3A_193 = arith.constant 0 : i32
      %swap3A_194 = arith.index_cast %swap3A_193 : i32 to index
      %swap3A_195 = arith.constant 80 : index
      %swap3A_196 = tpu.vector_load %arg8[%swap3A_194, %swap3A_195] {strides = array<i32>} : memref<1x128xi32, #tpu.memory_space<vmem>>, vector<1x16xi32>,
      %swap3A_197 = vector.shape_cast %swap3A_196 : vector<1x16xi32> to vector<16xi32>
      %swap3A_198 = vector.shape_cast %shift_right_logical3A_192 : vector<16xi32> to vector<1x16xi32>
      tpu.vector_store %arg8[%swap3A_194, %swap3A_195], %swap3A_198 {strides = array<i32>} : memref<1x128xi32, #tpu.memory_space<vmem>>, vector<1x16xi32>,
      %get3A_199 = arith.index_cast %add3A_20 : i32 to index
      %get3A_200 = arith.constant 96 : index
      %get3A_201 = tpu.vector_load %arg5[%get3A_199, %get3A_200] {strides = array<i32>} : memref<80x128xi32, #tpu.memory_space<vmem>>, vector<1x16xi32>,
      %get3A_202 = vector.shape_cast %get3A_201 : vector<1x16xi32> to vector<16xi32>
      %shift_right_logical3A_203 = arith.constant 16 : i32
      %shift_right_logical3A_204 = vector.broadcast %shift_right_logical3A_203 : i32 to vector<16xi32>
      %shift_right_logical3A_205 = arith.shrui %get3A_202, %shift_right_logical3A_204 : vector<16xi32>
      %swap3A_206 = arith.constant 0 : i32
      %swap3A_207 = arith.index_cast %swap3A_206 : i32 to index
      %swap3A_208 = arith.constant 96 : index
      %swap3A_209 = tpu.vector_load %arg8[%swap3A_207, %swap3A_208] {strides = array<i32>} : memref<1x128xi32, #tpu.memory_space<vmem>>, vector<1x16xi32>,
      %swap3A_210 = vector.shape_cast %swap3A_209 : vector<1x16xi32> to vector<16xi32>
      %swap3A_211 = vector.shape_cast %shift_right_logical3A_205 : vector<16xi32> to vector<1x16xi32>
      tpu.vector_store %arg8[%swap3A_207, %swap3A_208], %swap3A_211 {strides = array<i32>} : memref<1x128xi32, #tpu.memory_space<vmem>>, vector<1x16xi32>,
      %get3A_212 = arith.index_cast %add3A_20 : i32 to index
      %get3A_213 = arith.constant 112 : index
      %get3A_214 = tpu.vector_load %arg5[%get3A_212, %get3A_213] {strides = array<i32>} : memref<80x128xi32, #tpu.memory_space<vmem>>, vector<1x16xi32>,
      %get3A_215 = vector.shape_cast %get3A_214 : vector<1x16xi32> to vector<16xi32>
      %shift_right_logical3A_216 = arith.constant 16 : i32
      %shift_right_logical3A_217 = vector.broadcast %shift_right_logical3A_216 : i32 to vector<16xi32>
      %shift_right_logical3A_218 = arith.shrui %get3A_215, %shift_right_logical3A_217 : vector<16xi32>
      %swap3A_219 = arith.constant 0 : i32
      %swap3A_220 = arith.index_cast %swap3A_219 : i32 to index
      %swap3A_221 = arith.constant 112 : index
      %swap3A_222 = tpu.vector_load %arg8[%swap3A_220, %swap3A_221] {strides = array<i32>} : memref<1x128xi32, #tpu.memory_space<vmem>>, vector<1x16xi32>,
      %swap3A_223 = vector.shape_cast %swap3A_222 : vector<1x16xi32> to vector<16xi32>
      %swap3A_224 = vector.shape_cast %shift_right_logical3A_218 : vector<16xi32> to vector<1x16xi32>
      tpu.vector_store %arg8[%swap3A_220, %swap3A_221], %swap3A_224 {strides = array<i32>} : memref<1x128xi32, #tpu.memory_space<vmem>>, vector<1x16xi32>,
      %run_scoped3A_225 = arith.constant 0 : i32
      "tpu.region"() ({
        %run_scoped3A_440 = tpu.sem_alloc : memref<!tpu.dma_semaphore, #tpu.memory_space<semaphore_mem>>
        %dma_start3A = arith.constant 0 : i32
        %dma_start3A_441 = tpu.memref_slice %arg8[%run_scoped3A_225, %dma_start3A] : memref<1x128xi32, #tpu.memory_space<vmem>> -> memref<1x128xi32, #tpu.memory_space<vmem>>
        %dma_start3A_442 = tpu.memref_squeeze %dma_start3A_441 : memref<1x128xi32, #tpu.memory_space<vmem>> -> memref<128xi32, #tpu.memory_space<vmem>>
        %dma_start3A_443 = arith.constant 0 : i32
        %dma_start3A_444 = arith.constant 0 : i32
        %dma_start3A_445 = tpu.memref_slice %arg12[%dma_start3A_443, %dma_start3A_444] : memref<10240x128xf32, #tpu.memory_space<vmem_shared>> -> memref<10240x128xf32, #tpu.memory_space<vmem_shared>>
        tpu.enqueue_indirect_dma source(%arg10 : memref<128x128xf32, #tpu.memory_space<vmem>>) target(%dma_start3A_445 : memref<10240x128xf32, #tpu.memory_space<vmem_shared>>) offsets(%dma_start3A_442 : memref<128xi32, #tpu.memory_space<vmem>>) semaphore(%run_scoped3A_440 : memref<!tpu.dma_semaphore, #tpu.memory_space<semaphore_mem>>) {add = true}
        %dma_wait3A = arith.constant 0 : i32
        %dma_wait3A_446 = tpu.memref_slice %arg8[%run_scoped3A_225, %dma_wait3A] : memref<1x128xi32, #tpu.memory_space<vmem>> -> memref<1x128xi32, #tpu.memory_space<vmem>>
        %dma_wait3A_447 = tpu.memref_squeeze %dma_wait3A_446 : memref<1x128xi32, #tpu.memory_space<vmem>> -> memref<128xi32, #tpu.memory_space<vmem>>
        %dma_wait3A_448 = arith.constant 0 : i32
        %dma_wait3A_449 = arith.constant 0 : i32
        %dma_wait3A_450 = tpu.memref_slice %arg12[%dma_wait3A_448, %dma_wait3A_449] : memref<10240x128xf32, #tpu.memory_space<vmem_shared>> -> memref<10240x128xf32, #tpu.memory_space<vmem_shared>>
        tpu.wait_indirect_dma semaphore(%run_scoped3A_440 : memref<!tpu.dma_semaphore, #tpu.memory_space<semaphore_mem>>) src(%arg10 : memref<128x128xf32, #tpu.memory_space<vmem>>) dst(%dma_wait3A_450 : memref<10240x128xf32, #tpu.memory_space<vmem_shared>>)
        tpu.yield
      }) : () -> ()
      %add3A_226 = arith.constant 1 : i32
      %add3A_227 = arith.addi %add3A_20, %add3A_226 : i32
      %get3A_228 = arith.index_cast %add3A_227 : i32 to index
      %get3A_229 = arith.constant 0 : index
      %get3A_230 = tpu.vector_load %arg5[%get3A_228, %get3A_229] {strides = array<i32>} : memref<80x128xi32, #tpu.memory_space<vmem>>, vector<1x16xi32>,
      %get3A_231 = vector.shape_cast %get3A_230 : vector<1x16xi32> to vector<16xi32>
      %and3A_232 = arith.constant 65535 : i32
      %and3A_233 = vector.broadcast %and3A_232 : i32 to vector<16xi32>
      %and3A_234 = arith.andi %get3A_231, %and3A_233 : vector<16xi32>
      %swap3A_235 = arith.constant 0 : i32
      %swap3A_236 = arith.index_cast %swap3A_235 : i32 to index
      %swap3A_237 = arith.constant 0 : index
      %swap3A_238 = tpu.vector_load %arg7[%swap3A_236, %swap3A_237] {strides = array<i32>} : memref<1x128xi32, #tpu.memory_space<vmem>>, vector<1x16xi32>,
      %swap3A_239 = vector.shape_cast %swap3A_238 : vector<1x16xi32> to vector<16xi32>
      %swap3A_240 = vector.shape_cast %and3A_234 : vector<16xi32> to vector<1x16xi32>
      tpu.vector_store %arg7[%swap3A_236, %swap3A_237], %swap3A_240 {strides = array<i32>} : memref<1x128xi32, #tpu.memory_space<vmem>>, vector<1x16xi32>,
      %get3A_241 = arith.index_cast %add3A_227 : i32 to index
      %get3A_242 = arith.constant 16 : index
      %get3A_243 = tpu.vector_load %arg5[%get3A_241, %get3A_242] {strides = array<i32>} : memref<80x128xi32, #tpu.memory_space<vmem>>, vector<1x16xi32>,
      %get3A_244 = vector.shape_cast %get3A_243 : vector<1x16xi32> to vector<16xi32>
      %and3A_245 = arith.constant 65535 : i32
      %and3A_246 = vector.broadcast %and3A_245 : i32 to vector<16xi32>
      %and3A_247 = arith.andi %get3A_244, %and3A_246 : vector<16xi32>
      %swap3A_248 = arith.constant 0 : i32
      %swap3A_249 = arith.index_cast %swap3A_248 : i32 to index
      %swap3A_250 = arith.constant 16 : index
      %swap3A_251 = tpu.vector_load %arg7[%swap3A_249, %swap3A_250] {strides = array<i32>} : memref<1x128xi32, #tpu.memory_space<vmem>>, vector<1x16xi32>,
      %swap3A_252 = vector.shape_cast %swap3A_251 : vector<1x16xi32> to vector<16xi32>
      %swap3A_253 = vector.shape_cast %and3A_247 : vector<16xi32> to vector<1x16xi32>
      tpu.vector_store %arg7[%swap3A_249, %swap3A_250], %swap3A_253 {strides = array<i32>} : memref<1x128xi32, #tpu.memory_space<vmem>>, vector<1x16xi32>,
      %get3A_254 = arith.index_cast %add3A_227 : i32 to index
      %get3A_255 = arith.constant 32 : index
      %get3A_256 = tpu.vector_load %arg5[%get3A_254, %get3A_255] {strides = array<i32>} : memref<80x128xi32, #tpu.memory_space<vmem>>, vector<1x16xi32>,
      %get3A_257 = vector.shape_cast %get3A_256 : vector<1x16xi32> to vector<16xi32>
      %and3A_258 = arith.constant 65535 : i32
      %and3A_259 = vector.broadcast %and3A_258 : i32 to vector<16xi32>
      %and3A_260 = arith.andi %get3A_257, %and3A_259 : vector<16xi32>
      %swap3A_261 = arith.constant 0 : i32
      %swap3A_262 = arith.index_cast %swap3A_261 : i32 to index
      %swap3A_263 = arith.constant 32 : index
      %swap3A_264 = tpu.vector_load %arg7[%swap3A_262, %swap3A_263] {strides = array<i32>} : memref<1x128xi32, #tpu.memory_space<vmem>>, vector<1x16xi32>,
      %swap3A_265 = vector.shape_cast %swap3A_264 : vector<1x16xi32> to vector<16xi32>
      %swap3A_266 = vector.shape_cast %and3A_260 : vector<16xi32> to vector<1x16xi32>
      tpu.vector_store %arg7[%swap3A_262, %swap3A_263], %swap3A_266 {strides = array<i32>} : memref<1x128xi32, #tpu.memory_space<vmem>>, vector<1x16xi32>,
      %get3A_267 = arith.index_cast %add3A_227 : i32 to index
      %get3A_268 = arith.constant 48 : index
      %get3A_269 = tpu.vector_load %arg5[%get3A_267, %get3A_268] {strides = array<i32>} : memref<80x128xi32, #tpu.memory_space<vmem>>, vector<1x16xi32>,
      %get3A_270 = vector.shape_cast %get3A_269 : vector<1x16xi32> to vector<16xi32>
      %and3A_271 = arith.constant 65535 : i32
      %and3A_272 = vector.broadcast %and3A_271 : i32 to vector<16xi32>
      %and3A_273 = arith.andi %get3A_270, %and3A_272 : vector<16xi32>
      %swap3A_274 = arith.constant 0 : i32
      %swap3A_275 = arith.index_cast %swap3A_274 : i32 to index
      %swap3A_276 = arith.constant 48 : index
      %swap3A_277 = tpu.vector_load %arg7[%swap3A_275, %swap3A_276] {strides = array<i32>} : memref<1x128xi32, #tpu.memory_space<vmem>>, vector<1x16xi32>,
      %swap3A_278 = vector.shape_cast %swap3A_277 : vector<1x16xi32> to vector<16xi32>
      %swap3A_279 = vector.shape_cast %and3A_273 : vector<16xi32> to vector<1x16xi32>
      tpu.vector_store %arg7[%swap3A_275, %swap3A_276], %swap3A_279 {strides = array<i32>} : memref<1x128xi32, #tpu.memory_space<vmem>>, vector<1x16xi32>,
      %get3A_280 = arith.index_cast %add3A_227 : i32 to index
      %get3A_281 = arith.constant 64 : index
      %get3A_282 = tpu.vector_load %arg5[%get3A_280, %get3A_281] {strides = array<i32>} : memref<80x128xi32, #tpu.memory_space<vmem>>, vector<1x16xi32>,
      %get3A_283 = vector.shape_cast %get3A_282 : vector<1x16xi32> to vector<16xi32>
      %and3A_284 = arith.constant 65535 : i32
      %and3A_285 = vector.broadcast %and3A_284 : i32 to vector<16xi32>
      %and3A_286 = arith.andi %get3A_283, %and3A_285 : vector<16xi32>
      %swap3A_287 = arith.constant 0 : i32
      %swap3A_288 = arith.index_cast %swap3A_287 : i32 to index
      %swap3A_289 = arith.constant 64 : index
      %swap3A_290 = tpu.vector_load %arg7[%swap3A_288, %swap3A_289] {strides = array<i32>} : memref<1x128xi32, #tpu.memory_space<vmem>>, vector<1x16xi32>,
      %swap3A_291 = vector.shape_cast %swap3A_290 : vector<1x16xi32> to vector<16xi32>
      %swap3A_292 = vector.shape_cast %and3A_286 : vector<16xi32> to vector<1x16xi32>
      tpu.vector_store %arg7[%swap3A_288, %swap3A_289], %swap3A_292 {strides = array<i32>} : memref<1x128xi32, #tpu.memory_space<vmem>>, vector<1x16xi32>,
      %get3A_293 = arith.index_cast %add3A_227 : i32 to index
      %get3A_294 = arith.constant 80 : index
      %get3A_295 = tpu.vector_load %arg5[%get3A_293, %get3A_294] {strides = array<i32>} : memref<80x128xi32, #tpu.memory_space<vmem>>, vector<1x16xi32>,
      %get3A_296 = vector.shape_cast %get3A_295 : vector<1x16xi32> to vector<16xi32>
      %and3A_297 = arith.constant 65535 : i32
      %and3A_298 = vector.broadcast %and3A_297 : i32 to vector<16xi32>
      %and3A_299 = arith.andi %get3A_296, %and3A_298 : vector<16xi32>
      %swap3A_300 = arith.constant 0 : i32
      %swap3A_301 = arith.index_cast %swap3A_300 : i32 to index
      %swap3A_302 = arith.constant 80 : index
      %swap3A_303 = tpu.vector_load %arg7[%swap3A_301, %swap3A_302] {strides = array<i32>} : memref<1x128xi32, #tpu.memory_space<vmem>>, vector<1x16xi32>,
      %swap3A_304 = vector.shape_cast %swap3A_303 : vector<1x16xi32> to vector<16xi32>
      %swap3A_305 = vector.shape_cast %and3A_299 : vector<16xi32> to vector<1x16xi32>
      tpu.vector_store %arg7[%swap3A_301, %swap3A_302], %swap3A_305 {strides = array<i32>} : memref<1x128xi32, #tpu.memory_space<vmem>>, vector<1x16xi32>,
      %get3A_306 = arith.index_cast %add3A_227 : i32 to index
      %get3A_307 = arith.constant 96 : index
      %get3A_308 = tpu.vector_load %arg5[%get3A_306, %get3A_307] {strides = array<i32>} : memref<80x128xi32, #tpu.memory_space<vmem>>, vector<1x16xi32>,
      %get3A_309 = vector.shape_cast %get3A_308 : vector<1x16xi32> to vector<16xi32>
      %and3A_310 = arith.constant 65535 : i32
      %and3A_311 = vector.broadcast %and3A_310 : i32 to vector<16xi32>
      %and3A_312 = arith.andi %get3A_309, %and3A_311 : vector<16xi32>
      %swap3A_313 = arith.constant 0 : i32
      %swap3A_314 = arith.index_cast %swap3A_313 : i32 to index
      %swap3A_315 = arith.constant 96 : index
      %swap3A_316 = tpu.vector_load %arg7[%swap3A_314, %swap3A_315] {strides = array<i32>} : memref<1x128xi32, #tpu.memory_space<vmem>>, vector<1x16xi32>,
      %swap3A_317 = vector.shape_cast %swap3A_316 : vector<1x16xi32> to vector<16xi32>
      %swap3A_318 = vector.shape_cast %and3A_312 : vector<16xi32> to vector<1x16xi32>
      tpu.vector_store %arg7[%swap3A_314, %swap3A_315], %swap3A_318 {strides = array<i32>} : memref<1x128xi32, #tpu.memory_space<vmem>>, vector<1x16xi32>,
      %get3A_319 = arith.index_cast %add3A_227 : i32 to index
      %get3A_320 = arith.constant 112 : index
      %get3A_321 = tpu.vector_load %arg5[%get3A_319, %get3A_320] {strides = array<i32>} : memref<80x128xi32, #tpu.memory_space<vmem>>, vector<1x16xi32>,
      %get3A_322 = vector.shape_cast %get3A_321 : vector<1x16xi32> to vector<16xi32>
      %and3A_323 = arith.constant 65535 : i32
      %and3A_324 = vector.broadcast %and3A_323 : i32 to vector<16xi32>
      %and3A_325 = arith.andi %get3A_322, %and3A_324 : vector<16xi32>
      %swap3A_326 = arith.constant 0 : i32
      %swap3A_327 = arith.index_cast %swap3A_326 : i32 to index
      %swap3A_328 = arith.constant 112 : index
      %swap3A_329 = tpu.vector_load %arg7[%swap3A_327, %swap3A_328] {strides = array<i32>} : memref<1x128xi32, #tpu.memory_space<vmem>>, vector<1x16xi32>,
      %swap3A_330 = vector.shape_cast %swap3A_329 : vector<1x16xi32> to vector<16xi32>
      %swap3A_331 = vector.shape_cast %and3A_325 : vector<16xi32> to vector<1x16xi32>
      tpu.vector_store %arg7[%swap3A_327, %swap3A_328], %swap3A_331 {strides = array<i32>} : memref<1x128xi32, #tpu.memory_space<vmem>>, vector<1x16xi32>,
      %run_scoped3A_332 = arith.constant 0 : i32
      "tpu.region"() ({
        %run_scoped3A_440 = tpu.sem_alloc : memref<!tpu.dma_semaphore, #tpu.memory_space<semaphore_mem>>
        %dma_start3A = arith.constant 0 : i32
        %dma_start3A_441 = tpu.memref_slice %arg7[%run_scoped3A_332, %dma_start3A] : memref<1x128xi32, #tpu.memory_space<vmem>> -> memref<1x128xi32, #tpu.memory_space<vmem>>
        %dma_start3A_442 = tpu.memref_squeeze %dma_start3A_441 : memref<1x128xi32, #tpu.memory_space<vmem>> -> memref<128xi32, #tpu.memory_space<vmem>>
        %dma_start3A_443 = arith.constant 0 : i32
        %dma_start3A_444 = arith.constant 0 : i32
        %dma_start3A_445 = tpu.memref_slice %arg2[%dma_start3A_443, %dma_start3A_444] : memref<10240x128xf32, #tpu.memory_space<hbm>> -> memref<10240x128xf32, #tpu.memory_space<hbm>>
        tpu.enqueue_indirect_dma source(%dma_start3A_445 : memref<10240x128xf32, #tpu.memory_space<hbm>>) target(%arg11 : memref<128x128xf32, #tpu.memory_space<vmem>>) offsets(%dma_start3A_442 : memref<128xi32, #tpu.memory_space<vmem>>) semaphore(%run_scoped3A_440 : memref<!tpu.dma_semaphore, #tpu.memory_space<semaphore_mem>>)
        %dma_wait3A = arith.constant 0 : i32
        %dma_wait3A_446 = tpu.memref_slice %arg7[%run_scoped3A_332, %dma_wait3A] : memref<1x128xi32, #tpu.memory_space<vmem>> -> memref<1x128xi32, #tpu.memory_space<vmem>>
        %dma_wait3A_447 = tpu.memref_squeeze %dma_wait3A_446 : memref<1x128xi32, #tpu.memory_space<vmem>> -> memref<128xi32, #tpu.memory_space<vmem>>
        %dma_wait3A_448 = arith.constant 0 : i32
        %dma_wait3A_449 = arith.constant 0 : i32
        %dma_wait3A_450 = tpu.memref_slice %arg2[%dma_wait3A_448, %dma_wait3A_449] : memref<10240x128xf32, #tpu.memory_space<hbm>> -> memref<10240x128xf32, #tpu.memory_space<hbm>>
        tpu.wait_indirect_dma semaphore(%run_scoped3A_440 : memref<!tpu.dma_semaphore, #tpu.memory_space<semaphore_mem>>) src(%dma_wait3A_450 : memref<10240x128xf32, #tpu.memory_space<hbm>>) dst(%arg11 : memref<128x128xf32, #tpu.memory_space<vmem>>)
        tpu.yield
      }) : () -> ()
      %add3A_333 = arith.constant 1 : i32
      %add3A_334 = arith.addi %add3A_20, %add3A_333 : i32
      %get3A_335 = arith.index_cast %add3A_334 : i32 to index
      %get3A_336 = arith.constant 0 : index
      %get3A_337 = tpu.vector_load %arg5[%get3A_335, %get3A_336] {strides = array<i32>} : memref<80x128xi32, #tpu.memory_space<vmem>>, vector<1x16xi32>,
      %get3A_338 = vector.shape_cast %get3A_337 : vector<1x16xi32> to vector<16xi32>
      %shift_right_logical3A_339 = arith.constant 16 : i32
      %shift_right_logical3A_340 = vector.broadcast %shift_right_logical3A_339 : i32 to vector<16xi32>
      %shift_right_logical3A_341 = arith.shrui %get3A_338, %shift_right_logical3A_340 : vector<16xi32>
      %swap3A_342 = arith.constant 0 : i32
      %swap3A_343 = arith.index_cast %swap3A_342 : i32 to index
      %swap3A_344 = arith.constant 0 : index
      %swap3A_345 = tpu.vector_load %arg9[%swap3A_343, %swap3A_344] {strides = array<i32>} : memref<1x128xi32, #tpu.memory_space<vmem>>, vector<1x16xi32>,
      %swap3A_346 = vector.shape_cast %swap3A_345 : vector<1x16xi32> to vector<16xi32>
      %swap3A_347 = vector.shape_cast %shift_right_logical3A_341 : vector<16xi32> to vector<1x16xi32>
      tpu.vector_store %arg9[%swap3A_343, %swap3A_344], %swap3A_347 {strides = array<i32>} : memref<1x128xi32, #tpu.memory_space<vmem>>, vector<1x16xi32>,
      %get3A_348 = arith.index_cast %add3A_334 : i32 to index
      %get3A_349 = arith.constant 16 : index
      %get3A_350 = tpu.vector_load %arg5[%get3A_348, %get3A_349] {strides = array<i32>} : memref<80x128xi32, #tpu.memory_space<vmem>>, vector<1x16xi32>,
      %get3A_351 = vector.shape_cast %get3A_350 : vector<1x16xi32> to vector<16xi32>
      %shift_right_logical3A_352 = arith.constant 16 : i32
      %shift_right_logical3A_353 = vector.broadcast %shift_right_logical3A_352 : i32 to vector<16xi32>
      %shift_right_logical3A_354 = arith.shrui %get3A_351, %shift_right_logical3A_353 : vector<16xi32>
      %swap3A_355 = arith.constant 0 : i32
      %swap3A_356 = arith.index_cast %swap3A_355 : i32 to index
      %swap3A_357 = arith.constant 16 : index
      %swap3A_358 = tpu.vector_load %arg9[%swap3A_356, %swap3A_357] {strides = array<i32>} : memref<1x128xi32, #tpu.memory_space<vmem>>, vector<1x16xi32>,
      %swap3A_359 = vector.shape_cast %swap3A_358 : vector<1x16xi32> to vector<16xi32>
      %swap3A_360 = vector.shape_cast %shift_right_logical3A_354 : vector<16xi32> to vector<1x16xi32>
      tpu.vector_store %arg9[%swap3A_356, %swap3A_357], %swap3A_360 {strides = array<i32>} : memref<1x128xi32, #tpu.memory_space<vmem>>, vector<1x16xi32>,
      %get3A_361 = arith.index_cast %add3A_334 : i32 to index
      %get3A_362 = arith.constant 32 : index
      %get3A_363 = tpu.vector_load %arg5[%get3A_361, %get3A_362] {strides = array<i32>} : memref<80x128xi32, #tpu.memory_space<vmem>>, vector<1x16xi32>,
      %get3A_364 = vector.shape_cast %get3A_363 : vector<1x16xi32> to vector<16xi32>
      %shift_right_logical3A_365 = arith.constant 16 : i32
      %shift_right_logical3A_366 = vector.broadcast %shift_right_logical3A_365 : i32 to vector<16xi32>
      %shift_right_logical3A_367 = arith.shrui %get3A_364, %shift_right_logical3A_366 : vector<16xi32>
      %swap3A_368 = arith.constant 0 : i32
      %swap3A_369 = arith.index_cast %swap3A_368 : i32 to index
      %swap3A_370 = arith.constant 32 : index
      %swap3A_371 = tpu.vector_load %arg9[%swap3A_369, %swap3A_370] {strides = array<i32>} : memref<1x128xi32, #tpu.memory_space<vmem>>, vector<1x16xi32>,
      %swap3A_372 = vector.shape_cast %swap3A_371 : vector<1x16xi32> to vector<16xi32>
      %swap3A_373 = vector.shape_cast %shift_right_logical3A_367 : vector<16xi32> to vector<1x16xi32>
      tpu.vector_store %arg9[%swap3A_369, %swap3A_370], %swap3A_373 {strides = array<i32>} : memref<1x128xi32, #tpu.memory_space<vmem>>, vector<1x16xi32>,
      %get3A_374 = arith.index_cast %add3A_334 : i32 to index
      %get3A_375 = arith.constant 48 : index
      %get3A_376 = tpu.vector_load %arg5[%get3A_374, %get3A_375] {strides = array<i32>} : memref<80x128xi32, #tpu.memory_space<vmem>>, vector<1x16xi32>,
      %get3A_377 = vector.shape_cast %get3A_376 : vector<1x16xi32> to vector<16xi32>
      %shift_right_logical3A_378 = arith.constant 16 : i32
      %shift_right_logical3A_379 = vector.broadcast %shift_right_logical3A_378 : i32 to vector<16xi32>
      %shift_right_logical3A_380 = arith.shrui %get3A_377, %shift_right_logical3A_379 : vector<16xi32>
      %swap3A_381 = arith.constant 0 : i32
      %swap3A_382 = arith.index_cast %swap3A_381 : i32 to index
      %swap3A_383 = arith.constant 48 : index
      %swap3A_384 = tpu.vector_load %arg9[%swap3A_382, %swap3A_383] {strides = array<i32>} : memref<1x128xi32, #tpu.memory_space<vmem>>, vector<1x16xi32>,
      %swap3A_385 = vector.shape_cast %swap3A_384 : vector<1x16xi32> to vector<16xi32>
      %swap3A_386 = vector.shape_cast %shift_right_logical3A_380 : vector<16xi32> to vector<1x16xi32>
      tpu.vector_store %arg9[%swap3A_382, %swap3A_383], %swap3A_386 {strides = array<i32>} : memref<1x128xi32, #tpu.memory_space<vmem>>, vector<1x16xi32>,
      %get3A_387 = arith.index_cast %add3A_334 : i32 to index
      %get3A_388 = arith.constant 64 : index
      %get3A_389 = tpu.vector_load %arg5[%get3A_387, %get3A_388] {strides = array<i32>} : memref<80x128xi32, #tpu.memory_space<vmem>>, vector<1x16xi32>,
      %get3A_390 = vector.shape_cast %get3A_389 : vector<1x16xi32> to vector<16xi32>
      %shift_right_logical3A_391 = arith.constant 16 : i32
      %shift_right_logical3A_392 = vector.broadcast %shift_right_logical3A_391 : i32 to vector<16xi32>
      %shift_right_logical3A_393 = arith.shrui %get3A_390, %shift_right_logical3A_392 : vector<16xi32>
      %swap3A_394 = arith.constant 0 : i32
      %swap3A_395 = arith.index_cast %swap3A_394 : i32 to index
      %swap3A_396 = arith.constant 64 : index
      %swap3A_397 = tpu.vector_load %arg9[%swap3A_395, %swap3A_396] {strides = array<i32>} : memref<1x128xi32, #tpu.memory_space<vmem>>, vector<1x16xi32>,
      %swap3A_398 = vector.shape_cast %swap3A_397 : vector<1x16xi32> to vector<16xi32>
      %swap3A_399 = vector.shape_cast %shift_right_logical3A_393 : vector<16xi32> to vector<1x16xi32>
      tpu.vector_store %arg9[%swap3A_395, %swap3A_396], %swap3A_399 {strides = array<i32>} : memref<1x128xi32, #tpu.memory_space<vmem>>, vector<1x16xi32>,
      %get3A_400 = arith.index_cast %add3A_334 : i32 to index
      %get3A_401 = arith.constant 80 : index
      %get3A_402 = tpu.vector_load %arg5[%get3A_400, %get3A_401] {strides = array<i32>} : memref<80x128xi32, #tpu.memory_space<vmem>>, vector<1x16xi32>,
      %get3A_403 = vector.shape_cast %get3A_402 : vector<1x16xi32> to vector<16xi32>
      %shift_right_logical3A_404 = arith.constant 16 : i32
      %shift_right_logical3A_405 = vector.broadcast %shift_right_logical3A_404 : i32 to vector<16xi32>
      %shift_right_logical3A_406 = arith.shrui %get3A_403, %shift_right_logical3A_405 : vector<16xi32>
      %swap3A_407 = arith.constant 0 : i32
      %swap3A_408 = arith.index_cast %swap3A_407 : i32 to index
      %swap3A_409 = arith.constant 80 : index
      %swap3A_410 = tpu.vector_load %arg9[%swap3A_408, %swap3A_409] {strides = array<i32>} : memref<1x128xi32, #tpu.memory_space<vmem>>, vector<1x16xi32>,
      %swap3A_411 = vector.shape_cast %swap3A_410 : vector<1x16xi32> to vector<16xi32>
      %swap3A_412 = vector.shape_cast %shift_right_logical3A_406 : vector<16xi32> to vector<1x16xi32>
      tpu.vector_store %arg9[%swap3A_408, %swap3A_409], %swap3A_412 {strides = array<i32>} : memref<1x128xi32, #tpu.memory_space<vmem>>, vector<1x16xi32>,
      %get3A_413 = arith.index_cast %add3A_334 : i32 to index
      %get3A_414 = arith.constant 96 : index
      %get3A_415 = tpu.vector_load %arg5[%get3A_413, %get3A_414] {strides = array<i32>} : memref<80x128xi32, #tpu.memory_space<vmem>>, vector<1x16xi32>,
      %get3A_416 = vector.shape_cast %get3A_415 : vector<1x16xi32> to vector<16xi32>
      %shift_right_logical3A_417 = arith.constant 16 : i32
      %shift_right_logical3A_418 = vector.broadcast %shift_right_logical3A_417 : i32 to vector<16xi32>
      %shift_right_logical3A_419 = arith.shrui %get3A_416, %shift_right_logical3A_418 : vector<16xi32>
      %swap3A_420 = arith.constant 0 : i32
      %swap3A_421 = arith.index_cast %swap3A_420 : i32 to index
      %swap3A_422 = arith.constant 96 : index
      %swap3A_423 = tpu.vector_load %arg9[%swap3A_421, %swap3A_422] {strides = array<i32>} : memref<1x128xi32, #tpu.memory_space<vmem>>, vector<1x16xi32>,
      %swap3A_424 = vector.shape_cast %swap3A_423 : vector<1x16xi32> to vector<16xi32>
      %swap3A_425 = vector.shape_cast %shift_right_logical3A_419 : vector<16xi32> to vector<1x16xi32>
      tpu.vector_store %arg9[%swap3A_421, %swap3A_422], %swap3A_425 {strides = array<i32>} : memref<1x128xi32, #tpu.memory_space<vmem>>, vector<1x16xi32>,
      %get3A_426 = arith.index_cast %add3A_334 : i32 to index
      %get3A_427 = arith.constant 112 : index
      %get3A_428 = tpu.vector_load %arg5[%get3A_426, %get3A_427] {strides = array<i32>} : memref<80x128xi32, #tpu.memory_space<vmem>>, vector<1x16xi32>,
      %get3A_429 = vector.shape_cast %get3A_428 : vector<1x16xi32> to vector<16xi32>
      %shift_right_logical3A_430 = arith.constant 16 : i32
      %shift_right_logical3A_431 = vector.broadcast %shift_right_logical3A_430 : i32 to vector<16xi32>
      %shift_right_logical3A_432 = arith.shrui %get3A_429, %shift_right_logical3A_431 : vector<16xi32>
      %swap3A_433 = arith.constant 0 : i32
      %swap3A_434 = arith.index_cast %swap3A_433 : i32 to index
      %swap3A_435 = arith.constant 112 : index
      %swap3A_436 = tpu.vector_load %arg9[%swap3A_434, %swap3A_435] {strides = array<i32>} : memref<1x128xi32, #tpu.memory_space<vmem>>, vector<1x16xi32>,
      %swap3A_437 = vector.shape_cast %swap3A_436 : vector<1x16xi32> to vector<16xi32>
      %swap3A_438 = vector.shape_cast %shift_right_logical3A_432 : vector<16xi32> to vector<1x16xi32>
      tpu.vector_store %arg9[%swap3A_434, %swap3A_435], %swap3A_438 {strides = array<i32>} : memref<1x128xi32, #tpu.memory_space<vmem>>, vector<1x16xi32>,
      %run_scoped3A_439 = arith.constant 0 : i32
      "tpu.region"() ({
        %run_scoped3A_440 = tpu.sem_alloc : memref<!tpu.dma_semaphore, #tpu.memory_space<semaphore_mem>>
        %dma_start3A = arith.constant 0 : i32
        %dma_start3A_441 = tpu.memref_slice %arg9[%run_scoped3A_439, %dma_start3A] : memref<1x128xi32, #tpu.memory_space<vmem>> -> memref<1x128xi32, #tpu.memory_space<vmem>>
        %dma_start3A_442 = tpu.memref_squeeze %dma_start3A_441 : memref<1x128xi32, #tpu.memory_space<vmem>> -> memref<128xi32, #tpu.memory_space<vmem>>
        %dma_start3A_443 = arith.constant 0 : i32
        %dma_start3A_444 = arith.constant 0 : i32
        %dma_start3A_445 = tpu.memref_slice %arg12[%dma_start3A_443, %dma_start3A_444] : memref<10240x128xf32, #tpu.memory_space<vmem_shared>> -> memref<10240x128xf32, #tpu.memory_space<vmem_shared>>
        tpu.enqueue_indirect_dma source(%arg11 : memref<128x128xf32, #tpu.memory_space<vmem>>) target(%dma_start3A_445 : memref<10240x128xf32, #tpu.memory_space<vmem_shared>>) offsets(%dma_start3A_442 : memref<128xi32, #tpu.memory_space<vmem>>) semaphore(%run_scoped3A_440 : memref<!tpu.dma_semaphore, #tpu.memory_space<semaphore_mem>>) {add = true}
        %dma_wait3A = arith.constant 0 : i32
        %dma_wait3A_446 = tpu.memref_slice %arg9[%run_scoped3A_439, %dma_wait3A] : memref<1x128xi32, #tpu.memory_space<vmem>> -> memref<1x128xi32, #tpu.memory_space<vmem>>
        %dma_wait3A_447 = tpu.memref_squeeze %dma_wait3A_446 : memref<1x128xi32, #tpu.memory_space<vmem>> -> memref<128xi32, #tpu.memory_space<vmem>>
        %dma_wait3A_448 = arith.constant 0 : i32
        %dma_wait3A_449 = arith.constant 0 : i32
        %dma_wait3A_450 = tpu.memref_slice %arg12[%dma_wait3A_448, %dma_wait3A_449] : memref<10240x128xf32, #tpu.memory_space<vmem_shared>> -> memref<10240x128xf32, #tpu.memory_space<vmem_shared>>
        tpu.wait_indirect_dma semaphore(%run_scoped3A_440 : memref<!tpu.dma_semaphore, #tpu.memory_space<semaphore_mem>>) src(%arg11 : memref<128x128xf32, #tpu.memory_space<vmem>>) dst(%dma_wait3A_450 : memref<10240x128xf32, #tpu.memory_space<vmem_shared>>)
        tpu.yield
      }) : () -> ()
    }
    %scan3A_10 = arith.constant 40 : i32
    %barrier3A_11 = arith.constant 0 : index
    tpu.barrier barrier_id(%barrier3A_11)
    %mul3A_12 = arith.constant 640 : i32
    %mul3A_13 = arith.muli %arg1, %mul3A_12 : i32
    %mul3A_14 = arith.constant 640 : i32
    %mul3A_15 = arith.muli %arg1, %mul3A_14 : i32
    "tpu.region"() ({
      %run_scoped3A = tpu.sem_alloc : memref<!tpu.dma_semaphore, #tpu.memory_space<semaphore_mem>>
      %dma_start3A = arith.constant 0 : i32
      %dma_start3A_16 = tpu.memref_slice %arg4[%arg0, %mul3A_15, %dma_start3A] : memref<2x10240x128xf32, #tpu.memory_space<hbm>> -> memref<1x640x128xf32, #tpu.memory_space<hbm>>
      %dma_start3A_17 = tpu.memref_squeeze %dma_start3A_16 : memref<1x640x128xf32, #tpu.memory_space<hbm>> -> memref<640x128xf32, #tpu.memory_space<hbm>>
      %dma_start3A_18 = arith.constant 0 : i32
      %dma_start3A_19 = tpu.memref_slice %arg12[%mul3A_13, %dma_start3A_18] : memref<10240x128xf32, #tpu.memory_space<vmem_shared>> -> memref<640x128xf32, #tpu.memory_space<vmem_shared>>
      tpu.enqueue_dma source(%dma_start3A_19 : memref<640x128xf32, #tpu.memory_space<vmem_shared>>) target(%dma_start3A_17 : memref<640x128xf32, #tpu.memory_space<hbm>>) target_semaphore(%run_scoped3A : memref<!tpu.dma_semaphore, #tpu.memory_space<semaphore_mem>>)
      %dma_wait3A = arith.constant 0 : i32
      %dma_wait3A_20 = tpu.memref_slice %arg4[%arg0, %mul3A_15, %dma_wait3A] : memref<2x10240x128xf32, #tpu.memory_space<hbm>> -> memref<1x640x128xf32, #tpu.memory_space<hbm>>
      %dma_wait3A_21 = tpu.memref_squeeze %dma_wait3A_20 : memref<1x640x128xf32, #tpu.memory_space<hbm>> -> memref<640x128xf32, #tpu.memory_space<hbm>>
      %dma_wait3A_22 = arith.constant 0 : i32
      %dma_wait3A_23 = tpu.memref_slice %arg12[%mul3A_13, %dma_wait3A_22] : memref<10240x128xf32, #tpu.memory_space<vmem_shared>> -> memref<640x128xf32, #tpu.memory_space<vmem_shared>>
      tpu.wait_dma2 semaphore(%run_scoped3A : memref<!tpu.dma_semaphore, #tpu.memory_space<semaphore_mem>>) src(%dma_wait3A_23 : memref<640x128xf32, #tpu.memory_space<vmem_shared>>) dst(%dma_wait3A_21 : memref<640x128xf32, #tpu.memory_space<hbm>>)
      tpu.yield
    }) : () -> ()
    return
  }
}

#map = affine_map<(d0, d1) -> (0, 0)>
#map1 = affine_map<(d0, d1) -> (0, 0, 0)>
module attributes {stable_mosaic.version = 14 : i64} {
  func.func @k(%arg0: i32, %arg1: i32, %arg2: memref<10240x128xf32, #tpu.memory_space<hbm>>, %arg3: memref<32x80x128xi32, #tpu.memory_space<hbm>>, %arg4: memref<2x10240x128xf32, #tpu.memory_space<hbm>>, %arg5: memref<80x128xi32, #tpu.memory_space<vmem>>, %arg6: memref<1x128xi32, #tpu.memory_space<vmem>>, %arg7: memref<1x128xi32, #tpu.memory_space<vmem>>, %arg8: memref<1x128xi32, #tpu.memory_space<vmem>>, %arg9: memref<1x128xi32, #tpu.memory_space<vmem>>, %arg10: memref<128x128xf32, #tpu.memory_space<vmem>>, %arg11: memref<128x128xf32, #tpu.memory_space<vmem>>, %arg12: memref<10240x128xf32, #tpu.memory_space<vmem_shared>>) attributes {dimension_semantics = [#tpu.dimension_semantics<core_parallel>, #tpu.dimension_semantics<subcore_parallel>], iteration_bounds = array<i64: 2, 16>, scalar_prefetch = 0 : i64, scratch_operands = 8 : i64, tpu.core_type = #tpu.core_type<sc_vector_subcore>, window_params = [{transform_indices = #map}, {transform_indices = #map1}, {transform_indices = #map1}]} {
    %mul3A = arith.constant 16 : i32
    %mul3A_0 = arith.muli %arg0, %mul3A : i32
    %add3A = arith.addi %mul3A_0, %arg1 : i32
    %eq3A = arith.constant 0 : i32
    %eq3A_1 = arith.cmpi eq, %arg0, %eq3A : i32
    %convert_element_type3A = arith.extui %eq3A_1 : i1 to i32
    %cond3A = arith.constant 0 : i32
    %cond3A_2 = arith.cmpi ne, %convert_element_type3A, %cond3A : i32
    scf.if %cond3A_2 {
      %mul3A_16 = arith.constant 640 : i32
      %mul3A_17 = arith.muli %arg1, %mul3A_16 : i32
      %mul3A_18 = arith.constant 640 : i32
      %mul3A_19 = arith.muli %arg1, %mul3A_18 : i32
      "tpu.region"() ({
        %run_scoped3A = tpu.sem_alloc : memref<!tpu.dma_semaphore, #tpu.memory_space<semaphore_mem>>
        %dma_start3A = arith.constant 0 : i32
        %dma_start3A_20 = tpu.memref_slice %arg12[%mul3A_19, %dma_start3A] : memref<10240x128xf32, #tpu.memory_space<vmem_shared>> -> memref<640x128xf32, #tpu.memory_space<vmem_shared>>
        %dma_start3A_21 = arith.constant 0 : i32
        %dma_start3A_22 = tpu.memref_slice %arg2[%mul3A_17, %dma_start3A_21] : memref<10240x128xf32, #tpu.memory_space<hbm>> -> memref<640x128xf32, #tpu.memory_space<hbm>>
        tpu.enqueue_dma source(%dma_start3A_22 : memref<640x128xf32, #tpu.memory_space<hbm>>) target(%dma_start3A_20 : memref<640x128xf32, #tpu.memory_space<vmem_shared>>) target_semaphore(%run_scoped3A : memref<!tpu.dma_semaphore, #tpu.memory_space<semaphore_mem>>)
        %dma_wait3A = arith.constant 0 : i32
        %dma_wait3A_23 = tpu.memref_slice %arg12[%mul3A_19, %dma_wait3A] : memref<10240x128xf32, #tpu.memory_space<vmem_shared>> -> memref<640x128xf32, #tpu.memory_space<vmem_shared>>
        %dma_wait3A_24 = arith.constant 0 : i32
        %dma_wait3A_25 = tpu.memref_slice %arg2[%mul3A_17, %dma_wait3A_24] : memref<10240x128xf32, #tpu.memory_space<hbm>> -> memref<640x128xf32, #tpu.memory_space<hbm>>
        tpu.wait_dma2 semaphore(%run_scoped3A : memref<!tpu.dma_semaphore, #tpu.memory_space<semaphore_mem>>) src(%dma_wait3A_25 : memref<640x128xf32, #tpu.memory_space<hbm>>) dst(%dma_wait3A_23 : memref<640x128xf32, #tpu.memory_space<vmem_shared>>)
        tpu.yield
      }) : () -> ()
    } else {
    }
    %ne3A = arith.constant 0 : i32
    %ne3A_3 = arith.cmpi ne, %arg0, %ne3A : i32
    %convert_element_type3A_4 = arith.extui %ne3A_3 : i1 to i32
    %cond3A_5 = arith.constant 0 : i32
    %cond3A_6 = arith.cmpi ne, %convert_element_type3A_4, %cond3A_5 : i32
    scf.if %cond3A_6 {
      %scan3A_16 = arith.constant 0 : i32
      %scan3A_17 = arith.constant 128 : i32
      %scan3A_18 = arith.addi %scan3A_16, %scan3A_17 : i32
      %scan3A_19 = arith.constant 1 : i32
      scf.for %scan3A_26 = %scan3A_16 to %scan3A_18 step %scan3A_19  : i32 {
        %mul3A_27 = arith.constant 1 : i32
        %mul3A_28 = arith.muli %scan3A_26, %mul3A_27 : i32
        %add3A_29 = arith.constant 0 : i32
        %add3A_30 = arith.addi %add3A_29, %mul3A_28 : i32
        %broadcast_in_dim3A = arith.constant 0.000000e+00 : f32
        %broadcast_in_dim3A_31 = vector.broadcast %broadcast_in_dim3A : f32 to vector<16xf32>
        %swap3A = arith.index_cast %add3A_30 : i32 to index
        %swap3A_32 = arith.constant 0 : index
        %swap3A_33 = tpu.vector_load %arg10[%swap3A, %swap3A_32] {strides = array<i32>} : memref<128x128xf32, #tpu.memory_space<vmem>>, vector<1x16xf32>,
        %swap3A_34 = vector.shape_cast %swap3A_33 : vector<1x16xf32> to vector<16xf32>
        %swap3A_35 = vector.shape_cast %broadcast_in_dim3A_31 : vector<16xf32> to vector<1x16xf32>
        tpu.vector_store %arg10[%swap3A, %swap3A_32], %swap3A_35 {strides = array<i32>} : memref<128x128xf32, #tpu.memory_space<vmem>>, vector<1x16xf32>,
        %broadcast_in_dim3A_36 = arith.constant 0.000000e+00 : f32
        %broadcast_in_dim3A_37 = vector.broadcast %broadcast_in_dim3A_36 : f32 to vector<16xf32>
        %swap3A_38 = arith.index_cast %add3A_30 : i32 to index
        %swap3A_39 = arith.constant 16 : index
        %swap3A_40 = tpu.vector_load %arg10[%swap3A_38, %swap3A_39] {strides = array<i32>} : memref<128x128xf32, #tpu.memory_space<vmem>>, vector<1x16xf32>,
        %swap3A_41 = vector.shape_cast %swap3A_40 : vector<1x16xf32> to vector<16xf32>
        %swap3A_42 = vector.shape_cast %broadcast_in_dim3A_37 : vector<16xf32> to vector<1x16xf32>
        tpu.vector_store %arg10[%swap3A_38, %swap3A_39], %swap3A_42 {strides = array<i32>} : memref<128x128xf32, #tpu.memory_space<vmem>>, vector<1x16xf32>,
        %broadcast_in_dim3A_43 = arith.constant 0.000000e+00 : f32
        %broadcast_in_dim3A_44 = vector.broadcast %broadcast_in_dim3A_43 : f32 to vector<16xf32>
        %swap3A_45 = arith.index_cast %add3A_30 : i32 to index
        %swap3A_46 = arith.constant 32 : index
        %swap3A_47 = tpu.vector_load %arg10[%swap3A_45, %swap3A_46] {strides = array<i32>} : memref<128x128xf32, #tpu.memory_space<vmem>>, vector<1x16xf32>,
        %swap3A_48 = vector.shape_cast %swap3A_47 : vector<1x16xf32> to vector<16xf32>
        %swap3A_49 = vector.shape_cast %broadcast_in_dim3A_44 : vector<16xf32> to vector<1x16xf32>
        tpu.vector_store %arg10[%swap3A_45, %swap3A_46], %swap3A_49 {strides = array<i32>} : memref<128x128xf32, #tpu.memory_space<vmem>>, vector<1x16xf32>,
        %broadcast_in_dim3A_50 = arith.constant 0.000000e+00 : f32
        %broadcast_in_dim3A_51 = vector.broadcast %broadcast_in_dim3A_50 : f32 to vector<16xf32>
        %swap3A_52 = arith.index_cast %add3A_30 : i32 to index
        %swap3A_53 = arith.constant 48 : index
        %swap3A_54 = tpu.vector_load %arg10[%swap3A_52, %swap3A_53] {strides = array<i32>} : memref<128x128xf32, #tpu.memory_space<vmem>>, vector<1x16xf32>,
        %swap3A_55 = vector.shape_cast %swap3A_54 : vector<1x16xf32> to vector<16xf32>
        %swap3A_56 = vector.shape_cast %broadcast_in_dim3A_51 : vector<16xf32> to vector<1x16xf32>
        tpu.vector_store %arg10[%swap3A_52, %swap3A_53], %swap3A_56 {strides = array<i32>} : memref<128x128xf32, #tpu.memory_space<vmem>>, vector<1x16xf32>,
        %broadcast_in_dim3A_57 = arith.constant 0.000000e+00 : f32
        %broadcast_in_dim3A_58 = vector.broadcast %broadcast_in_dim3A_57 : f32 to vector<16xf32>
        %swap3A_59 = arith.index_cast %add3A_30 : i32 to index
        %swap3A_60 = arith.constant 64 : index
        %swap3A_61 = tpu.vector_load %arg10[%swap3A_59, %swap3A_60] {strides = array<i32>} : memref<128x128xf32, #tpu.memory_space<vmem>>, vector<1x16xf32>,
        %swap3A_62 = vector.shape_cast %swap3A_61 : vector<1x16xf32> to vector<16xf32>
        %swap3A_63 = vector.shape_cast %broadcast_in_dim3A_58 : vector<16xf32> to vector<1x16xf32>
        tpu.vector_store %arg10[%swap3A_59, %swap3A_60], %swap3A_63 {strides = array<i32>} : memref<128x128xf32, #tpu.memory_space<vmem>>, vector<1x16xf32>,
        %broadcast_in_dim3A_64 = arith.constant 0.000000e+00 : f32
        %broadcast_in_dim3A_65 = vector.broadcast %broadcast_in_dim3A_64 : f32 to vector<16xf32>
        %swap3A_66 = arith.index_cast %add3A_30 : i32 to index
        %swap3A_67 = arith.constant 80 : index
        %swap3A_68 = tpu.vector_load %arg10[%swap3A_66, %swap3A_67] {strides = array<i32>} : memref<128x128xf32, #tpu.memory_space<vmem>>, vector<1x16xf32>,
        %swap3A_69 = vector.shape_cast %swap3A_68 : vector<1x16xf32> to vector<16xf32>
        %swap3A_70 = vector.shape_cast %broadcast_in_dim3A_65 : vector<16xf32> to vector<1x16xf32>
        tpu.vector_store %arg10[%swap3A_66, %swap3A_67], %swap3A_70 {strides = array<i32>} : memref<128x128xf32, #tpu.memory_space<vmem>>, vector<1x16xf32>,
        %broadcast_in_dim3A_71 = arith.constant 0.000000e+00 : f32
        %broadcast_in_dim3A_72 = vector.broadcast %broadcast_in_dim3A_71 : f32 to vector<16xf32>
        %swap3A_73 = arith.index_cast %add3A_30 : i32 to index
        %swap3A_74 = arith.constant 96 : index
        %swap3A_75 = tpu.vector_load %arg10[%swap3A_73, %swap3A_74] {strides = array<i32>} : memref<128x128xf32, #tpu.memory_space<vmem>>, vector<1x16xf32>,
        %swap3A_76 = vector.shape_cast %swap3A_75 : vector<1x16xf32> to vector<16xf32>
        %swap3A_77 = vector.shape_cast %broadcast_in_dim3A_72 : vector<16xf32> to vector<1x16xf32>
        tpu.vector_store %arg10[%swap3A_73, %swap3A_74], %swap3A_77 {strides = array<i32>} : memref<128x128xf32, #tpu.memory_space<vmem>>, vector<1x16xf32>,
        %broadcast_in_dim3A_78 = arith.constant 0.000000e+00 : f32
        %broadcast_in_dim3A_79 = vector.broadcast %broadcast_in_dim3A_78 : f32 to vector<16xf32>
        %swap3A_80 = arith.index_cast %add3A_30 : i32 to index
        %swap3A_81 = arith.constant 112 : index
        %swap3A_82 = tpu.vector_load %arg10[%swap3A_80, %swap3A_81] {strides = array<i32>} : memref<128x128xf32, #tpu.memory_space<vmem>>, vector<1x16xf32>,
        %swap3A_83 = vector.shape_cast %swap3A_82 : vector<1x16xf32> to vector<16xf32>
        %swap3A_84 = vector.shape_cast %broadcast_in_dim3A_79 : vector<16xf32> to vector<1x16xf32>
        tpu.vector_store %arg10[%swap3A_80, %swap3A_81], %swap3A_84 {strides = array<i32>} : memref<128x128xf32, #tpu.memory_space<vmem>>, vector<1x16xf32>,
      }
      %scan3A_20 = arith.constant 128 : i32
      %scan3A_21 = arith.constant 0 : i32
      %scan3A_22 = arith.constant 5 : i32
      %scan3A_23 = arith.addi %scan3A_21, %scan3A_22 : i32
      %scan3A_24 = arith.constant 1 : i32
      scf.for %scan3A_26 = %scan3A_21 to %scan3A_23 step %scan3A_24  : i32 {
        %mul3A_27 = arith.constant 128 : i32
        %mul3A_28 = arith.muli %scan3A_26, %mul3A_27 : i32
        %add3A_29 = arith.constant 0 : i32
        %add3A_30 = arith.addi %add3A_29, %mul3A_28 : i32
        %mul3A_31 = arith.constant 640 : i32
        %mul3A_32 = arith.muli %arg1, %mul3A_31 : i32
        %add3A_33 = arith.addi %mul3A_32, %add3A_30 : i32
        "tpu.region"() ({
          %run_scoped3A = tpu.sem_alloc : memref<!tpu.dma_semaphore, #tpu.memory_space<semaphore_mem>>
          %dma_start3A = arith.constant 0 : i32
          %dma_start3A_34 = tpu.memref_slice %arg12[%add3A_33, %dma_start3A] : memref<10240x128xf32, #tpu.memory_space<vmem_shared>> -> memref<128x128xf32, #tpu.memory_space<vmem_shared>>
          %dma_start3A_35 = arith.constant 0 : i32
          %dma_start3A_36 = tpu.memref_slice %arg12[%add3A_33, %dma_start3A_35] : memref<10240x128xf32, #tpu.memory_space<vmem_shared>> -> memref<128x128xf32, #tpu.memory_space<vmem_shared>>
          tpu.enqueue_dma source(%arg10 : memref<128x128xf32, #tpu.memory_space<vmem>>) target(%dma_start3A_36 : memref<128x128xf32, #tpu.memory_space<vmem_shared>>) target_semaphore(%run_scoped3A : memref<!tpu.dma_semaphore, #tpu.memory_space<semaphore_mem>>)
          %dma_wait3A = arith.constant 0 : i32
          %dma_wait3A_37 = tpu.memref_slice %arg12[%add3A_33, %dma_wait3A] : memref<10240x128xf32, #tpu.memory_space<vmem_shared>> -> memref<128x128xf32, #tpu.memory_space<vmem_shared>>
          %dma_wait3A_38 = arith.constant 0 : i32
          %dma_wait3A_39 = tpu.memref_slice %arg12[%add3A_33, %dma_wait3A_38] : memref<10240x128xf32, #tpu.memory_space<vmem_shared>> -> memref<128x128xf32, #tpu.memory_space<vmem_shared>>
          tpu.wait_dma2 semaphore(%run_scoped3A : memref<!tpu.dma_semaphore, #tpu.memory_space<semaphore_mem>>) src(%arg10 : memref<128x128xf32, #tpu.memory_space<vmem>>) dst(%dma_wait3A_39 : memref<128x128xf32, #tpu.memory_space<vmem_shared>>)
          tpu.yield
        }) : () -> ()
      }
      %scan3A_25 = arith.constant 5 : i32
    } else {
    }
    "tpu.region"() ({
      %run_scoped3A = tpu.sem_alloc : memref<!tpu.dma_semaphore, #tpu.memory_space<semaphore_mem>>
      %dma_start3A = arith.constant 0 : i32
      %dma_start3A_16 = arith.constant 0 : i32
      %dma_start3A_17 = tpu.memref_slice %arg3[%add3A, %dma_start3A, %dma_start3A_16] : memref<32x80x128xi32, #tpu.memory_space<hbm>> -> memref<1x80x128xi32, #tpu.memory_space<hbm>>
      %dma_start3A_18 = tpu.memref_squeeze %dma_start3A_17 : memref<1x80x128xi32, #tpu.memory_space<hbm>> -> memref<80x128xi32, #tpu.memory_space<hbm>>
      %dma_start3A_19 = arith.constant 0 : i32
      %dma_start3A_20 = arith.constant 0 : i32
      %dma_start3A_21 = tpu.memref_slice %arg3[%add3A, %dma_start3A_19, %dma_start3A_20] : memref<32x80x128xi32, #tpu.memory_space<hbm>> -> memref<1x80x128xi32, #tpu.memory_space<hbm>>
      %dma_start3A_22 = tpu.memref_squeeze %dma_start3A_21 : memref<1x80x128xi32, #tpu.memory_space<hbm>> -> memref<80x128xi32, #tpu.memory_space<hbm>>
      tpu.enqueue_dma source(%dma_start3A_22 : memref<80x128xi32, #tpu.memory_space<hbm>>) target(%arg5 : memref<80x128xi32, #tpu.memory_space<vmem>>) target_semaphore(%run_scoped3A : memref<!tpu.dma_semaphore, #tpu.memory_space<semaphore_mem>>)
      %dma_wait3A = arith.constant 0 : i32
      %dma_wait3A_23 = arith.constant 0 : i32
      %dma_wait3A_24 = tpu.memref_slice %arg3[%add3A, %dma_wait3A, %dma_wait3A_23] : memref<32x80x128xi32, #tpu.memory_space<hbm>> -> memref<1x80x128xi32, #tpu.memory_space<hbm>>
      %dma_wait3A_25 = tpu.memref_squeeze %dma_wait3A_24 : memref<1x80x128xi32, #tpu.memory_space<hbm>> -> memref<80x128xi32, #tpu.memory_space<hbm>>
      %dma_wait3A_26 = arith.constant 0 : i32
      %dma_wait3A_27 = arith.constant 0 : i32
      %dma_wait3A_28 = tpu.memref_slice %arg3[%add3A, %dma_wait3A_26, %dma_wait3A_27] : memref<32x80x128xi32, #tpu.memory_space<hbm>> -> memref<1x80x128xi32, #tpu.memory_space<hbm>>
      %dma_wait3A_29 = tpu.memref_squeeze %dma_wait3A_28 : memref<1x80x128xi32, #tpu.memory_space<hbm>> -> memref<80x128xi32, #tpu.memory_space<hbm>>
      tpu.wait_dma2 semaphore(%run_scoped3A : memref<!tpu.dma_semaphore, #tpu.memory_space<semaphore_mem>>) src(%dma_wait3A_29 : memref<80x128xi32, #tpu.memory_space<hbm>>) dst(%arg5 : memref<80x128xi32, #tpu.memory_space<vmem>>)
      tpu.yield
    }) : () -> ()
    %barrier3A = arith.constant 0 : index
    tpu.barrier barrier_id(%barrier3A)
    %scan3A = arith.constant 0 : i32
    %scan3A_7 = arith.constant 40 : i32
    %scan3A_8 = arith.addi %scan3A, %scan3A_7 : i32
    %scan3A_9 = arith.constant 1 : i32
    scf.for %scan3A_16 = %scan3A to %scan3A_8 step %scan3A_9  : i32 {
      %mul3A_17 = arith.constant 2 : i32
      %mul3A_18 = arith.muli %scan3A_16, %mul3A_17 : i32
      %add3A_19 = arith.constant 0 : i32
      %add3A_20 = arith.addi %add3A_19, %mul3A_18 : i32
      %get3A = arith.index_cast %add3A_20 : i32 to index
      %get3A_21 = arith.constant 0 : index
      %get3A_22 = tpu.vector_load %arg5[%get3A, %get3A_21] {strides = array<i32>} : memref<80x128xi32, #tpu.memory_space<vmem>>, vector<1x16xi32>,
      %get3A_23 = vector.shape_cast %get3A_22 : vector<1x16xi32> to vector<16xi32>
      %and3A = arith.constant 65535 : i32
      %and3A_24 = vector.broadcast %and3A : i32 to vector<16xi32>
      %and3A_25 = arith.andi %get3A_23, %and3A_24 : vector<16xi32>
      %swap3A = arith.constant 0 : i32
      %swap3A_26 = arith.index_cast %swap3A : i32 to index
      %swap3A_27 = arith.constant 0 : index
      %swap3A_28 = tpu.vector_load %arg6[%swap3A_26, %swap3A_27] {strides = array<i32>} : memref<1x128xi32, #tpu.memory_space<vmem>>, vector<1x16xi32>,
      %swap3A_29 = vector.shape_cast %swap3A_28 : vector<1x16xi32> to vector<16xi32>
      %swap3A_30 = vector.shape_cast %and3A_25 : vector<16xi32> to vector<1x16xi32>
      tpu.vector_store %arg6[%swap3A_26, %swap3A_27], %swap3A_30 {strides = array<i32>} : memref<1x128xi32, #tpu.memory_space<vmem>>, vector<1x16xi32>,
      %get3A_31 = arith.index_cast %add3A_20 : i32 to index
      %get3A_32 = arith.constant 16 : index
      %get3A_33 = tpu.vector_load %arg5[%get3A_31, %get3A_32] {strides = array<i32>} : memref<80x128xi32, #tpu.memory_space<vmem>>, vector<1x16xi32>,
      %get3A_34 = vector.shape_cast %get3A_33 : vector<1x16xi32> to vector<16xi32>
      %and3A_35 = arith.constant 65535 : i32
      %and3A_36 = vector.broadcast %and3A_35 : i32 to vector<16xi32>
      %and3A_37 = arith.andi %get3A_34, %and3A_36 : vector<16xi32>
      %swap3A_38 = arith.constant 0 : i32
      %swap3A_39 = arith.index_cast %swap3A_38 : i32 to index
      %swap3A_40 = arith.constant 16 : index
      %swap3A_41 = tpu.vector_load %arg6[%swap3A_39, %swap3A_40] {strides = array<i32>} : memref<1x128xi32, #tpu.memory_space<vmem>>, vector<1x16xi32>,
      %swap3A_42 = vector.shape_cast %swap3A_41 : vector<1x16xi32> to vector<16xi32>
      %swap3A_43 = vector.shape_cast %and3A_37 : vector<16xi32> to vector<1x16xi32>
      tpu.vector_store %arg6[%swap3A_39, %swap3A_40], %swap3A_43 {strides = array<i32>} : memref<1x128xi32, #tpu.memory_space<vmem>>, vector<1x16xi32>,
      %get3A_44 = arith.index_cast %add3A_20 : i32 to index
      %get3A_45 = arith.constant 32 : index
      %get3A_46 = tpu.vector_load %arg5[%get3A_44, %get3A_45] {strides = array<i32>} : memref<80x128xi32, #tpu.memory_space<vmem>>, vector<1x16xi32>,
      %get3A_47 = vector.shape_cast %get3A_46 : vector<1x16xi32> to vector<16xi32>
      %and3A_48 = arith.constant 65535 : i32
      %and3A_49 = vector.broadcast %and3A_48 : i32 to vector<16xi32>
      %and3A_50 = arith.andi %get3A_47, %and3A_49 : vector<16xi32>
      %swap3A_51 = arith.constant 0 : i32
      %swap3A_52 = arith.index_cast %swap3A_51 : i32 to index
      %swap3A_53 = arith.constant 32 : index
      %swap3A_54 = tpu.vector_load %arg6[%swap3A_52, %swap3A_53] {strides = array<i32>} : memref<1x128xi32, #tpu.memory_space<vmem>>, vector<1x16xi32>,
      %swap3A_55 = vector.shape_cast %swap3A_54 : vector<1x16xi32> to vector<16xi32>
      %swap3A_56 = vector.shape_cast %and3A_50 : vector<16xi32> to vector<1x16xi32>
      tpu.vector_store %arg6[%swap3A_52, %swap3A_53], %swap3A_56 {strides = array<i32>} : memref<1x128xi32, #tpu.memory_space<vmem>>, vector<1x16xi32>,
      %get3A_57 = arith.index_cast %add3A_20 : i32 to index
      %get3A_58 = arith.constant 48 : index
      %get3A_59 = tpu.vector_load %arg5[%get3A_57, %get3A_58] {strides = array<i32>} : memref<80x128xi32, #tpu.memory_space<vmem>>, vector<1x16xi32>,
      %get3A_60 = vector.shape_cast %get3A_59 : vector<1x16xi32> to vector<16xi32>
      %and3A_61 = arith.constant 65535 : i32
      %and3A_62 = vector.broadcast %and3A_61 : i32 to vector<16xi32>
      %and3A_63 = arith.andi %get3A_60, %and3A_62 : vector<16xi32>
      %swap3A_64 = arith.constant 0 : i32
      %swap3A_65 = arith.index_cast %swap3A_64 : i32 to index
      %swap3A_66 = arith.constant 48 : index
      %swap3A_67 = tpu.vector_load %arg6[%swap3A_65, %swap3A_66] {strides = array<i32>} : memref<1x128xi32, #tpu.memory_space<vmem>>, vector<1x16xi32>,
      %swap3A_68 = vector.shape_cast %swap3A_67 : vector<1x16xi32> to vector<16xi32>
      %swap3A_69 = vector.shape_cast %and3A_63 : vector<16xi32> to vector<1x16xi32>
      tpu.vector_store %arg6[%swap3A_65, %swap3A_66], %swap3A_69 {strides = array<i32>} : memref<1x128xi32, #tpu.memory_space<vmem>>, vector<1x16xi32>,
      %get3A_70 = arith.index_cast %add3A_20 : i32 to index
      %get3A_71 = arith.constant 64 : index
      %get3A_72 = tpu.vector_load %arg5[%get3A_70, %get3A_71] {strides = array<i32>} : memref<80x128xi32, #tpu.memory_space<vmem>>, vector<1x16xi32>,
      %get3A_73 = vector.shape_cast %get3A_72 : vector<1x16xi32> to vector<16xi32>
      %and3A_74 = arith.constant 65535 : i32
      %and3A_75 = vector.broadcast %and3A_74 : i32 to vector<16xi32>
      %and3A_76 = arith.andi %get3A_73, %and3A_75 : vector<16xi32>
      %swap3A_77 = arith.constant 0 : i32
      %swap3A_78 = arith.index_cast %swap3A_77 : i32 to index
      %swap3A_79 = arith.constant 64 : index
      %swap3A_80 = tpu.vector_load %arg6[%swap3A_78, %swap3A_79] {strides = array<i32>} : memref<1x128xi32, #tpu.memory_space<vmem>>, vector<1x16xi32>,
      %swap3A_81 = vector.shape_cast %swap3A_80 : vector<1x16xi32> to vector<16xi32>
      %swap3A_82 = vector.shape_cast %and3A_76 : vector<16xi32> to vector<1x16xi32>
      tpu.vector_store %arg6[%swap3A_78, %swap3A_79], %swap3A_82 {strides = array<i32>} : memref<1x128xi32, #tpu.memory_space<vmem>>, vector<1x16xi32>,
      %get3A_83 = arith.index_cast %add3A_20 : i32 to index
      %get3A_84 = arith.constant 80 : index
      %get3A_85 = tpu.vector_load %arg5[%get3A_83, %get3A_84] {strides = array<i32>} : memref<80x128xi32, #tpu.memory_space<vmem>>, vector<1x16xi32>,
      %get3A_86 = vector.shape_cast %get3A_85 : vector<1x16xi32> to vector<16xi32>
      %and3A_87 = arith.constant 65535 : i32
      %and3A_88 = vector.broadcast %and3A_87 : i32 to vector<16xi32>
      %and3A_89 = arith.andi %get3A_86, %and3A_88 : vector<16xi32>
      %swap3A_90 = arith.constant 0 : i32
      %swap3A_91 = arith.index_cast %swap3A_90 : i32 to index
      %swap3A_92 = arith.constant 80 : index
      %swap3A_93 = tpu.vector_load %arg6[%swap3A_91, %swap3A_92] {strides = array<i32>} : memref<1x128xi32, #tpu.memory_space<vmem>>, vector<1x16xi32>,
      %swap3A_94 = vector.shape_cast %swap3A_93 : vector<1x16xi32> to vector<16xi32>
      %swap3A_95 = vector.shape_cast %and3A_89 : vector<16xi32> to vector<1x16xi32>
      tpu.vector_store %arg6[%swap3A_91, %swap3A_92], %swap3A_95 {strides = array<i32>} : memref<1x128xi32, #tpu.memory_space<vmem>>, vector<1x16xi32>,
      %get3A_96 = arith.index_cast %add3A_20 : i32 to index
      %get3A_97 = arith.constant 96 : index
      %get3A_98 = tpu.vector_load %arg5[%get3A_96, %get3A_97] {strides = array<i32>} : memref<80x128xi32, #tpu.memory_space<vmem>>, vector<1x16xi32>,
      %get3A_99 = vector.shape_cast %get3A_98 : vector<1x16xi32> to vector<16xi32>
      %and3A_100 = arith.constant 65535 : i32
      %and3A_101 = vector.broadcast %and3A_100 : i32 to vector<16xi32>
      %and3A_102 = arith.andi %get3A_99, %and3A_101 : vector<16xi32>
      %swap3A_103 = arith.constant 0 : i32
      %swap3A_104 = arith.index_cast %swap3A_103 : i32 to index
      %swap3A_105 = arith.constant 96 : index
      %swap3A_106 = tpu.vector_load %arg6[%swap3A_104, %swap3A_105] {strides = array<i32>} : memref<1x128xi32, #tpu.memory_space<vmem>>, vector<1x16xi32>,
      %swap3A_107 = vector.shape_cast %swap3A_106 : vector<1x16xi32> to vector<16xi32>
      %swap3A_108 = vector.shape_cast %and3A_102 : vector<16xi32> to vector<1x16xi32>
      tpu.vector_store %arg6[%swap3A_104, %swap3A_105], %swap3A_108 {strides = array<i32>} : memref<1x128xi32, #tpu.memory_space<vmem>>, vector<1x16xi32>,
      %get3A_109 = arith.index_cast %add3A_20 : i32 to index
      %get3A_110 = arith.constant 112 : index
      %get3A_111 = tpu.vector_load %arg5[%get3A_109, %get3A_110] {strides = array<i32>} : memref<80x128xi32, #tpu.memory_space<vmem>>, vector<1x16xi32>,
      %get3A_112 = vector.shape_cast %get3A_111 : vector<1x16xi32> to vector<16xi32>
      %and3A_113 = arith.constant 65535 : i32
      %and3A_114 = vector.broadcast %and3A_113 : i32 to vector<16xi32>
      %and3A_115 = arith.andi %get3A_112, %and3A_114 : vector<16xi32>
      %swap3A_116 = arith.constant 0 : i32
      %swap3A_117 = arith.index_cast %swap3A_116 : i32 to index
      %swap3A_118 = arith.constant 112 : index
      %swap3A_119 = tpu.vector_load %arg6[%swap3A_117, %swap3A_118] {strides = array<i32>} : memref<1x128xi32, #tpu.memory_space<vmem>>, vector<1x16xi32>,
      %swap3A_120 = vector.shape_cast %swap3A_119 : vector<1x16xi32> to vector<16xi32>
      %swap3A_121 = vector.shape_cast %and3A_115 : vector<16xi32> to vector<1x16xi32>
      tpu.vector_store %arg6[%swap3A_117, %swap3A_118], %swap3A_121 {strides = array<i32>} : memref<1x128xi32, #tpu.memory_space<vmem>>, vector<1x16xi32>,
      %run_scoped3A = arith.constant 0 : i32
      "tpu.region"() ({
        %run_scoped3A_440 = tpu.sem_alloc : memref<!tpu.dma_semaphore, #tpu.memory_space<semaphore_mem>>
        %dma_start3A = arith.constant 0 : i32
        %dma_start3A_441 = tpu.memref_slice %arg6[%run_scoped3A, %dma_start3A] : memref<1x128xi32, #tpu.memory_space<vmem>> -> memref<1x128xi32, #tpu.memory_space<vmem>>
        %dma_start3A_442 = tpu.memref_squeeze %dma_start3A_441 : memref<1x128xi32, #tpu.memory_space<vmem>> -> memref<128xi32, #tpu.memory_space<vmem>>
        %dma_start3A_443 = arith.constant 0 : i32
        %dma_start3A_444 = arith.constant 0 : i32
        %dma_start3A_445 = tpu.memref_slice %arg2[%dma_start3A_443, %dma_start3A_444] : memref<10240x128xf32, #tpu.memory_space<hbm>> -> memref<10240x128xf32, #tpu.memory_space<hbm>>
        tpu.enqueue_indirect_dma source(%dma_start3A_445 : memref<10240x128xf32, #tpu.memory_space<hbm>>) target(%arg10 : memref<128x128xf32, #tpu.memory_space<vmem>>) offsets(%dma_start3A_442 : memref<128xi32, #tpu.memory_space<vmem>>) semaphore(%run_scoped3A_440 : memref<!tpu.dma_semaphore, #tpu.memory_space<semaphore_mem>>)
        %dma_wait3A = arith.constant 0 : i32
        %dma_wait3A_446 = tpu.memref_slice %arg6[%run_scoped3A, %dma_wait3A] : memref<1x128xi32, #tpu.memory_space<vmem>> -> memref<1x128xi32, #tpu.memory_space<vmem>>
        %dma_wait3A_447 = tpu.memref_squeeze %dma_wait3A_446 : memref<1x128xi32, #tpu.memory_space<vmem>> -> memref<128xi32, #tpu.memory_space<vmem>>
        %dma_wait3A_448 = arith.constant 0 : i32
        %dma_wait3A_449 = arith.constant 0 : i32
        %dma_wait3A_450 = tpu.memref_slice %arg2[%dma_wait3A_448, %dma_wait3A_449] : memref<10240x128xf32, #tpu.memory_space<hbm>> -> memref<10240x128xf32, #tpu.memory_space<hbm>>
        tpu.wait_indirect_dma semaphore(%run_scoped3A_440 : memref<!tpu.dma_semaphore, #tpu.memory_space<semaphore_mem>>) src(%dma_wait3A_450 : memref<10240x128xf32, #tpu.memory_space<hbm>>) dst(%arg10 : memref<128x128xf32, #tpu.memory_space<vmem>>)
        tpu.yield
      }) : () -> ()
      %get3A_122 = arith.index_cast %add3A_20 : i32 to index
      %get3A_123 = arith.constant 0 : index
      %get3A_124 = tpu.vector_load %arg5[%get3A_122, %get3A_123] {strides = array<i32>} : memref<80x128xi32, #tpu.memory_space<vmem>>, vector<1x16xi32>,
      %get3A_125 = vector.shape_cast %get3A_124 : vector<1x16xi32> to vector<16xi32>
      %shift_right_logical3A = arith.constant 16 : i32
      %shift_right_logical3A_126 = vector.broadcast %shift_right_logical3A : i32 to vector<16xi32>
      %shift_right_logical3A_127 = arith.shrui %get3A_125, %shift_right_logical3A_126 : vector<16xi32>
      %swap3A_128 = arith.constant 0 : i32
      %swap3A_129 = arith.index_cast %swap3A_128 : i32 to index
      %swap3A_130 = arith.constant 0 : index
      %swap3A_131 = tpu.vector_load %arg8[%swap3A_129, %swap3A_130] {strides = array<i32>} : memref<1x128xi32, #tpu.memory_space<vmem>>, vector<1x16xi32>,
      %swap3A_132 = vector.shape_cast %swap3A_131 : vector<1x16xi32> to vector<16xi32>
      %swap3A_133 = vector.shape_cast %shift_right_logical3A_127 : vector<16xi32> to vector<1x16xi32>
      tpu.vector_store %arg8[%swap3A_129, %swap3A_130], %swap3A_133 {strides = array<i32>} : memref<1x128xi32, #tpu.memory_space<vmem>>, vector<1x16xi32>,
      %get3A_134 = arith.index_cast %add3A_20 : i32 to index
      %get3A_135 = arith.constant 16 : index
      %get3A_136 = tpu.vector_load %arg5[%get3A_134, %get3A_135] {strides = array<i32>} : memref<80x128xi32, #tpu.memory_space<vmem>>, vector<1x16xi32>,
      %get3A_137 = vector.shape_cast %get3A_136 : vector<1x16xi32> to vector<16xi32>
      %shift_right_logical3A_138 = arith.constant 16 : i32
      %shift_right_logical3A_139 = vector.broadcast %shift_right_logical3A_138 : i32 to vector<16xi32>
      %shift_right_logical3A_140 = arith.shrui %get3A_137, %shift_right_logical3A_139 : vector<16xi32>
      %swap3A_141 = arith.constant 0 : i32
      %swap3A_142 = arith.index_cast %swap3A_141 : i32 to index
      %swap3A_143 = arith.constant 16 : index
      %swap3A_144 = tpu.vector_load %arg8[%swap3A_142, %swap3A_143] {strides = array<i32>} : memref<1x128xi32, #tpu.memory_space<vmem>>, vector<1x16xi32>,
      %swap3A_145 = vector.shape_cast %swap3A_144 : vector<1x16xi32> to vector<16xi32>
      %swap3A_146 = vector.shape_cast %shift_right_logical3A_140 : vector<16xi32> to vector<1x16xi32>
      tpu.vector_store %arg8[%swap3A_142, %swap3A_143], %swap3A_146 {strides = array<i32>} : memref<1x128xi32, #tpu.memory_space<vmem>>, vector<1x16xi32>,
      %get3A_147 = arith.index_cast %add3A_20 : i32 to index
      %get3A_148 = arith.constant 32 : index
      %get3A_149 = tpu.vector_load %arg5[%get3A_147, %get3A_148] {strides = array<i32>} : memref<80x128xi32, #tpu.memory_space<vmem>>, vector<1x16xi32>,
      %get3A_150 = vector.shape_cast %get3A_149 : vector<1x16xi32> to vector<16xi32>
      %shift_right_logical3A_151 = arith.constant 16 : i32
      %shift_right_logical3A_152 = vector.broadcast %shift_right_logical3A_151 : i32 to vector<16xi32>
      %shift_right_logical3A_153 = arith.shrui %get3A_150, %shift_right_logical3A_152 : vector<16xi32>
      %swap3A_154 = arith.constant 0 : i32
      %swap3A_155 = arith.index_cast %swap3A_154 : i32 to index
      %swap3A_156 = arith.constant 32 : index
      %swap3A_157 = tpu.vector_load %arg8[%swap3A_155, %swap3A_156] {strides = array<i32>} : memref<1x128xi32, #tpu.memory_space<vmem>>, vector<1x16xi32>,
      %swap3A_158 = vector.shape_cast %swap3A_157 : vector<1x16xi32> to vector<16xi32>
      %swap3A_159 = vector.shape_cast %shift_right_logical3A_153 : vector<16xi32> to vector<1x16xi32>
      tpu.vector_store %arg8[%swap3A_155, %swap3A_156], %swap3A_159 {strides = array<i32>} : memref<1x128xi32, #tpu.memory_space<vmem>>, vector<1x16xi32>,
      %get3A_160 = arith.index_cast %add3A_20 : i32 to index
      %get3A_161 = arith.constant 48 : index
      %get3A_162 = tpu.vector_load %arg5[%get3A_160, %get3A_161] {strides = array<i32>} : memref<80x128xi32, #tpu.memory_space<vmem>>, vector<1x16xi32>,
      %get3A_163 = vector.shape_cast %get3A_162 : vector<1x16xi32> to vector<16xi32>
      %shift_right_logical3A_164 = arith.constant 16 : i32
      %shift_right_logical3A_165 = vector.broadcast %shift_right_logical3A_164 : i32 to vector<16xi32>
      %shift_right_logical3A_166 = arith.shrui %get3A_163, %shift_right_logical3A_165 : vector<16xi32>
      %swap3A_167 = arith.constant 0 : i32
      %swap3A_168 = arith.index_cast %swap3A_167 : i32 to index
      %swap3A_169 = arith.constant 48 : index
      %swap3A_170 = tpu.vector_load %arg8[%swap3A_168, %swap3A_169] {strides = array<i32>} : memref<1x128xi32, #tpu.memory_space<vmem>>, vector<1x16xi32>,
      %swap3A_171 = vector.shape_cast %swap3A_170 : vector<1x16xi32> to vector<16xi32>
      %swap3A_172 = vector.shape_cast %shift_right_logical3A_166 : vector<16xi32> to vector<1x16xi32>
      tpu.vector_store %arg8[%swap3A_168, %swap3A_169], %swap3A_172 {strides = array<i32>} : memref<1x128xi32, #tpu.memory_space<vmem>>, vector<1x16xi32>,
      %get3A_173 = arith.index_cast %add3A_20 : i32 to index
      %get3A_174 = arith.constant 64 : index
      %get3A_175 = tpu.vector_load %arg5[%get3A_173, %get3A_174] {strides = array<i32>} : memref<80x128xi32, #tpu.memory_space<vmem>>, vector<1x16xi32>,
      %get3A_176 = vector.shape_cast %get3A_175 : vector<1x16xi32> to vector<16xi32>
      %shift_right_logical3A_177 = arith.constant 16 : i32
      %shift_right_logical3A_178 = vector.broadcast %shift_right_logical3A_177 : i32 to vector<16xi32>
      %shift_right_logical3A_179 = arith.shrui %get3A_176, %shift_right_logical3A_178 : vector<16xi32>
      %swap3A_180 = arith.constant 0 : i32
      %swap3A_181 = arith.index_cast %swap3A_180 : i32 to index
      %swap3A_182 = arith.constant 64 : index
      %swap3A_183 = tpu.vector_load %arg8[%swap3A_181, %swap3A_182] {strides = array<i32>} : memref<1x128xi32, #tpu.memory_space<vmem>>, vector<1x16xi32>,
      %swap3A_184 = vector.shape_cast %swap3A_183 : vector<1x16xi32> to vector<16xi32>
      %swap3A_185 = vector.shape_cast %shift_right_logical3A_179 : vector<16xi32> to vector<1x16xi32>
      tpu.vector_store %arg8[%swap3A_181, %swap3A_182], %swap3A_185 {strides = array<i32>} : memref<1x128xi32, #tpu.memory_space<vmem>>, vector<1x16xi32>,
      %get3A_186 = arith.index_cast %add3A_20 : i32 to index
      %get3A_187 = arith.constant 80 : index
      %get3A_188 = tpu.vector_load %arg5[%get3A_186, %get3A_187] {strides = array<i32>} : memref<80x128xi32, #tpu.memory_space<vmem>>, vector<1x16xi32>,
      %get3A_189 = vector.shape_cast %get3A_188 : vector<1x16xi32> to vector<16xi32>
      %shift_right_logical3A_190 = arith.constant 16 : i32
      %shift_right_logical3A_191 = vector.broadcast %shift_right_logical3A_190 : i32 to vector<16xi32>
      %shift_right_logical3A_192 = arith.shrui %get3A_189, %shift_right_logical3A_191 : vector<16xi32>
      %swap3A_193 = arith.constant 0 : i32
      %swap3A_194 = arith.index_cast %swap3A_193 : i32 to index
      %swap3A_195 = arith.constant 80 : index
      %swap3A_196 = tpu.vector_load %arg8[%swap3A_194, %swap3A_195] {strides = array<i32>} : memref<1x128xi32, #tpu.memory_space<vmem>>, vector<1x16xi32>,
      %swap3A_197 = vector.shape_cast %swap3A_196 : vector<1x16xi32> to vector<16xi32>
      %swap3A_198 = vector.shape_cast %shift_right_logical3A_192 : vector<16xi32> to vector<1x16xi32>
      tpu.vector_store %arg8[%swap3A_194, %swap3A_195], %swap3A_198 {strides = array<i32>} : memref<1x128xi32, #tpu.memory_space<vmem>>, vector<1x16xi32>,
      %get3A_199 = arith.index_cast %add3A_20 : i32 to index
      %get3A_200 = arith.constant 96 : index
      %get3A_201 = tpu.vector_load %arg5[%get3A_199, %get3A_200] {strides = array<i32>} : memref<80x128xi32, #tpu.memory_space<vmem>>, vector<1x16xi32>,
      %get3A_202 = vector.shape_cast %get3A_201 : vector<1x16xi32> to vector<16xi32>
      %shift_right_logical3A_203 = arith.constant 16 : i32
      %shift_right_logical3A_204 = vector.broadcast %shift_right_logical3A_203 : i32 to vector<16xi32>
      %shift_right_logical3A_205 = arith.shrui %get3A_202, %shift_right_logical3A_204 : vector<16xi32>
      %swap3A_206 = arith.constant 0 : i32
      %swap3A_207 = arith.index_cast %swap3A_206 : i32 to index
      %swap3A_208 = arith.constant 96 : index
      %swap3A_209 = tpu.vector_load %arg8[%swap3A_207, %swap3A_208] {strides = array<i32>} : memref<1x128xi32, #tpu.memory_space<vmem>>, vector<1x16xi32>,
      %swap3A_210 = vector.shape_cast %swap3A_209 : vector<1x16xi32> to vector<16xi32>
      %swap3A_211 = vector.shape_cast %shift_right_logical3A_205 : vector<16xi32> to vector<1x16xi32>
      tpu.vector_store %arg8[%swap3A_207, %swap3A_208], %swap3A_211 {strides = array<i32>} : memref<1x128xi32, #tpu.memory_space<vmem>>, vector<1x16xi32>,
      %get3A_212 = arith.index_cast %add3A_20 : i32 to index
      %get3A_213 = arith.constant 112 : index
      %get3A_214 = tpu.vector_load %arg5[%get3A_212, %get3A_213] {strides = array<i32>} : memref<80x128xi32, #tpu.memory_space<vmem>>, vector<1x16xi32>,
      %get3A_215 = vector.shape_cast %get3A_214 : vector<1x16xi32> to vector<16xi32>
      %shift_right_logical3A_216 = arith.constant 16 : i32
      %shift_right_logical3A_217 = vector.broadcast %shift_right_logical3A_216 : i32 to vector<16xi32>
      %shift_right_logical3A_218 = arith.shrui %get3A_215, %shift_right_logical3A_217 : vector<16xi32>
      %swap3A_219 = arith.constant 0 : i32
      %swap3A_220 = arith.index_cast %swap3A_219 : i32 to index
      %swap3A_221 = arith.constant 112 : index
      %swap3A_222 = tpu.vector_load %arg8[%swap3A_220, %swap3A_221] {strides = array<i32>} : memref<1x128xi32, #tpu.memory_space<vmem>>, vector<1x16xi32>,
      %swap3A_223 = vector.shape_cast %swap3A_222 : vector<1x16xi32> to vector<16xi32>
      %swap3A_224 = vector.shape_cast %shift_right_logical3A_218 : vector<16xi32> to vector<1x16xi32>
      tpu.vector_store %arg8[%swap3A_220, %swap3A_221], %swap3A_224 {strides = array<i32>} : memref<1x128xi32, #tpu.memory_space<vmem>>, vector<1x16xi32>,
      %run_scoped3A_225 = arith.constant 0 : i32
      "tpu.region"() ({
        %run_scoped3A_440 = tpu.sem_alloc : memref<!tpu.dma_semaphore, #tpu.memory_space<semaphore_mem>>
        %dma_start3A = arith.constant 0 : i32
        %dma_start3A_441 = tpu.memref_slice %arg8[%run_scoped3A_225, %dma_start3A] : memref<1x128xi32, #tpu.memory_space<vmem>> -> memref<1x128xi32, #tpu.memory_space<vmem>>
        %dma_start3A_442 = tpu.memref_squeeze %dma_start3A_441 : memref<1x128xi32, #tpu.memory_space<vmem>> -> memref<128xi32, #tpu.memory_space<vmem>>
        %dma_start3A_443 = arith.constant 0 : i32
        %dma_start3A_444 = arith.constant 0 : i32
        %dma_start3A_445 = tpu.memref_slice %arg12[%dma_start3A_443, %dma_start3A_444] : memref<10240x128xf32, #tpu.memory_space<vmem_shared>> -> memref<10240x128xf32, #tpu.memory_space<vmem_shared>>
        tpu.enqueue_indirect_dma source(%arg10 : memref<128x128xf32, #tpu.memory_space<vmem>>) target(%dma_start3A_445 : memref<10240x128xf32, #tpu.memory_space<vmem_shared>>) offsets(%dma_start3A_442 : memref<128xi32, #tpu.memory_space<vmem>>) semaphore(%run_scoped3A_440 : memref<!tpu.dma_semaphore, #tpu.memory_space<semaphore_mem>>) {add = true}
        %dma_wait3A = arith.constant 0 : i32
        %dma_wait3A_446 = tpu.memref_slice %arg8[%run_scoped3A_225, %dma_wait3A] : memref<1x128xi32, #tpu.memory_space<vmem>> -> memref<1x128xi32, #tpu.memory_space<vmem>>
        %dma_wait3A_447 = tpu.memref_squeeze %dma_wait3A_446 : memref<1x128xi32, #tpu.memory_space<vmem>> -> memref<128xi32, #tpu.memory_space<vmem>>
        %dma_wait3A_448 = arith.constant 0 : i32
        %dma_wait3A_449 = arith.constant 0 : i32
        %dma_wait3A_450 = tpu.memref_slice %arg12[%dma_wait3A_448, %dma_wait3A_449] : memref<10240x128xf32, #tpu.memory_space<vmem_shared>> -> memref<10240x128xf32, #tpu.memory_space<vmem_shared>>
        tpu.wait_indirect_dma semaphore(%run_scoped3A_440 : memref<!tpu.dma_semaphore, #tpu.memory_space<semaphore_mem>>) src(%arg10 : memref<128x128xf32, #tpu.memory_space<vmem>>) dst(%dma_wait3A_450 : memref<10240x128xf32, #tpu.memory_space<vmem_shared>>)
        tpu.yield
      }) : () -> ()
      %add3A_226 = arith.constant 1 : i32
      %add3A_227 = arith.addi %add3A_20, %add3A_226 : i32
      %get3A_228 = arith.index_cast %add3A_227 : i32 to index
      %get3A_229 = arith.constant 0 : index
      %get3A_230 = tpu.vector_load %arg5[%get3A_228, %get3A_229] {strides = array<i32>} : memref<80x128xi32, #tpu.memory_space<vmem>>, vector<1x16xi32>,
      %get3A_231 = vector.shape_cast %get3A_230 : vector<1x16xi32> to vector<16xi32>
      %and3A_232 = arith.constant 65535 : i32
      %and3A_233 = vector.broadcast %and3A_232 : i32 to vector<16xi32>
      %and3A_234 = arith.andi %get3A_231, %and3A_233 : vector<16xi32>
      %swap3A_235 = arith.constant 0 : i32
      %swap3A_236 = arith.index_cast %swap3A_235 : i32 to index
      %swap3A_237 = arith.constant 0 : index
      %swap3A_238 = tpu.vector_load %arg7[%swap3A_236, %swap3A_237] {strides = array<i32>} : memref<1x128xi32, #tpu.memory_space<vmem>>, vector<1x16xi32>,
      %swap3A_239 = vector.shape_cast %swap3A_238 : vector<1x16xi32> to vector<16xi32>
      %swap3A_240 = vector.shape_cast %and3A_234 : vector<16xi32> to vector<1x16xi32>
      tpu.vector_store %arg7[%swap3A_236, %swap3A_237], %swap3A_240 {strides = array<i32>} : memref<1x128xi32, #tpu.memory_space<vmem>>, vector<1x16xi32>,
      %get3A_241 = arith.index_cast %add3A_227 : i32 to index
      %get3A_242 = arith.constant 16 : index
      %get3A_243 = tpu.vector_load %arg5[%get3A_241, %get3A_242] {strides = array<i32>} : memref<80x128xi32, #tpu.memory_space<vmem>>, vector<1x16xi32>,
      %get3A_244 = vector.shape_cast %get3A_243 : vector<1x16xi32> to vector<16xi32>
      %and3A_245 = arith.constant 65535 : i32
      %and3A_246 = vector.broadcast %and3A_245 : i32 to vector<16xi32>
      %and3A_247 = arith.andi %get3A_244, %and3A_246 : vector<16xi32>
      %swap3A_248 = arith.constant 0 : i32
      %swap3A_249 = arith.index_cast %swap3A_248 : i32 to index
      %swap3A_250 = arith.constant 16 : index
      %swap3A_251 = tpu.vector_load %arg7[%swap3A_249, %swap3A_250] {strides = array<i32>} : memref<1x128xi32, #tpu.memory_space<vmem>>, vector<1x16xi32>,
      %swap3A_252 = vector.shape_cast %swap3A_251 : vector<1x16xi32> to vector<16xi32>
      %swap3A_253 = vector.shape_cast %and3A_247 : vector<16xi32> to vector<1x16xi32>
      tpu.vector_store %arg7[%swap3A_249, %swap3A_250], %swap3A_253 {strides = array<i32>} : memref<1x128xi32, #tpu.memory_space<vmem>>, vector<1x16xi32>,
      %get3A_254 = arith.index_cast %add3A_227 : i32 to index
      %get3A_255 = arith.constant 32 : index
      %get3A_256 = tpu.vector_load %arg5[%get3A_254, %get3A_255] {strides = array<i32>} : memref<80x128xi32, #tpu.memory_space<vmem>>, vector<1x16xi32>,
      %get3A_257 = vector.shape_cast %get3A_256 : vector<1x16xi32> to vector<16xi32>
      %and3A_258 = arith.constant 65535 : i32
      %and3A_259 = vector.broadcast %and3A_258 : i32 to vector<16xi32>
      %and3A_260 = arith.andi %get3A_257, %and3A_259 : vector<16xi32>
      %swap3A_261 = arith.constant 0 : i32
      %swap3A_262 = arith.index_cast %swap3A_261 : i32 to index
      %swap3A_263 = arith.constant 32 : index
      %swap3A_264 = tpu.vector_load %arg7[%swap3A_262, %swap3A_263] {strides = array<i32>} : memref<1x128xi32, #tpu.memory_space<vmem>>, vector<1x16xi32>,
      %swap3A_265 = vector.shape_cast %swap3A_264 : vector<1x16xi32> to vector<16xi32>
      %swap3A_266 = vector.shape_cast %and3A_260 : vector<16xi32> to vector<1x16xi32>
      tpu.vector_store %arg7[%swap3A_262, %swap3A_263], %swap3A_266 {strides = array<i32>} : memref<1x128xi32, #tpu.memory_space<vmem>>, vector<1x16xi32>,
      %get3A_267 = arith.index_cast %add3A_227 : i32 to index
      %get3A_268 = arith.constant 48 : index
      %get3A_269 = tpu.vector_load %arg5[%get3A_267, %get3A_268] {strides = array<i32>} : memref<80x128xi32, #tpu.memory_space<vmem>>, vector<1x16xi32>,
      %get3A_270 = vector.shape_cast %get3A_269 : vector<1x16xi32> to vector<16xi32>
      %and3A_271 = arith.constant 65535 : i32
      %and3A_272 = vector.broadcast %and3A_271 : i32 to vector<16xi32>
      %and3A_273 = arith.andi %get3A_270, %and3A_272 : vector<16xi32>
      %swap3A_274 = arith.constant 0 : i32
      %swap3A_275 = arith.index_cast %swap3A_274 : i32 to index
      %swap3A_276 = arith.constant 48 : index
      %swap3A_277 = tpu.vector_load %arg7[%swap3A_275, %swap3A_276] {strides = array<i32>} : memref<1x128xi32, #tpu.memory_space<vmem>>, vector<1x16xi32>,
      %swap3A_278 = vector.shape_cast %swap3A_277 : vector<1x16xi32> to vector<16xi32>
      %swap3A_279 = vector.shape_cast %and3A_273 : vector<16xi32> to vector<1x16xi32>
      tpu.vector_store %arg7[%swap3A_275, %swap3A_276], %swap3A_279 {strides = array<i32>} : memref<1x128xi32, #tpu.memory_space<vmem>>, vector<1x16xi32>,
      %get3A_280 = arith.index_cast %add3A_227 : i32 to index
      %get3A_281 = arith.constant 64 : index
      %get3A_282 = tpu.vector_load %arg5[%get3A_280, %get3A_281] {strides = array<i32>} : memref<80x128xi32, #tpu.memory_space<vmem>>, vector<1x16xi32>,
      %get3A_283 = vector.shape_cast %get3A_282 : vector<1x16xi32> to vector<16xi32>
      %and3A_284 = arith.constant 65535 : i32
      %and3A_285 = vector.broadcast %and3A_284 : i32 to vector<16xi32>
      %and3A_286 = arith.andi %get3A_283, %and3A_285 : vector<16xi32>
      %swap3A_287 = arith.constant 0 : i32
      %swap3A_288 = arith.index_cast %swap3A_287 : i32 to index
      %swap3A_289 = arith.constant 64 : index
      %swap3A_290 = tpu.vector_load %arg7[%swap3A_288, %swap3A_289] {strides = array<i32>} : memref<1x128xi32, #tpu.memory_space<vmem>>, vector<1x16xi32>,
      %swap3A_291 = vector.shape_cast %swap3A_290 : vector<1x16xi32> to vector<16xi32>
      %swap3A_292 = vector.shape_cast %and3A_286 : vector<16xi32> to vector<1x16xi32>
      tpu.vector_store %arg7[%swap3A_288, %swap3A_289], %swap3A_292 {strides = array<i32>} : memref<1x128xi32, #tpu.memory_space<vmem>>, vector<1x16xi32>,
      %get3A_293 = arith.index_cast %add3A_227 : i32 to index
      %get3A_294 = arith.constant 80 : index
      %get3A_295 = tpu.vector_load %arg5[%get3A_293, %get3A_294] {strides = array<i32>} : memref<80x128xi32, #tpu.memory_space<vmem>>, vector<1x16xi32>,
      %get3A_296 = vector.shape_cast %get3A_295 : vector<1x16xi32> to vector<16xi32>
      %and3A_297 = arith.constant 65535 : i32
      %and3A_298 = vector.broadcast %and3A_297 : i32 to vector<16xi32>
      %and3A_299 = arith.andi %get3A_296, %and3A_298 : vector<16xi32>
      %swap3A_300 = arith.constant 0 : i32
      %swap3A_301 = arith.index_cast %swap3A_300 : i32 to index
      %swap3A_302 = arith.constant 80 : index
      %swap3A_303 = tpu.vector_load %arg7[%swap3A_301, %swap3A_302] {strides = array<i32>} : memref<1x128xi32, #tpu.memory_space<vmem>>, vector<1x16xi32>,
      %swap3A_304 = vector.shape_cast %swap3A_303 : vector<1x16xi32> to vector<16xi32>
      %swap3A_305 = vector.shape_cast %and3A_299 : vector<16xi32> to vector<1x16xi32>
      tpu.vector_store %arg7[%swap3A_301, %swap3A_302], %swap3A_305 {strides = array<i32>} : memref<1x128xi32, #tpu.memory_space<vmem>>, vector<1x16xi32>,
      %get3A_306 = arith.index_cast %add3A_227 : i32 to index
      %get3A_307 = arith.constant 96 : index
      %get3A_308 = tpu.vector_load %arg5[%get3A_306, %get3A_307] {strides = array<i32>} : memref<80x128xi32, #tpu.memory_space<vmem>>, vector<1x16xi32>,
      %get3A_309 = vector.shape_cast %get3A_308 : vector<1x16xi32> to vector<16xi32>
      %and3A_310 = arith.constant 65535 : i32
      %and3A_311 = vector.broadcast %and3A_310 : i32 to vector<16xi32>
      %and3A_312 = arith.andi %get3A_309, %and3A_311 : vector<16xi32>
      %swap3A_313 = arith.constant 0 : i32
      %swap3A_314 = arith.index_cast %swap3A_313 : i32 to index
      %swap3A_315 = arith.constant 96 : index
      %swap3A_316 = tpu.vector_load %arg7[%swap3A_314, %swap3A_315] {strides = array<i32>} : memref<1x128xi32, #tpu.memory_space<vmem>>, vector<1x16xi32>,
      %swap3A_317 = vector.shape_cast %swap3A_316 : vector<1x16xi32> to vector<16xi32>
      %swap3A_318 = vector.shape_cast %and3A_312 : vector<16xi32> to vector<1x16xi32>
      tpu.vector_store %arg7[%swap3A_314, %swap3A_315], %swap3A_318 {strides = array<i32>} : memref<1x128xi32, #tpu.memory_space<vmem>>, vector<1x16xi32>,
      %get3A_319 = arith.index_cast %add3A_227 : i32 to index
      %get3A_320 = arith.constant 112 : index
      %get3A_321 = tpu.vector_load %arg5[%get3A_319, %get3A_320] {strides = array<i32>} : memref<80x128xi32, #tpu.memory_space<vmem>>, vector<1x16xi32>,
      %get3A_322 = vector.shape_cast %get3A_321 : vector<1x16xi32> to vector<16xi32>
      %and3A_323 = arith.constant 65535 : i32
      %and3A_324 = vector.broadcast %and3A_323 : i32 to vector<16xi32>
      %and3A_325 = arith.andi %get3A_322, %and3A_324 : vector<16xi32>
      %swap3A_326 = arith.constant 0 : i32
      %swap3A_327 = arith.index_cast %swap3A_326 : i32 to index
      %swap3A_328 = arith.constant 112 : index
      %swap3A_329 = tpu.vector_load %arg7[%swap3A_327, %swap3A_328] {strides = array<i32>} : memref<1x128xi32, #tpu.memory_space<vmem>>, vector<1x16xi32>,
      %swap3A_330 = vector.shape_cast %swap3A_329 : vector<1x16xi32> to vector<16xi32>
      %swap3A_331 = vector.shape_cast %and3A_325 : vector<16xi32> to vector<1x16xi32>
      tpu.vector_store %arg7[%swap3A_327, %swap3A_328], %swap3A_331 {strides = array<i32>} : memref<1x128xi32, #tpu.memory_space<vmem>>, vector<1x16xi32>,
      %run_scoped3A_332 = arith.constant 0 : i32
      "tpu.region"() ({
        %run_scoped3A_440 = tpu.sem_alloc : memref<!tpu.dma_semaphore, #tpu.memory_space<semaphore_mem>>
        %dma_start3A = arith.constant 0 : i32
        %dma_start3A_441 = tpu.memref_slice %arg7[%run_scoped3A_332, %dma_start3A] : memref<1x128xi32, #tpu.memory_space<vmem>> -> memref<1x128xi32, #tpu.memory_space<vmem>>
        %dma_start3A_442 = tpu.memref_squeeze %dma_start3A_441 : memref<1x128xi32, #tpu.memory_space<vmem>> -> memref<128xi32, #tpu.memory_space<vmem>>
        %dma_start3A_443 = arith.constant 0 : i32
        %dma_start3A_444 = arith.constant 0 : i32
        %dma_start3A_445 = tpu.memref_slice %arg2[%dma_start3A_443, %dma_start3A_444] : memref<10240x128xf32, #tpu.memory_space<hbm>> -> memref<10240x128xf32, #tpu.memory_space<hbm>>
        tpu.enqueue_indirect_dma source(%dma_start3A_445 : memref<10240x128xf32, #tpu.memory_space<hbm>>) target(%arg11 : memref<128x128xf32, #tpu.memory_space<vmem>>) offsets(%dma_start3A_442 : memref<128xi32, #tpu.memory_space<vmem>>) semaphore(%run_scoped3A_440 : memref<!tpu.dma_semaphore, #tpu.memory_space<semaphore_mem>>)
        %dma_wait3A = arith.constant 0 : i32
        %dma_wait3A_446 = tpu.memref_slice %arg7[%run_scoped3A_332, %dma_wait3A] : memref<1x128xi32, #tpu.memory_space<vmem>> -> memref<1x128xi32, #tpu.memory_space<vmem>>
        %dma_wait3A_447 = tpu.memref_squeeze %dma_wait3A_446 : memref<1x128xi32, #tpu.memory_space<vmem>> -> memref<128xi32, #tpu.memory_space<vmem>>
        %dma_wait3A_448 = arith.constant 0 : i32
        %dma_wait3A_449 = arith.constant 0 : i32
        %dma_wait3A_450 = tpu.memref_slice %arg2[%dma_wait3A_448, %dma_wait3A_449] : memref<10240x128xf32, #tpu.memory_space<hbm>> -> memref<10240x128xf32, #tpu.memory_space<hbm>>
        tpu.wait_indirect_dma semaphore(%run_scoped3A_440 : memref<!tpu.dma_semaphore, #tpu.memory_space<semaphore_mem>>) src(%dma_wait3A_450 : memref<10240x128xf32, #tpu.memory_space<hbm>>) dst(%arg11 : memref<128x128xf32, #tpu.memory_space<vmem>>)
        tpu.yield
      }) : () -> ()
      %add3A_333 = arith.constant 1 : i32
      %add3A_334 = arith.addi %add3A_20, %add3A_333 : i32
      %get3A_335 = arith.index_cast %add3A_334 : i32 to index
      %get3A_336 = arith.constant 0 : index
      %get3A_337 = tpu.vector_load %arg5[%get3A_335, %get3A_336] {strides = array<i32>} : memref<80x128xi32, #tpu.memory_space<vmem>>, vector<1x16xi32>,
      %get3A_338 = vector.shape_cast %get3A_337 : vector<1x16xi32> to vector<16xi32>
      %shift_right_logical3A_339 = arith.constant 16 : i32
      %shift_right_logical3A_340 = vector.broadcast %shift_right_logical3A_339 : i32 to vector<16xi32>
      %shift_right_logical3A_341 = arith.shrui %get3A_338, %shift_right_logical3A_340 : vector<16xi32>
      %swap3A_342 = arith.constant 0 : i32
      %swap3A_343 = arith.index_cast %swap3A_342 : i32 to index
      %swap3A_344 = arith.constant 0 : index
      %swap3A_345 = tpu.vector_load %arg9[%swap3A_343, %swap3A_344] {strides = array<i32>} : memref<1x128xi32, #tpu.memory_space<vmem>>, vector<1x16xi32>,
      %swap3A_346 = vector.shape_cast %swap3A_345 : vector<1x16xi32> to vector<16xi32>
      %swap3A_347 = vector.shape_cast %shift_right_logical3A_341 : vector<16xi32> to vector<1x16xi32>
      tpu.vector_store %arg9[%swap3A_343, %swap3A_344], %swap3A_347 {strides = array<i32>} : memref<1x128xi32, #tpu.memory_space<vmem>>, vector<1x16xi32>,
      %get3A_348 = arith.index_cast %add3A_334 : i32 to index
      %get3A_349 = arith.constant 16 : index
      %get3A_350 = tpu.vector_load %arg5[%get3A_348, %get3A_349] {strides = array<i32>} : memref<80x128xi32, #tpu.memory_space<vmem>>, vector<1x16xi32>,
      %get3A_351 = vector.shape_cast %get3A_350 : vector<1x16xi32> to vector<16xi32>
      %shift_right_logical3A_352 = arith.constant 16 : i32
      %shift_right_logical3A_353 = vector.broadcast %shift_right_logical3A_352 : i32 to vector<16xi32>
      %shift_right_logical3A_354 = arith.shrui %get3A_351, %shift_right_logical3A_353 : vector<16xi32>
      %swap3A_355 = arith.constant 0 : i32
      %swap3A_356 = arith.index_cast %swap3A_355 : i32 to index
      %swap3A_357 = arith.constant 16 : index
      %swap3A_358 = tpu.vector_load %arg9[%swap3A_356, %swap3A_357] {strides = array<i32>} : memref<1x128xi32, #tpu.memory_space<vmem>>, vector<1x16xi32>,
      %swap3A_359 = vector.shape_cast %swap3A_358 : vector<1x16xi32> to vector<16xi32>
      %swap3A_360 = vector.shape_cast %shift_right_logical3A_354 : vector<16xi32> to vector<1x16xi32>
      tpu.vector_store %arg9[%swap3A_356, %swap3A_357], %swap3A_360 {strides = array<i32>} : memref<1x128xi32, #tpu.memory_space<vmem>>, vector<1x16xi32>,
      %get3A_361 = arith.index_cast %add3A_334 : i32 to index
      %get3A_362 = arith.constant 32 : index
      %get3A_363 = tpu.vector_load %arg5[%get3A_361, %get3A_362] {strides = array<i32>} : memref<80x128xi32, #tpu.memory_space<vmem>>, vector<1x16xi32>,
      %get3A_364 = vector.shape_cast %get3A_363 : vector<1x16xi32> to vector<16xi32>
      %shift_right_logical3A_365 = arith.constant 16 : i32
      %shift_right_logical3A_366 = vector.broadcast %shift_right_logical3A_365 : i32 to vector<16xi32>
      %shift_right_logical3A_367 = arith.shrui %get3A_364, %shift_right_logical3A_366 : vector<16xi32>
      %swap3A_368 = arith.constant 0 : i32
      %swap3A_369 = arith.index_cast %swap3A_368 : i32 to index
      %swap3A_370 = arith.constant 32 : index
      %swap3A_371 = tpu.vector_load %arg9[%swap3A_369, %swap3A_370] {strides = array<i32>} : memref<1x128xi32, #tpu.memory_space<vmem>>, vector<1x16xi32>,
      %swap3A_372 = vector.shape_cast %swap3A_371 : vector<1x16xi32> to vector<16xi32>
      %swap3A_373 = vector.shape_cast %shift_right_logical3A_367 : vector<16xi32> to vector<1x16xi32>
      tpu.vector_store %arg9[%swap3A_369, %swap3A_370], %swap3A_373 {strides = array<i32>} : memref<1x128xi32, #tpu.memory_space<vmem>>, vector<1x16xi32>,
      %get3A_374 = arith.index_cast %add3A_334 : i32 to index
      %get3A_375 = arith.constant 48 : index
      %get3A_376 = tpu.vector_load %arg5[%get3A_374, %get3A_375] {strides = array<i32>} : memref<80x128xi32, #tpu.memory_space<vmem>>, vector<1x16xi32>,
      %get3A_377 = vector.shape_cast %get3A_376 : vector<1x16xi32> to vector<16xi32>
      %shift_right_logical3A_378 = arith.constant 16 : i32
      %shift_right_logical3A_379 = vector.broadcast %shift_right_logical3A_378 : i32 to vector<16xi32>
      %shift_right_logical3A_380 = arith.shrui %get3A_377, %shift_right_logical3A_379 : vector<16xi32>
      %swap3A_381 = arith.constant 0 : i32
      %swap3A_382 = arith.index_cast %swap3A_381 : i32 to index
      %swap3A_383 = arith.constant 48 : index
      %swap3A_384 = tpu.vector_load %arg9[%swap3A_382, %swap3A_383] {strides = array<i32>} : memref<1x128xi32, #tpu.memory_space<vmem>>, vector<1x16xi32>,
      %swap3A_385 = vector.shape_cast %swap3A_384 : vector<1x16xi32> to vector<16xi32>
      %swap3A_386 = vector.shape_cast %shift_right_logical3A_380 : vector<16xi32> to vector<1x16xi32>
      tpu.vector_store %arg9[%swap3A_382, %swap3A_383], %swap3A_386 {strides = array<i32>} : memref<1x128xi32, #tpu.memory_space<vmem>>, vector<1x16xi32>,
      %get3A_387 = arith.index_cast %add3A_334 : i32 to index
      %get3A_388 = arith.constant 64 : index
      %get3A_389 = tpu.vector_load %arg5[%get3A_387, %get3A_388] {strides = array<i32>} : memref<80x128xi32, #tpu.memory_space<vmem>>, vector<1x16xi32>,
      %get3A_390 = vector.shape_cast %get3A_389 : vector<1x16xi32> to vector<16xi32>
      %shift_right_logical3A_391 = arith.constant 16 : i32
      %shift_right_logical3A_392 = vector.broadcast %shift_right_logical3A_391 : i32 to vector<16xi32>
      %shift_right_logical3A_393 = arith.shrui %get3A_390, %shift_right_logical3A_392 : vector<16xi32>
      %swap3A_394 = arith.constant 0 : i32
      %swap3A_395 = arith.index_cast %swap3A_394 : i32 to index
      %swap3A_396 = arith.constant 64 : index
      %swap3A_397 = tpu.vector_load %arg9[%swap3A_395, %swap3A_396] {strides = array<i32>} : memref<1x128xi32, #tpu.memory_space<vmem>>, vector<1x16xi32>,
      %swap3A_398 = vector.shape_cast %swap3A_397 : vector<1x16xi32> to vector<16xi32>
      %swap3A_399 = vector.shape_cast %shift_right_logical3A_393 : vector<16xi32> to vector<1x16xi32>
      tpu.vector_store %arg9[%swap3A_395, %swap3A_396], %swap3A_399 {strides = array<i32>} : memref<1x128xi32, #tpu.memory_space<vmem>>, vector<1x16xi32>,
      %get3A_400 = arith.index_cast %add3A_334 : i32 to index
      %get3A_401 = arith.constant 80 : index
      %get3A_402 = tpu.vector_load %arg5[%get3A_400, %get3A_401] {strides = array<i32>} : memref<80x128xi32, #tpu.memory_space<vmem>>, vector<1x16xi32>,
      %get3A_403 = vector.shape_cast %get3A_402 : vector<1x16xi32> to vector<16xi32>
      %shift_right_logical3A_404 = arith.constant 16 : i32
      %shift_right_logical3A_405 = vector.broadcast %shift_right_logical3A_404 : i32 to vector<16xi32>
      %shift_right_logical3A_406 = arith.shrui %get3A_403, %shift_right_logical3A_405 : vector<16xi32>
      %swap3A_407 = arith.constant 0 : i32
      %swap3A_408 = arith.index_cast %swap3A_407 : i32 to index
      %swap3A_409 = arith.constant 80 : index
      %swap3A_410 = tpu.vector_load %arg9[%swap3A_408, %swap3A_409] {strides = array<i32>} : memref<1x128xi32, #tpu.memory_space<vmem>>, vector<1x16xi32>,
      %swap3A_411 = vector.shape_cast %swap3A_410 : vector<1x16xi32> to vector<16xi32>
      %swap3A_412 = vector.shape_cast %shift_right_logical3A_406 : vector<16xi32> to vector<1x16xi32>
      tpu.vector_store %arg9[%swap3A_408, %swap3A_409], %swap3A_412 {strides = array<i32>} : memref<1x128xi32, #tpu.memory_space<vmem>>, vector<1x16xi32>,
      %get3A_413 = arith.index_cast %add3A_334 : i32 to index
      %get3A_414 = arith.constant 96 : index
      %get3A_415 = tpu.vector_load %arg5[%get3A_413, %get3A_414] {strides = array<i32>} : memref<80x128xi32, #tpu.memory_space<vmem>>, vector<1x16xi32>,
      %get3A_416 = vector.shape_cast %get3A_415 : vector<1x16xi32> to vector<16xi32>
      %shift_right_logical3A_417 = arith.constant 16 : i32
      %shift_right_logical3A_418 = vector.broadcast %shift_right_logical3A_417 : i32 to vector<16xi32>
      %shift_right_logical3A_419 = arith.shrui %get3A_416, %shift_right_logical3A_418 : vector<16xi32>
      %swap3A_420 = arith.constant 0 : i32
      %swap3A_421 = arith.index_cast %swap3A_420 : i32 to index
      %swap3A_422 = arith.constant 96 : index
      %swap3A_423 = tpu.vector_load %arg9[%swap3A_421, %swap3A_422] {strides = array<i32>} : memref<1x128xi32, #tpu.memory_space<vmem>>, vector<1x16xi32>,
      %swap3A_424 = vector.shape_cast %swap3A_423 : vector<1x16xi32> to vector<16xi32>
      %swap3A_425 = vector.shape_cast %shift_right_logical3A_419 : vector<16xi32> to vector<1x16xi32>
      tpu.vector_store %arg9[%swap3A_421, %swap3A_422], %swap3A_425 {strides = array<i32>} : memref<1x128xi32, #tpu.memory_space<vmem>>, vector<1x16xi32>,
      %get3A_426 = arith.index_cast %add3A_334 : i32 to index
      %get3A_427 = arith.constant 112 : index
      %get3A_428 = tpu.vector_load %arg5[%get3A_426, %get3A_427] {strides = array<i32>} : memref<80x128xi32, #tpu.memory_space<vmem>>, vector<1x16xi32>,
      %get3A_429 = vector.shape_cast %get3A_428 : vector<1x16xi32> to vector<16xi32>
      %shift_right_logical3A_430 = arith.constant 16 : i32
      %shift_right_logical3A_431 = vector.broadcast %shift_right_logical3A_430 : i32 to vector<16xi32>
      %shift_right_logical3A_432 = arith.shrui %get3A_429, %shift_right_logical3A_431 : vector<16xi32>
      %swap3A_433 = arith.constant 0 : i32
      %swap3A_434 = arith.index_cast %swap3A_433 : i32 to index
      %swap3A_435 = arith.constant 112 : index
      %swap3A_436 = tpu.vector_load %arg9[%swap3A_434, %swap3A_435] {strides = array<i32>} : memref<1x128xi32, #tpu.memory_space<vmem>>, vector<1x16xi32>,
      %swap3A_437 = vector.shape_cast %swap3A_436 : vector<1x16xi32> to vector<16xi32>
      %swap3A_438 = vector.shape_cast %shift_right_logical3A_432 : vector<16xi32> to vector<1x16xi32>
      tpu.vector_store %arg9[%swap3A_434, %swap3A_435], %swap3A_438 {strides = array<i32>} : memref<1x128xi32, #tpu.memory_space<vmem>>, vector<1x16xi32>,
      %run_scoped3A_439 = arith.constant 0 : i32
      "tpu.region"() ({
        %run_scoped3A_440 = tpu.sem_alloc : memref<!tpu.dma_semaphore, #tpu.memory_space<semaphore_mem>>
        %dma_start3A = arith.constant 0 : i32
        %dma_start3A_441 = tpu.memref_slice %arg9[%run_scoped3A_439, %dma_start3A] : memref<1x128xi32, #tpu.memory_space<vmem>> -> memref<1x128xi32, #tpu.memory_space<vmem>>
        %dma_start3A_442 = tpu.memref_squeeze %dma_start3A_441 : memref<1x128xi32, #tpu.memory_space<vmem>> -> memref<128xi32, #tpu.memory_space<vmem>>
        %dma_start3A_443 = arith.constant 0 : i32
        %dma_start3A_444 = arith.constant 0 : i32
        %dma_start3A_445 = tpu.memref_slice %arg12[%dma_start3A_443, %dma_start3A_444] : memref<10240x128xf32, #tpu.memory_space<vmem_shared>> -> memref<10240x128xf32, #tpu.memory_space<vmem_shared>>
        tpu.enqueue_indirect_dma source(%arg11 : memref<128x128xf32, #tpu.memory_space<vmem>>) target(%dma_start3A_445 : memref<10240x128xf32, #tpu.memory_space<vmem_shared>>) offsets(%dma_start3A_442 : memref<128xi32, #tpu.memory_space<vmem>>) semaphore(%run_scoped3A_440 : memref<!tpu.dma_semaphore, #tpu.memory_space<semaphore_mem>>) {add = true}
        %dma_wait3A = arith.constant 0 : i32
        %dma_wait3A_446 = tpu.memref_slice %arg9[%run_scoped3A_439, %dma_wait3A] : memref<1x128xi32, #tpu.memory_space<vmem>> -> memref<1x128xi32, #tpu.memory_space<vmem>>
        %dma_wait3A_447 = tpu.memref_squeeze %dma_wait3A_446 : memref<1x128xi32, #tpu.memory_space<vmem>> -> memref<128xi32, #tpu.memory_space<vmem>>
        %dma_wait3A_448 = arith.constant 0 : i32
        %dma_wait3A_449 = arith.constant 0 : i32
        %dma_wait3A_450 = tpu.memref_slice %arg12[%dma_wait3A_448, %dma_wait3A_449] : memref<10240x128xf32, #tpu.memory_space<vmem_shared>> -> memref<10240x128xf32, #tpu.memory_space<vmem_shared>>
        tpu.wait_indirect_dma semaphore(%run_scoped3A_440 : memref<!tpu.dma_semaphore, #tpu.memory_space<semaphore_mem>>) src(%arg11 : memref<128x128xf32, #tpu.memory_space<vmem>>) dst(%dma_wait3A_450 : memref<10240x128xf32, #tpu.memory_space<vmem_shared>>)
        tpu.yield
      }) : () -> ()
    }
    %scan3A_10 = arith.constant 40 : i32
    %barrier3A_11 = arith.constant 0 : index
    tpu.barrier barrier_id(%barrier3A_11)
    %mul3A_12 = arith.constant 640 : i32
    %mul3A_13 = arith.muli %arg1, %mul3A_12 : i32
    %mul3A_14 = arith.constant 640 : i32
    %mul3A_15 = arith.muli %arg1, %mul3A_14 : i32
    "tpu.region"() ({
      %run_scoped3A = tpu.sem_alloc : memref<!tpu.dma_semaphore, #tpu.memory_space<semaphore_mem>>
      %dma_start3A = arith.constant 0 : i32
      %dma_start3A_16 = tpu.memref_slice %arg4[%arg0, %mul3A_15, %dma_start3A] : memref<2x10240x128xf32, #tpu.memory_space<hbm>> -> memref<1x640x128xf32, #tpu.memory_space<hbm>>
      %dma_start3A_17 = tpu.memref_squeeze %dma_start3A_16 : memref<1x640x128xf32, #tpu.memory_space<hbm>> -> memref<640x128xf32, #tpu.memory_space<hbm>>
      %dma_start3A_18 = arith.constant 0 : i32
      %dma_start3A_19 = tpu.memref_slice %arg12[%mul3A_13, %dma_start3A_18] : memref<10240x128xf32, #tpu.memory_space<vmem_shared>> -> memref<640x128xf32, #tpu.memory_space<vmem_shared>>
      tpu.enqueue_dma source(%dma_start3A_19 : memref<640x128xf32, #tpu.memory_space<vmem_shared>>) target(%dma_start3A_17 : memref<640x128xf32, #tpu.memory_space<hbm>>) target_semaphore(%run_scoped3A : memref<!tpu.dma_semaphore, #tpu.memory_space<semaphore_mem>>)
      %dma_wait3A = arith.constant 0 : i32
      %dma_wait3A_20 = tpu.memref_slice %arg4[%arg0, %mul3A_15, %dma_wait3A] : memref<2x10240x128xf32, #tpu.memory_space<hbm>> -> memref<1x640x128xf32, #tpu.memory_space<hbm>>
      %dma_wait3A_21 = tpu.memref_squeeze %dma_wait3A_20 : memref<1x640x128xf32, #tpu.memory_space<hbm>> -> memref<640x128xf32, #tpu.memory_space<hbm>>
      %dma_wait3A_22 = arith.constant 0 : i32
      %dma_wait3A_23 = tpu.memref_slice %arg12[%mul3A_13, %dma_wait3A_22] : memref<10240x128xf32, #tpu.memory_space<vmem_shared>> -> memref<640x128xf32, #tpu.memory_space<vmem_shared>>
      tpu.wait_dma2 semaphore(%run_scoped3A : memref<!tpu.dma_semaphore, #tpu.memory_space<semaphore_mem>>) src(%dma_wait3A_23 : memref<640x128xf32, #tpu.memory_space<vmem_shared>>) dst(%dma_wait3A_21 : memref<640x128xf32, #tpu.memory_space<hbm>>)
      tpu.yield
    }) : () -> ()
    return
  }
}

#map = affine_map<(d0, d1) -> (0, 0, 0)>
module attributes {stable_mosaic.version = 14 : i64} {
  func.func @k(%arg0: i32, %arg1: i32, %arg2: memref<32x80x128xi32, #tpu.memory_space<hbm>>, %arg3: memref<2x10240x16xf32, #tpu.memory_space<hbm>>, %arg4: memref<80x128xi32, #tpu.memory_space<vmem>>, %arg5: memref<128x16xf32, #tpu.memory_space<vmem>>, %arg6: memref<10240x16xf32, #tpu.memory_space<vmem_shared>>) attributes {dimension_semantics = [#tpu.dimension_semantics<core_parallel>, #tpu.dimension_semantics<subcore_parallel>], iteration_bounds = array<i64: 2, 16>, scalar_prefetch = 0 : i64, scratch_operands = 3 : i64, tpu.core_type = #tpu.core_type<sc_vector_subcore>, window_params = [{transform_indices = #map}, {transform_indices = #map}]} {
    %mul3A = arith.constant 16 : i32
    %mul3A_0 = arith.muli %arg0, %mul3A : i32
    %add3A = arith.addi %mul3A_0, %arg1 : i32
    %scan3A = arith.constant 0 : i32
    %scan3A_1 = arith.constant 128 : i32
    %scan3A_2 = arith.addi %scan3A, %scan3A_1 : i32
    %scan3A_3 = arith.constant 1 : i32
    scf.for %scan3A_25 = %scan3A to %scan3A_2 step %scan3A_3  : i32 {
      %mul3A_26 = arith.constant 1 : i32
      %mul3A_27 = arith.muli %scan3A_25, %mul3A_26 : i32
      %add3A_28 = arith.constant 0 : i32
      %add3A_29 = arith.addi %add3A_28, %mul3A_27 : i32
      %broadcast_in_dim3A = arith.constant 0.000000e+00 : f32
      %broadcast_in_dim3A_30 = vector.broadcast %broadcast_in_dim3A : f32 to vector<16xf32>
      %swap3A = arith.index_cast %add3A_29 : i32 to index
      %swap3A_31 = arith.constant 0 : index
      %swap3A_32 = tpu.vector_load %arg5[%swap3A, %swap3A_31] {strides = array<i32>} : memref<128x16xf32, #tpu.memory_space<vmem>>, vector<1x16xf32>,
      %swap3A_33 = vector.shape_cast %swap3A_32 : vector<1x16xf32> to vector<16xf32>
      %swap3A_34 = vector.shape_cast %broadcast_in_dim3A_30 : vector<16xf32> to vector<1x16xf32>
      tpu.vector_store %arg5[%swap3A, %swap3A_31], %swap3A_34 {strides = array<i32>} : memref<128x16xf32, #tpu.memory_space<vmem>>, vector<1x16xf32>,
    }
    %scan3A_4 = arith.constant 128 : i32
    %scan3A_5 = arith.constant 0 : i32
    %scan3A_6 = arith.constant 5 : i32
    %scan3A_7 = arith.addi %scan3A_5, %scan3A_6 : i32
    %scan3A_8 = arith.constant 1 : i32
    scf.for %scan3A_25 = %scan3A_5 to %scan3A_7 step %scan3A_8  : i32 {
      %mul3A_26 = arith.constant 128 : i32
      %mul3A_27 = arith.muli %scan3A_25, %mul3A_26 : i32
      %add3A_28 = arith.constant 0 : i32
      %add3A_29 = arith.addi %add3A_28, %mul3A_27 : i32
      %mul3A_30 = arith.constant 640 : i32
      %mul3A_31 = arith.muli %arg1, %mul3A_30 : i32
      %add3A_32 = arith.addi %mul3A_31, %add3A_29 : i32
      "tpu.region"() ({
        %run_scoped3A = tpu.sem_alloc : memref<!tpu.dma_semaphore, #tpu.memory_space<semaphore_mem>>
        %dma_start3A = arith.constant 0 : i32
        %dma_start3A_33 = tpu.memref_slice %arg6[%add3A_32, %dma_start3A] : memref<10240x16xf32, #tpu.memory_space<vmem_shared>> -> memref<128x16xf32, #tpu.memory_space<vmem_shared>>
        %dma_start3A_34 = arith.constant 0 : i32
        %dma_start3A_35 = tpu.memref_slice %arg6[%add3A_32, %dma_start3A_34] : memref<10240x16xf32, #tpu.memory_space<vmem_shared>> -> memref<128x16xf32, #tpu.memory_space<vmem_shared>>
        tpu.enqueue_dma source(%arg5 : memref<128x16xf32, #tpu.memory_space<vmem>>) target(%dma_start3A_35 : memref<128x16xf32, #tpu.memory_space<vmem_shared>>) target_semaphore(%run_scoped3A : memref<!tpu.dma_semaphore, #tpu.memory_space<semaphore_mem>>)
        %dma_wait3A = arith.constant 0 : i32
        %dma_wait3A_36 = tpu.memref_slice %arg6[%add3A_32, %dma_wait3A] : memref<10240x16xf32, #tpu.memory_space<vmem_shared>> -> memref<128x16xf32, #tpu.memory_space<vmem_shared>>
        %dma_wait3A_37 = arith.constant 0 : i32
        %dma_wait3A_38 = tpu.memref_slice %arg6[%add3A_32, %dma_wait3A_37] : memref<10240x16xf32, #tpu.memory_space<vmem_shared>> -> memref<128x16xf32, #tpu.memory_space<vmem_shared>>
        tpu.wait_dma2 semaphore(%run_scoped3A : memref<!tpu.dma_semaphore, #tpu.memory_space<semaphore_mem>>) src(%arg5 : memref<128x16xf32, #tpu.memory_space<vmem>>) dst(%dma_wait3A_38 : memref<128x16xf32, #tpu.memory_space<vmem_shared>>)
        tpu.yield
      }) : () -> ()
    }
    %scan3A_9 = arith.constant 5 : i32
    %scan3A_10 = arith.constant 0 : i32
    %scan3A_11 = arith.constant 128 : i32
    %scan3A_12 = arith.addi %scan3A_10, %scan3A_11 : i32
    %scan3A_13 = arith.constant 1 : i32
    scf.for %scan3A_25 = %scan3A_10 to %scan3A_12 step %scan3A_13  : i32 {
      %mul3A_26 = arith.constant 1 : i32
      %mul3A_27 = arith.muli %scan3A_25, %mul3A_26 : i32
      %add3A_28 = arith.constant 0 : i32
      %add3A_29 = arith.addi %add3A_28, %mul3A_27 : i32
      %broadcast_in_dim3A = arith.constant 1.000000e+00 : f32
      %broadcast_in_dim3A_30 = vector.broadcast %broadcast_in_dim3A : f32 to vector<16xf32>
      %swap3A = arith.index_cast %add3A_29 : i32 to index
      %swap3A_31 = arith.constant 0 : index
      %swap3A_32 = tpu.vector_load %arg5[%swap3A, %swap3A_31] {strides = array<i32>} : memref<128x16xf32, #tpu.memory_space<vmem>>, vector<1x16xf32>,
      %swap3A_33 = vector.shape_cast %swap3A_32 : vector<1x16xf32> to vector<16xf32>
      %swap3A_34 = vector.shape_cast %broadcast_in_dim3A_30 : vector<16xf32> to vector<1x16xf32>
      tpu.vector_store %arg5[%swap3A, %swap3A_31], %swap3A_34 {strides = array<i32>} : memref<128x16xf32, #tpu.memory_space<vmem>>, vector<1x16xf32>,
    }
    %scan3A_14 = arith.constant 128 : i32
    "tpu.region"() ({
      %run_scoped3A = tpu.sem_alloc : memref<!tpu.dma_semaphore, #tpu.memory_space<semaphore_mem>>
      %dma_start3A = arith.constant 0 : i32
      %dma_start3A_25 = arith.constant 0 : i32
      %dma_start3A_26 = tpu.memref_slice %arg2[%add3A, %dma_start3A, %dma_start3A_25] : memref<32x80x128xi32, #tpu.memory_space<hbm>> -> memref<1x80x128xi32, #tpu.memory_space<hbm>>
      %dma_start3A_27 = tpu.memref_squeeze %dma_start3A_26 : memref<1x80x128xi32, #tpu.memory_space<hbm>> -> memref<80x128xi32, #tpu.memory_space<hbm>>
      %dma_start3A_28 = arith.constant 0 : i32
      %dma_start3A_29 = arith.constant 0 : i32
      %dma_start3A_30 = tpu.memref_slice %arg2[%add3A, %dma_start3A_28, %dma_start3A_29] : memref<32x80x128xi32, #tpu.memory_space<hbm>> -> memref<1x80x128xi32, #tpu.memory_space<hbm>>
      %dma_start3A_31 = tpu.memref_squeeze %dma_start3A_30 : memref<1x80x128xi32, #tpu.memory_space<hbm>> -> memref<80x128xi32, #tpu.memory_space<hbm>>
      tpu.enqueue_dma source(%dma_start3A_31 : memref<80x128xi32, #tpu.memory_space<hbm>>) target(%arg4 : memref<80x128xi32, #tpu.memory_space<vmem>>) target_semaphore(%run_scoped3A : memref<!tpu.dma_semaphore, #tpu.memory_space<semaphore_mem>>)
      %dma_wait3A = arith.constant 0 : i32
      %dma_wait3A_32 = arith.constant 0 : i32
      %dma_wait3A_33 = tpu.memref_slice %arg2[%add3A, %dma_wait3A, %dma_wait3A_32] : memref<32x80x128xi32, #tpu.memory_space<hbm>> -> memref<1x80x128xi32, #tpu.memory_space<hbm>>
      %dma_wait3A_34 = tpu.memref_squeeze %dma_wait3A_33 : memref<1x80x128xi32, #tpu.memory_space<hbm>> -> memref<80x128xi32, #tpu.memory_space<hbm>>
      %dma_wait3A_35 = arith.constant 0 : i32
      %dma_wait3A_36 = arith.constant 0 : i32
      %dma_wait3A_37 = tpu.memref_slice %arg2[%add3A, %dma_wait3A_35, %dma_wait3A_36] : memref<32x80x128xi32, #tpu.memory_space<hbm>> -> memref<1x80x128xi32, #tpu.memory_space<hbm>>
      %dma_wait3A_38 = tpu.memref_squeeze %dma_wait3A_37 : memref<1x80x128xi32, #tpu.memory_space<hbm>> -> memref<80x128xi32, #tpu.memory_space<hbm>>
      tpu.wait_dma2 semaphore(%run_scoped3A : memref<!tpu.dma_semaphore, #tpu.memory_space<semaphore_mem>>) src(%dma_wait3A_38 : memref<80x128xi32, #tpu.memory_space<hbm>>) dst(%arg4 : memref<80x128xi32, #tpu.memory_space<vmem>>)
      tpu.yield
    }) : () -> ()
    %barrier3A = arith.constant 0 : index
    tpu.barrier barrier_id(%barrier3A)
    %scan3A_15 = arith.constant 0 : i32
    %scan3A_16 = arith.constant 80 : i32
    %scan3A_17 = arith.addi %scan3A_15, %scan3A_16 : i32
    %scan3A_18 = arith.constant 1 : i32
    scf.for %scan3A_25 = %scan3A_15 to %scan3A_17 step %scan3A_18  : i32 {
      %mul3A_26 = arith.constant 1 : i32
      %mul3A_27 = arith.muli %scan3A_25, %mul3A_26 : i32
      %add3A_28 = arith.constant 0 : i32
      %add3A_29 = arith.addi %add3A_28, %mul3A_27 : i32
      "tpu.region"() ({
        %run_scoped3A = tpu.sem_alloc : memref<!tpu.dma_semaphore, #tpu.memory_space<semaphore_mem>>
        %dma_start3A = arith.constant 0 : i32
        %dma_start3A_30 = tpu.memref_slice %arg4[%add3A_29, %dma_start3A] : memref<80x128xi32, #tpu.memory_space<vmem>> -> memref<1x128xi32, #tpu.memory_space<vmem>>
        %dma_start3A_31 = tpu.memref_squeeze %dma_start3A_30 : memref<1x128xi32, #tpu.memory_space<vmem>> -> memref<128xi32, #tpu.memory_space<vmem>>
        %dma_start3A_32 = arith.constant 0 : i32
        %dma_start3A_33 = arith.constant 0 : i32
        %dma_start3A_34 = tpu.memref_slice %arg6[%dma_start3A_32, %dma_start3A_33] : memref<10240x16xf32, #tpu.memory_space<vmem_shared>> -> memref<10240x16xf32, #tpu.memory_space<vmem_shared>>
        tpu.enqueue_indirect_dma source(%arg5 : memref<128x16xf32, #tpu.memory_space<vmem>>) target(%dma_start3A_34 : memref<10240x16xf32, #tpu.memory_space<vmem_shared>>) offsets(%dma_start3A_31 : memref<128xi32, #tpu.memory_space<vmem>>) semaphore(%run_scoped3A : memref<!tpu.dma_semaphore, #tpu.memory_space<semaphore_mem>>) {add = true}
        %dma_wait3A = arith.constant 0 : i32
        %dma_wait3A_35 = tpu.memref_slice %arg4[%add3A_29, %dma_wait3A] : memref<80x128xi32, #tpu.memory_space<vmem>> -> memref<1x128xi32, #tpu.memory_space<vmem>>
        %dma_wait3A_36 = tpu.memref_squeeze %dma_wait3A_35 : memref<1x128xi32, #tpu.memory_space<vmem>> -> memref<128xi32, #tpu.memory_space<vmem>>
        %dma_wait3A_37 = arith.constant 0 : i32
        %dma_wait3A_38 = arith.constant 0 : i32
        %dma_wait3A_39 = tpu.memref_slice %arg6[%dma_wait3A_37, %dma_wait3A_38] : memref<10240x16xf32, #tpu.memory_space<vmem_shared>> -> memref<10240x16xf32, #tpu.memory_space<vmem_shared>>
        tpu.wait_indirect_dma semaphore(%run_scoped3A : memref<!tpu.dma_semaphore, #tpu.memory_space<semaphore_mem>>) src(%arg5 : memref<128x16xf32, #tpu.memory_space<vmem>>) dst(%dma_wait3A_39 : memref<10240x16xf32, #tpu.memory_space<vmem_shared>>)
        tpu.yield
      }) : () -> ()
    }
    %scan3A_19 = arith.constant 80 : i32
    %barrier3A_20 = arith.constant 0 : index
    tpu.barrier barrier_id(%barrier3A_20)
    %mul3A_21 = arith.constant 640 : i32
    %mul3A_22 = arith.muli %arg1, %mul3A_21 : i32
    %mul3A_23 = arith.constant 640 : i32
    %mul3A_24 = arith.muli %arg1, %mul3A_23 : i32
    "tpu.region"() ({
      %run_scoped3A = tpu.sem_alloc : memref<!tpu.dma_semaphore, #tpu.memory_space<semaphore_mem>>
      %dma_start3A = arith.constant 0 : i32
      %dma_start3A_25 = tpu.memref_slice %arg3[%arg0, %mul3A_24, %dma_start3A] : memref<2x10240x16xf32, #tpu.memory_space<hbm>> -> memref<1x640x16xf32, #tpu.memory_space<hbm>>
      %dma_start3A_26 = tpu.memref_squeeze %dma_start3A_25 : memref<1x640x16xf32, #tpu.memory_space<hbm>> -> memref<640x16xf32, #tpu.memory_space<hbm>>
      %dma_start3A_27 = arith.constant 0 : i32
      %dma_start3A_28 = tpu.memref_slice %arg6[%mul3A_22, %dma_start3A_27] : memref<10240x16xf32, #tpu.memory_space<vmem_shared>> -> memref<640x16xf32, #tpu.memory_space<vmem_shared>>
      tpu.enqueue_dma source(%dma_start3A_28 : memref<640x16xf32, #tpu.memory_space<vmem_shared>>) target(%dma_start3A_26 : memref<640x16xf32, #tpu.memory_space<hbm>>) target_semaphore(%run_scoped3A : memref<!tpu.dma_semaphore, #tpu.memory_space<semaphore_mem>>)
      %dma_wait3A = arith.constant 0 : i32
      %dma_wait3A_29 = tpu.memref_slice %arg3[%arg0, %mul3A_24, %dma_wait3A] : memref<2x10240x16xf32, #tpu.memory_space<hbm>> -> memref<1x640x16xf32, #tpu.memory_space<hbm>>
      %dma_wait3A_30 = tpu.memref_squeeze %dma_wait3A_29 : memref<1x640x16xf32, #tpu.memory_space<hbm>> -> memref<640x16xf32, #tpu.memory_space<hbm>>
      %dma_wait3A_31 = arith.constant 0 : i32
      %dma_wait3A_32 = tpu.memref_slice %arg6[%mul3A_22, %dma_wait3A_31] : memref<10240x16xf32, #tpu.memory_space<vmem_shared>> -> memref<640x16xf32, #tpu.memory_space<vmem_shared>>
      tpu.wait_dma2 semaphore(%run_scoped3A : memref<!tpu.dma_semaphore, #tpu.memory_space<semaphore_mem>>) src(%dma_wait3A_32 : memref<640x16xf32, #tpu.memory_space<vmem_shared>>) dst(%dma_wait3A_30 : memref<640x16xf32, #tpu.memory_space<hbm>>)
      tpu.yield
    }) : () -> ()
    return
  }
}

module attributes {stable_mosaic.version = 14 : i64} {
  func.func @body(%arg0: i32, %arg1: memref<1024x128xf32, #tpu.memory_space<vmem>>, %arg2: memref<128x128xf32, #tpu.memory_space<vmem>>, %arg3: memref<1024x128xf32, #tpu.memory_space<vmem>>) attributes {dimension_semantics = [#tpu.dimension_semantics<arbitrary>], iteration_bounds = array<i64: 10>, scalar_prefetch = 0 : i64, scratch_operands = 0 : i64, tpu.core_type = #tpu.core_type<tc>, window_params = [{transform_indices = @transform_0, window_bounds = array<i64: 1024, 128>}, {pipeline_mode = #tpu.pipeline_mode<synchronous>, transform_indices = @transform_1, window_bounds = array<i64: 128, 128>}, {transform_indices = @transform_2, window_bounds = array<i64: 1024, 128>}]} {
    %get3A = arith.constant 0 : index
    %get3A_0 = arith.constant 0 : index
    %get3A_1 = vector.load %arg1[%get3A, %get3A_0] : memref<1024x128xf32, #tpu.memory_space<vmem>>, vector<1024x128xf32>
    %get3A_2 = arith.constant 0 : index
    %get3A_3 = arith.constant 0 : index
    %get3A_4 = vector.load %arg2[%get3A_2, %get3A_3] : memref<128x128xf32, #tpu.memory_space<vmem>>, vector<128x128xf32>
    %dot_general3A = arith.constant dense<0.000000e+00> : vector<1024x128xf32>
    %dot_general3A_5 = tpu.matmul %get3A_1, %get3A_4, %dot_general3A {dimension_numbers = #tpu.dot_dimension_numbers<[1], [0], [0], [1], [0, 0, 1, 1], [], []>, transpose_lhs_hint = false} : vector<1024x128xf32>, vector<128x128xf32>, vector<1024x128xf32> -> vector<1024x128xf32>
    %swap3A = arith.constant 0 : index
    %swap3A_6 = arith.constant 0 : index
    %swap3A_7 = vector.load %arg3[%swap3A, %swap3A_6] : memref<1024x128xf32, #tpu.memory_space<vmem>>, vector<1024x128xf32>
    tpu.vector_store %arg3[%swap3A, %swap3A_6], %dot_general3A_5 {strides = array<i32>} : memref<1024x128xf32, #tpu.memory_space<vmem>>, vector<1024x128xf32>,
    return
  }
  func.func @transform_0(%arg0: i32) -> (i32, i32) {
    %c0_i32 = arith.constant 0 : i32
    %c0_i32_0 = arith.constant 0 : i32
    return %arg0, %c0_i32 : i32, i32
  }
  func.func @transform_1(%arg0: i32) -> (i32, i32) {
    %c0_i32 = arith.constant 0 : i32
    %c0_i32_0 = arith.constant 0 : i32
    %c0_i32_1 = arith.constant 0 : i32
    return %c0_i32, %c0_i32_0 : i32, i32
  }
  func.func @transform_2(%arg0: i32) -> (i32, i32) {
    %c0_i32 = arith.constant 0 : i32
    %c0_i32_0 = arith.constant 0 : i32
    return %arg0, %c0_i32 : i32, i32
  }
}

module attributes {stable_mosaic.version = 14 : i64} {
  func.func @body(%arg0: i32, %arg1: memref<1024x128xf32, #tpu.memory_space<vmem>>, %arg2: memref<2x1024x16xf32, #tpu.memory_space<vmem>>, %arg3: memref<1024x128xf32, #tpu.memory_space<vmem>>, %arg4: memref<1024x1xf32, #tpu.memory_space<vmem>>) attributes {dimension_semantics = [#tpu.dimension_semantics<arbitrary>], iteration_bounds = array<i64: 10>, scalar_prefetch = 0 : i64, scratch_operands = 0 : i64, tpu.core_type = #tpu.core_type<tc>, window_params = [{transform_indices = @transform_0, window_bounds = array<i64: 1024, 128>}, {transform_indices = @transform_1, window_bounds = array<i64: 2, 1024, 16>}, {transform_indices = @transform_2, window_bounds = array<i64: 1024, 128>}, {transform_indices = @transform_3, window_bounds = array<i64: 1024, 1>}]} {
    %get3A = arith.constant 0 : index
    %get3A_0 = arith.constant 0 : index
    %get3A_1 = arith.constant 0 : index
    %get3A_2 = vector.load %arg2[%get3A, %get3A_0, %get3A_1] : memref<2x1024x16xf32, #tpu.memory_space<vmem>>, vector<1x1024x16xf32>
    %get3A_3 = vector.shape_cast %get3A_2 : vector<1x1024x16xf32> to vector<1024x16xf32>
    %get3A_4 = arith.constant 1 : index
    %get3A_5 = arith.constant 0 : index
    %get3A_6 = arith.constant 0 : index
    %get3A_7 = vector.load %arg2[%get3A_4, %get3A_5, %get3A_6] : memref<2x1024x16xf32, #tpu.memory_space<vmem>>, vector<1x1024x16xf32>
    %get3A_8 = vector.shape_cast %get3A_7 : vector<1x1024x16xf32> to vector<1024x16xf32>
    %add3A = arith.addf %get3A_3, %get3A_8 : vector<1024x16xf32>
    %slice3A = vector.extract_strided_slice %add3A {offsets = [0, 0], sizes = [1024, 1], strides = [1, 1]} : vector<1024x16xf32> to vector<1024x1xf32>
    %add3A_9 = arith.constant 1.000000e+00 : f32
    %add3A_10 = vector.broadcast %add3A_9 : f32 to vector<1024x1xf32>
    %add3A_11 = arith.addf %slice3A, %add3A_10 : vector<1024x1xf32>
    %rsqrt3A = math.rsqrt %add3A_11 : vector<1024x1xf32>
    %get3A_12 = arith.constant 0 : index
    %get3A_13 = arith.constant 0 : index
    %get3A_14 = vector.load %arg1[%get3A_12, %get3A_13] : memref<1024x128xf32, #tpu.memory_space<vmem>>, vector<1024x128xf32>
    %mul3A = vector.broadcast %rsqrt3A : vector<1024x1xf32> to vector<1024x128xf32>
    %mul3A_15 = arith.mulf %get3A_14, %mul3A : vector<1024x128xf32>
    %swap3A = arith.constant 0 : index
    %swap3A_16 = arith.constant 0 : index
    %swap3A_17 = vector.load %arg3[%swap3A, %swap3A_16] : memref<1024x128xf32, #tpu.memory_space<vmem>>, vector<1024x128xf32>
    tpu.vector_store %arg3[%swap3A, %swap3A_16], %mul3A_15 {strides = array<i32>} : memref<1024x128xf32, #tpu.memory_space<vmem>>, vector<1024x128xf32>,
    %swap3A_18 = arith.constant 0 : index
    %swap3A_19 = arith.constant 0 : index
    %swap3A_20 = vector.load %arg4[%swap3A_18, %swap3A_19] : memref<1024x1xf32, #tpu.memory_space<vmem>>, vector<1024x1xf32>
    tpu.vector_store %arg4[%swap3A_18, %swap3A_19], %rsqrt3A {strides = array<i32>} : memref<1024x1xf32, #tpu.memory_space<vmem>>, vector<1024x1xf32>,
    return
  }
  func.func @transform_0(%arg0: i32) -> (i32, i32) {
    %c0_i32 = arith.constant 0 : i32
    %c0_i32_0 = arith.constant 0 : i32
    return %arg0, %c0_i32 : i32, i32
  }
  func.func @transform_1(%arg0: i32) -> (i32, i32, i32) {
    %c0_i32 = arith.constant 0 : i32
    %c0_i32_0 = arith.constant 0 : i32
    %c0_i32_1 = arith.constant 0 : i32
    return %c0_i32, %arg0, %c0_i32_0 : i32, i32, i32
  }
  func.func @transform_2(%arg0: i32) -> (i32, i32) {
    %c0_i32 = arith.constant 0 : i32
    %c0_i32_0 = arith.constant 0 : i32
    return %arg0, %c0_i32 : i32, i32
  }
  func.func @transform_3(%arg0: i32) -> (i32, i32) {
    %c0_i32 = arith.constant 0 : i32
    %c0_i32_0 = arith.constant 0 : i32
    return %arg0, %c0_i32 : i32, i32
  }
}

module attributes {stable_mosaic.version = 14 : i64} {
  func.func @body(%arg0: i32, %arg1: memref<2x1024x128xf32, #tpu.memory_space<vmem>>, %arg2: memref<1024x1xf32, #tpu.memory_space<vmem>>, %arg3: memref<1x128xf32, #tpu.memory_space<vmem>>, %arg4: memref<128x128xf32, #tpu.memory_space<vmem>>, %arg5: memref<1024x128xf32, #tpu.memory_space<vmem>>) attributes {dimension_semantics = [#tpu.dimension_semantics<arbitrary>], iteration_bounds = array<i64: 10>, scalar_prefetch = 0 : i64, scratch_operands = 0 : i64, tpu.core_type = #tpu.core_type<tc>, window_params = [{transform_indices = @transform_0, window_bounds = array<i64: 2, 1024, 128>}, {transform_indices = @transform_1, window_bounds = array<i64: 1024, 1>}, {pipeline_mode = #tpu.pipeline_mode<synchronous>, transform_indices = @transform_2, window_bounds = array<i64: 1, 128>}, {pipeline_mode = #tpu.pipeline_mode<synchronous>, transform_indices = @transform_3, window_bounds = array<i64: 128, 128>}, {transform_indices = @transform_4, window_bounds = array<i64: 1024, 128>}]} {
    %get3A = arith.constant 0 : index
    %get3A_0 = arith.constant 0 : index
    %get3A_1 = arith.constant 0 : index
    %get3A_2 = vector.load %arg1[%get3A, %get3A_0, %get3A_1] : memref<2x1024x128xf32, #tpu.memory_space<vmem>>, vector<1x1024x128xf32>
    %get3A_3 = vector.shape_cast %get3A_2 : vector<1x1024x128xf32> to vector<1024x128xf32>
    %get3A_4 = arith.constant 1 : index
    %get3A_5 = arith.constant 0 : index
    %get3A_6 = arith.constant 0 : index
    %get3A_7 = vector.load %arg1[%get3A_4, %get3A_5, %get3A_6] : memref<2x1024x128xf32, #tpu.memory_space<vmem>>, vector<1x1024x128xf32>
    %get3A_8 = vector.shape_cast %get3A_7 : vector<1x1024x128xf32> to vector<1024x128xf32>
    %add3A = arith.addf %get3A_3, %get3A_8 : vector<1024x128xf32>
    %get3A_9 = arith.constant 0 : index
    %get3A_10 = arith.constant 0 : index
    %get3A_11 = vector.load %arg2[%get3A_9, %get3A_10] : memref<1024x1xf32, #tpu.memory_space<vmem>>, vector<1024x1xf32>
    %mul3A = vector.broadcast %get3A_11 : vector<1024x1xf32> to vector<1024x128xf32>
    %mul3A_12 = arith.mulf %add3A, %mul3A : vector<1024x128xf32>
    %get3A_13 = arith.constant 0 : index
    %get3A_14 = arith.constant 0 : index
    %get3A_15 = vector.load %arg3[%get3A_13, %get3A_14] : memref<1x128xf32, #tpu.memory_space<vmem>>, vector<1x128xf32>
    %add3A_16 = vector.broadcast %get3A_15 : vector<1x128xf32> to vector<1024x128xf32>
    %add3A_17 = arith.addf %mul3A_12, %add3A_16 : vector<1024x128xf32>
    %max3A = arith.constant 0.000000e+00 : f32
    %max3A_18 = vector.broadcast %max3A : f32 to vector<1024x128xf32>
    %max3A_19 = arith.maximumf %add3A_17, %max3A_18 : vector<1024x128xf32>
    %get3A_20 = arith.constant 0 : index
    %get3A_21 = arith.constant 0 : index
    %get3A_22 = vector.load %arg4[%get3A_20, %get3A_21] : memref<128x128xf32, #tpu.memory_space<vmem>>, vector<128x128xf32>
    %dot_general3A = arith.constant dense<0.000000e+00> : vector<1024x128xf32>
    %dot_general3A_23 = tpu.matmul %max3A_19, %get3A_22, %dot_general3A {dimension_numbers = #tpu.dot_dimension_numbers<[1], [0], [0], [1], [0, 0, 1, 1], [], []>, transpose_lhs_hint = false} : vector<1024x128xf32>, vector<128x128xf32>, vector<1024x128xf32> -> vector<1024x128xf32>
    %get3A_24 = arith.constant 0 : index
    %get3A_25 = arith.constant 0 : index
    %get3A_26 = vector.load %arg2[%get3A_24, %get3A_25] : memref<1024x1xf32, #tpu.memory_space<vmem>>, vector<1024x1xf32>
    %mul3A_27 = vector.broadcast %get3A_26 : vector<1024x1xf32> to vector<1024x128xf32>
    %mul3A_28 = arith.mulf %dot_general3A_23, %mul3A_27 : vector<1024x128xf32>
    %swap3A = arith.constant 0 : index
    %swap3A_29 = arith.constant 0 : index
    %swap3A_30 = vector.load %arg5[%swap3A, %swap3A_29] : memref<1024x128xf32, #tpu.memory_space<vmem>>, vector<1024x128xf32>
    tpu.vector_store %arg5[%swap3A, %swap3A_29], %mul3A_28 {strides = array<i32>} : memref<1024x128xf32, #tpu.memory_space<vmem>>, vector<1024x128xf32>,
    return
  }
  func.func @transform_0(%arg0: i32) -> (i32, i32, i32) {
    %c0_i32 = arith.constant 0 : i32
    %c0_i32_0 = arith.constant 0 : i32
    %c0_i32_1 = arith.constant 0 : i32
    return %c0_i32, %arg0, %c0_i32_0 : i32, i32, i32
  }
  func.func @transform_1(%arg0: i32) -> (i32, i32) {
    %c0_i32 = arith.constant 0 : i32
    %c0_i32_0 = arith.constant 0 : i32
    return %arg0, %c0_i32 : i32, i32
  }
  func.func @transform_2(%arg0: i32) -> (i32, i32) {
    %c0_i32 = arith.constant 0 : i32
    %c0_i32_0 = arith.constant 0 : i32
    %c0_i32_1 = arith.constant 0 : i32
    return %c0_i32, %c0_i32_0 : i32, i32
  }
  func.func @transform_3(%arg0: i32) -> (i32, i32) {
    %c0_i32 = arith.constant 0 : i32
    %c0_i32_0 = arith.constant 0 : i32
    %c0_i32_1 = arith.constant 0 : i32
    return %c0_i32, %c0_i32_0 : i32, i32
  }
  func.func @transform_4(%arg0: i32) -> (i32, i32) {
    %c0_i32 = arith.constant 0 : i32
    %c0_i32_0 = arith.constant 0 : i32
    return %arg0, %c0_i32 : i32, i32
  }
}

module attributes {stable_mosaic.version = 14 : i64} {
  func.func @body(%arg0: i32, %arg1: memref<2x1024x128xf32, #tpu.memory_space<vmem>>, %arg2: memref<1024x1xf32, #tpu.memory_space<vmem>>, %arg3: memref<1x128xf32, #tpu.memory_space<vmem>>, %arg4: memref<128x128xf32, #tpu.memory_space<vmem>>, %arg5: memref<1x128xf32, #tpu.memory_space<vmem>>, %arg6: memref<1024x128xf32, #tpu.memory_space<vmem>>) attributes {dimension_semantics = [#tpu.dimension_semantics<arbitrary>], iteration_bounds = array<i64: 10>, scalar_prefetch = 0 : i64, scratch_operands = 0 : i64, tpu.core_type = #tpu.core_type<tc>, window_params = [{transform_indices = @transform_0, window_bounds = array<i64: 2, 1024, 128>}, {transform_indices = @transform_1, window_bounds = array<i64: 1024, 1>}, {pipeline_mode = #tpu.pipeline_mode<synchronous>, transform_indices = @transform_2, window_bounds = array<i64: 1, 128>}, {pipeline_mode = #tpu.pipeline_mode<synchronous>, transform_indices = @transform_3, window_bounds = array<i64: 128, 128>}, {pipeline_mode = #tpu.pipeline_mode<synchronous>, transform_indices = @transform_4, window_bounds = array<i64: 1, 128>}, {transform_indices = @transform_5, window_bounds = array<i64: 1024, 128>}]} {
    %get3A = arith.constant 0 : index
    %get3A_0 = arith.constant 0 : index
    %get3A_1 = arith.constant 0 : index
    %get3A_2 = vector.load %arg1[%get3A, %get3A_0, %get3A_1] : memref<2x1024x128xf32, #tpu.memory_space<vmem>>, vector<1x1024x128xf32>
    %get3A_3 = vector.shape_cast %get3A_2 : vector<1x1024x128xf32> to vector<1024x128xf32>
    %get3A_4 = arith.constant 1 : index
    %get3A_5 = arith.constant 0 : index
    %get3A_6 = arith.constant 0 : index
    %get3A_7 = vector.load %arg1[%get3A_4, %get3A_5, %get3A_6] : memref<2x1024x128xf32, #tpu.memory_space<vmem>>, vector<1x1024x128xf32>
    %get3A_8 = vector.shape_cast %get3A_7 : vector<1x1024x128xf32> to vector<1024x128xf32>
    %add3A = arith.addf %get3A_3, %get3A_8 : vector<1024x128xf32>
    %get3A_9 = arith.constant 0 : index
    %get3A_10 = arith.constant 0 : index
    %get3A_11 = vector.load %arg2[%get3A_9, %get3A_10] : memref<1024x1xf32, #tpu.memory_space<vmem>>, vector<1024x1xf32>
    %mul3A = vector.broadcast %get3A_11 : vector<1024x1xf32> to vector<1024x128xf32>
    %mul3A_12 = arith.mulf %add3A, %mul3A : vector<1024x128xf32>
    %get3A_13 = arith.constant 0 : index
    %get3A_14 = arith.constant 0 : index
    %get3A_15 = vector.load %arg3[%get3A_13, %get3A_14] : memref<1x128xf32, #tpu.memory_space<vmem>>, vector<1x128xf32>
    %add3A_16 = vector.broadcast %get3A_15 : vector<1x128xf32> to vector<1024x128xf32>
    %add3A_17 = arith.addf %mul3A_12, %add3A_16 : vector<1024x128xf32>
    %max3A = arith.constant 0.000000e+00 : f32
    %max3A_18 = vector.broadcast %max3A : f32 to vector<1024x128xf32>
    %max3A_19 = arith.maximumf %add3A_17, %max3A_18 : vector<1024x128xf32>
    %get3A_20 = arith.constant 0 : index
    %get3A_21 = arith.constant 0 : index
    %get3A_22 = vector.load %arg4[%get3A_20, %get3A_21] : memref<128x128xf32, #tpu.memory_space<vmem>>, vector<128x128xf32>
    %dot_general3A = arith.constant dense<0.000000e+00> : vector<1024x128xf32>
    %dot_general3A_23 = tpu.matmul %max3A_19, %get3A_22, %dot_general3A {dimension_numbers = #tpu.dot_dimension_numbers<[1], [0], [0], [1], [0, 0, 1, 1], [], []>, transpose_lhs_hint = false} : vector<1024x128xf32>, vector<128x128xf32>, vector<1024x128xf32> -> vector<1024x128xf32>
    %get3A_24 = arith.constant 0 : index
    %get3A_25 = arith.constant 0 : index
    %get3A_26 = vector.load %arg5[%get3A_24, %get3A_25] : memref<1x128xf32, #tpu.memory_space<vmem>>, vector<1x128xf32>
    %add3A_27 = vector.broadcast %get3A_26 : vector<1x128xf32> to vector<1024x128xf32>
    %add3A_28 = arith.addf %dot_general3A_23, %add3A_27 : vector<1024x128xf32>
    %reduce_max3A = arith.constant dense<0xFF800000> : vector<1024xf32>
    %reduce_max3A_29 = vector.multi_reduction <maximumf>, %add3A_28, %reduce_max3A [1] : vector<1024x128xf32> to vector<1024xf32>
    %broadcast_in_dim3A = vector.shape_cast %reduce_max3A_29 : vector<1024xf32> to vector<1024x1xf32>
    %sub3A = vector.broadcast %broadcast_in_dim3A : vector<1024x1xf32> to vector<1024x128xf32>
    %sub3A_30 = arith.subf %add3A_28, %sub3A : vector<1024x128xf32>
    %exp3A = math.exp %sub3A_30 : vector<1024x128xf32>
    %reduce_sum3A = arith.constant dense<0.000000e+00> : vector<1024xf32>
    %reduce_sum3A_31 = vector.multi_reduction <add>, %exp3A, %reduce_sum3A [1] : vector<1024x128xf32> to vector<1024xf32>
    %broadcast_in_dim3A_32 = vector.shape_cast %reduce_sum3A_31 : vector<1024xf32> to vector<1024x1xf32>
    %div3A = vector.broadcast %broadcast_in_dim3A_32 : vector<1024x1xf32> to vector<1024x128xf32>
    %div3A_33 = arith.divf %exp3A, %div3A : vector<1024x128xf32>
    %swap3A = arith.constant 0 : index
    %swap3A_34 = arith.constant 0 : index
    %swap3A_35 = vector.load %arg6[%swap3A, %swap3A_34] : memref<1024x128xf32, #tpu.memory_space<vmem>>, vector<1024x128xf32>
    tpu.vector_store %arg6[%swap3A, %swap3A_34], %div3A_33 {strides = array<i32>} : memref<1024x128xf32, #tpu.memory_space<vmem>>, vector<1024x128xf32>,
    return
  }
  func.func @transform_0(%arg0: i32) -> (i32, i32, i32) {
    %c0_i32 = arith.constant 0 : i32
    %c0_i32_0 = arith.constant 0 : i32
    %c0_i32_1 = arith.constant 0 : i32
    return %c0_i32, %arg0, %c0_i32_0 : i32, i32, i32
  }
  func.func @transform_1(%arg0: i32) -> (i32, i32) {
    %c0_i32 = arith.constant 0 : i32
    %c0_i32_0 = arith.constant 0 : i32
    return %arg0, %c0_i32 : i32, i32
  }
  func.func @transform_2(%arg0: i32) -> (i32, i32) {
    %c0_i32 = arith.constant 0 : i32
    %c0_i32_0 = arith.constant 0 : i32
    %c0_i32_1 = arith.constant 0 : i32
    return %c0_i32, %c0_i32_0 : i32, i32
  }
  func.func @transform_3(%arg0: i32) -> (i32, i32) {
    %c0_i32 = arith.constant 0 : i32
    %c0_i32_0 = arith.constant 0 : i32
    %c0_i32_1 = arith.constant 0 : i32
    return %c0_i32, %c0_i32_0 : i32, i32
  }
  func.func @transform_4(%arg0: i32) -> (i32, i32) {
    %c0_i32 = arith.constant 0 : i32
    %c0_i32_0 = arith.constant 0 : i32
    %c0_i32_1 = arith.constant 0 : i32
    return %c0_i32, %c0_i32_0 : i32, i32
  }
  func.func @transform_5(%arg0: i32) -> (i32, i32) {
    %c0_i32 = arith.constant 0 : i32
    %c0_i32_0 = arith.constant 0 : i32
    return %arg0, %c0_i32 : i32, i32
  }
}

</mosaic_0001>

<sc_bundles>
// kernel: kernel.10.cloned.1.call-start
scs
__scs_entry_jumppad:
0x0: {  	(pc) =	sbr.rel $0x88, $3  }
0x1: {  	(tag) =	ssettag $0x0;
	lr =	simm.s32 $0x1  }
0x2: {  	[smem:$0x3F99] =	sst lr;
	_ =	strace $0xD0000000  }
0x3: {  	_ = 	snop  }
0x4: {  	_ = 	snop  }
0x5: {  	_ = 	snop  }
0x6: {  	_ = 	snop  }
0x7: {  	_ = 	snop  }
__scs_overlays_trampoline_lowered:
0x8: {  	[smem:$0x3FA8] =	sst s0  }
0x9: {  	[smem:$0x3FA9] =	sst s1  }
0xa: {  	[smem:$0x3FAA] =	sst s2  }
0xb: {  	[smem:$0x3FAB] =	sst s3  }
0xc: {  	[smem:$0x3FAC] =	sst s4  }
0xd: {  	[smem:$0x3FAD] =	sst s5  }
0xe: {  	[smem:$0x3FAE] =	sst s6  }
0xf: {  	[smem:$0x3FAF] =	sst s7  }
0x10: {  	[smem:$0x3FB0] =	sst s8  }
0x11: {  	[smem:$0x3FB1] =	sst s9;
	s0 =	simm.s32 @!p0 $0x0  }
0x12: {  	s1 =	sld [smem:$0x3F97];
	s0 =	simm.s32 @p0 $0x1  }
0x13: {  	[smem:$0x3FB2] =	sst s0;
	s0 =	simm.s32 @!p1 $0x0  }
0x14: {  	s2 =	sld [smem:$0x3F96];
	s0 =	simm.s32 @p1 $0x1  }
0x15: {  	[smem:$0x3FB3] =	sst s0;
	s0 =	simm.s32 @!p2 $0x0  }
0x16: {  	s3 =	sld [smem:$0x3FDB];
	s0 =	simm.s32 @p2 $0x1  }
0x17: {  	s4 =	simm.s32 $0x1BF5;
	[smem:$0x3FB5] =	sst s0  }
0x18: {  	s0 =	sld [smem:$0x3F98];
	_ =	swait.ge [sflag:s4], $0x0  }
0x19: {  	s7 =	sld [smem:$0x3F99]  }
0x1a: {  	s8 =	sadd.s32 $0xFFFFE003, lr  }
0x1b: {  	s9 =	sadd.s32 $0xFFFFFEF7, lr;
	s5 =	simm.s32 $0xFFFFFFFF;
	p2 =	slt.u32 s8, $0xFFFFF086  }
0x1c: {  	p1 =	slt.u32 s9, $0xF7A;
	s5 =	simm.s32 @!p2 $0x0  }
0x1d: {  	s5 =	simm.s32 @p1 $0x1;
	p0 =	seq.s32 s7, s2  }
0x1e: {  	s7 =	smul.u32 @!p0 $0xF7A, s2;
	p2 =	seq.s32 @!p0 s5, $0x0  }
0x1f: {  	s9 =	smul.u32 $0xF7A, s1;
	s8 =	simm.s32 @!p0 $0x1BF5;
	p2 =	por !p2, p0  }
0x20: {  	[sflag:s8] =	ssyncset.s32 @!p0 $0xFFFFF086;
	s6 =	sadd.s32 @!p0 s3, s7;
	s7 =	simm.s32 @!p0 $0x108  }
0x21: {  	s3 =	sadd.s32 s3, s9;
	s6 =	sadd.s32 @!p0 $0x88, s6;
	s7 =	simm.s32 @p2 $0x1082  }
0x22: {  	[simem:s7], [sflag:s8] =	dma.local @!p0 [hbm:s6], $0xF7A  }
0x23: {  	s9 =	sor.u32 $0xD0000000, s2;
	s6 =	simm.s32 $0x108;
	_ =	swait.ge @!p0 [sflag:s8], $0x0  }
0x24: {  	s3 =	sadd.s32 $0x88, s3;
	s6 =	simm.s32 @!p1 $0x1082;
	[sflag:s4] =	ssyncset.s32 $0xFFFFF086  }
0x25: {  	[simem:s6], [sflag:s4] =	dma.local [hbm:s3], $0xF7A  }
0x26: {  	[smem:$0x3F99] =	sst s1;
	(tag) =	ssettag s2;
	_ =	strace s9  }
0x27: {  	s1 =	sld [smem:$0x3FA9]  }
0x28: {  	s2 =	sld [smem:$0x3FAA]  }
0x29: {  	s4 =	sld [smem:$0x3FAC]  }
0x2a: {  	p0 =	seq.s32 s5, $0x0;
	s5 =	sld [smem:$0x3FAD]  }
0x2b: {  	s6 =	sld [smem:$0x3FAE]  }
0x2c: {  	s7 =	sld [smem:$0x3FAF]  }
0x2d: {  	s3 =	simm.s32 $0x108;
	s8 =	sld [smem:$0x3FB0]  }
0x2e: {  	s3 =	simm.s32 @!p0 $0x1082;
	s9 =	sld [smem:$0x3FB1]  }
0x2f: {  	lr =	sadd.s32 s0, s3;
	s0 =	sld [smem:$0x3FA8]  }
0x30: {  	s3 =	sld [smem:$0x3FAB]  }
0x31: {  	[smem:$0x3FB4] =	sst s10  }
0x32: {  	s10 =	sld [smem:$0x3FB2];
	_ =	sdelay $0x3  }
0x33: {  	p0 =	seq.s32 s10, $0x1;
	s10 =	sld [smem:$0x3FB4];
	_ =	sdelay $0x3  }
0x34: {  	[smem:$0x3FB4] =	sst s10  }
0x35: {  	s10 =	sld [smem:$0x3FB3];
	_ =	sdelay $0x3  }
0x36: {  	p1 =	seq.s32 s10, $0x1;
	s10 =	sld [smem:$0x3FB4];
	_ =	sdelay $0x3  }
0x37: {  	[smem:$0x3FB4] =	sst s10  }
0x38: {  	s10 =	sld [smem:$0x3FB5]  }
0x39: {  	_ = 	snop;
	(pc) =	sbr.ind lr, $3  }
0x3a: {  	_ = 	snop  }
0x3b: {  	_ = 	snop  }
0x3c: {  	p2 =	seq.s32 s10, $0x1;
	s10 =	sld [smem:$0x3FB4]  }
0x3d: {  	_ =	shalt  }
0x3e: {  	_ =	shalt  }
0x3f: {  	_ =	shalt  }
0x40: {  	_ =	shalt  }
0x41: {  	_ =	shalt  }
0x42: {  	_ =	shalt  }
0x43: {  	_ =	shalt  }
0x44: {  	_ =	shalt  }
0x45: {  	_ =	shalt  }
0x46: {  	_ =	shalt  }
0x47: {  	_ =	shalt  }
0x48: {  	_ =	shalt  }
0x49: {  	_ =	shalt  }
0x4a: {  	_ =	shalt  }
0x4b: {  	_ =	shalt  }
0x4c: {  	_ =	shalt  }
0x4d: {  	_ =	shalt  }
0x4e: {  	_ =	shalt  }
0x4f: {  	_ =	shalt  }
0x50: {  	_ =	shalt  }
0x51: {  	_ =	shalt  }
0x52: {  	_ =	shalt  }
0x53: {  	_ =	shalt  }
0x54: {  	_ =	shalt  }
0x55: {  	_ =	shalt  }
0x56: {  	_ =	shalt  }
0x57: {  	_ =	shalt  }
0x58: {  	_ =	shalt  }
0x59: {  	_ =	shalt  }
0x5a: {  	_ =	shalt  }
0x5b: {  	_ =	shalt  }
0x5c: {  	_ =	shalt  }
0x5d: {  	_ =	shalt  }
0x5e: {  	_ =	shalt  }
0x5f: {  	_ =	shalt  }
0x60: {  	_ =	shalt  }
0x61: {  	_ =	shalt  }
0x62: {  	_ =	shalt  }
0x63: {  	_ =	shalt  }
0x64: {  	_ =	shalt  }
0x65: {  	_ =	shalt  }
0x66: {  	_ =	shalt  }
0x67: {  	_ =	shalt  }
0x68: {  	_ =	shalt  }
0x69: {  	_ =	shalt  }
0x6a: {  	_ =	shalt  }
0x6b: {  	_ =	shalt  }
0x6c: {  	_ =	shalt  }
0x6d: {  	_ =	shalt  }
0x6e: {  	_ =	shalt  }
0x6f: {  	_ =	shalt  }
0x70: {  	_ =	shalt  }
0x71: {  	_ =	shalt  }
0x72: {  	_ =	shalt  }
0x73: {  	_ =	shalt  }
0x74: {  	_ =	shalt  }
0x75: {  	_ =	shalt  }
0x76: {  	_ =	shalt  }
0x77: {  	_ =	shalt  }
0x78: {  	_ =	shalt  }
0x79: {  	_ =	shalt  }
0x7a: {  	_ =	shalt  }
0x7b: {  	_ =	shalt  }
0x7c: {  	_ =	shalt  }
0x7d: {  	_ =	shalt  }
0x7e: {  	_ =	shalt  }
0x7f: {  	_ =	shalt  }
0x80: {  	_ =	shalt  }
0x81: {  	_ =	shalt  }
0x82: {  	_ =	shalt  }
0x83: {  	_ =	shalt  }
0x84: {  	_ =	shalt  }
0x85: {  	_ =	shalt  }
0x86: {  	_ =	shalt  }
0x87: {  	_ =	shalt  }
.Lfunc_end0:
.L_simem_size_0:
called_computation_lowered:
.L_overlay_start_0:
0x88: {  	s2 =	sld [smem:$0x3FD9]  }
0x89: {  	s3 =	sld [smem:$0x3FFE];
	_ =	sdelay $0x1  }
0x8a: {  	s1 =	srdreg.scid  }
0x8b: {  	s0 =	sand.u32 $0x1, s1  }
0x8c: {  	s17 =	sshll.u32 s0, $0xA;
	s2 =	sadd.s32 s3, s2  }
0x8d: {  	s2 =	sadd.s32 s2, s17  }
0x8e: {  	[smem:$0x3FC0] =	sst s2  }
0x8f: {  	_ = 	snop  }
0x90: {  	s2 =	sld [smem:$0x3FD0];
	(tm) =	ssettm $0x1  }
0x91: {  	s18 =	sld [smem:$0x3FFB];
	_ =	sdelay $0x3  }
0x92: {  	_ =	strace s18  }
0x93: {  	s3 =	sld [smem:$0x3FFC];
	_ =	sdelay $0x3  }
0x94: {  	_ =	strace s3  }
0x95: {  	s3 =	sld [smem:$0x3FFD];
	_ =	sdelay $0x3  }
0x96: {  	_ =	strace s3  }
0x97: {  	_ =	strace $0x8FFFFFFF  }
0x98: {  	s19 =	sld [smem:$0x3FDB];
	_ =	sdelay $0x1  }
0x99: {  	s4 =	simm.s32 $_scs_section_size  }
0x9a: {  	s5 =	simm.s32 $_size__tile_overlayer_lowered;
	s6 =	simm.s32 $_tile_overlayer_lowered  }
0x9b: {  	s22 =	simm.s32 $0x1BFF;
	s21 =	sshll.u32 s6, $0x1;
	s3 =	sadd.s32 s4, s19  }
0x9c: {  	s7 =	simm.s32 $0x0;
	s20 =	sshll.u32 s5, $0x1;
	s5 =	sadd.s32 s21, s3  }
0x9d: {  	[timem:s7], [sflag:s22] =	dma.local [hbm:s5], s20  }
0x9e: {  	_ =	swait.ge [sflag:s22], s20  }
0x9f: {  	s4 =	ssub.s32 $0x0, s20;
	[sflag:s22] =	ssyncset.done $0x0  }
0xa0: {  	[sflag:s22] =	ssyncadd.s32 s4;
	_ =	sdelay $0x1  }
0xa1: {  	s23 =	simm.s32 $0x1B8B  }
0xa2: {  	_ =	swait.ge [sflag:s23], $0x1  }
0xa3: {  	[sflag:s23] =	ssyncset.done $0x0  }
0xa4: {  	s25 =	simm.s32 $0x1B8E;
	s24 =	sld [smem:$0x3FFE];
	[sflag:s23] =	ssyncadd.s32 $0xFFFFFFFF  }
0xa5: {  	s26 =	simm.s32 $execute0_lowered;
	[smem:$0x3FD2] =	sst s25  }
0xa6: {  	s5 =	sshll.u32 s26, $0x1;
	_ =	strace $0x80000046;
	[dreg:$0x1] =	wrdreg $0xFFFFFFFF  }
0xa7: {  	s28 =	simm.s32 $_size_execute0_lowered;
	s3 =	sadd.s32 s3, s5;
	[dreg:$0x0] =	wrdreg $0x0  }
0xa8: {  	s5 =	sshll.u32 s28, $0x1;
	[dreg:$0x2] =	wrdreg s3  }
0xa9: {  	[dreg:$0x3] =	wrdreg s5  }
0xaa: {  	[dreg:$0x4] =	wrdreg $0xC0  }
0xab: {  	_ =	task [dreg:s7], $0x5FFFF  }
0xac: {  	[dreg:$0x1] =	wrdreg $0xFFFFFFFF  }
0xad: {  	[dreg:$0x0] =	wrdreg $0x60  }
0xae: {  	[dreg:$0x2] =	wrdreg s2  }
0xaf: {  	[dreg:$0x3] =	wrdreg s24  }
0xb0: {  	[dreg:$0x4] =	wrdreg $0x68000  }
0xb1: {  	[dreg:$0x5] =	wrdreg $0x9  }
0xb2: {  	_ =	task.clear_ibuf [dreg:s7], $0x6FFFF;
	_ =	strace $0x90000046  }
0xb3: {  	s29 =	simm.s32 $0x9;
	_ =	strace $0x80000048  }
0xb4: {  	_ =	swait.ge [sflag:s29], $0x1  }
0xb5: {  	[sflag:s29] =	ssyncadd.s32 $0xFFFFFFFF  }
0xb6: {  	_ =	strace $0x90000048  }
0xb7: {  	_ =	sfence  }
0xb8: {  	s30 =	sld [smem:$0x0];
	_ =	sdelay $0x2  }
0xb9: {  	s31 =	sshll.u32 s1, $0xD;
	s1 =	sshrl.u32 s1, $0x2  }
0xba: {  	s3 =	sand.u32 $0x4000, s31;
	s1 =	sadd.s32 s1, s30  }
0xbb: {  	s0 =	sor.u32 s3, s0;
	s1 =	sshll.u32 s1, $0x11  }
0xbc: {  	s0 =	sor.u32 s1, s0  }
0xbd: {  	s0 =	sadd.s32 $0x8F2B, s0  }
0xbe: {  	[sflag:s0] =	ssyncadd.remote.s32 $0x1  }
0xbf: {  	_ =	sfence.sel $0xFFFF  }
0xc0: {  	[dreg:$0x0] =	wrdreg $0xFFFFFFFF;
	(pc) =	sbr.abs _section_cstart, $3  }
0xc1: {  	[dreg:$0x1] =	wrdreg $0xFFFFFFFF  }
0xc2: {  	_ =	task.clear_ibuf [dreg:s7], $0x2FFFF;
	_ =	strace $0x9FFFFFFF  }
0xc3: {  	(tm) =	ssettm $0x7FFFFFFF  }
tec
execute0_lowered:
.L_overlay_start_1:
0x0: {  	(tag) =	ssettag $0x1  }
0x1: {  	s5 =	rddreg [dreg:$0x0]  }
0x2: {  	s4 =	rddreg [dreg:$0x1]  }
0x3: {  	s1 =	rddreg [dreg:$0x2];
	s2 =	srdreg.scid  }
0x4: {  	s0 =	rddreg [dreg:$0x3];
	s3 =	simm.s32 $0x0;
	s12 =	simm.s32 $0x2800  }
0x5: {  	s13 =	simm.s32 $0x1;
	s6 =	sand.u32 $0x1, s2;
	s2 =	stileid.u32  }
0x6: {  	s14 =	simm.s32 $0x80;
	[smem:$0x7FF] =	sst s3;
	s7 =	smul.u32 $0x140000, s6  }
0x7: {  	s8 =	smul.u32 $0x14000, s2;
	_ =	strace $0x80000047;
	s9 =	sshll.u32 s6, $0x4  }
0x8: {  	s30 =	smul.u32 $0x50000, s2;
	s6 =	ssub.s32 $0x2, s6;
	s15 =	sshll.u32 s2, $0x6  }
0x9: {  	s29 =	sor.u32 s2, s9;
	s31 =	sshrl.u32 s6, $0x1;
	s7 =	sadd.s32 s8, s7  }
0xa: {  	s15 =	sor.u32 $0x1C01, s15;
	s8 =	smul.u32 $0x500, s29;
	s7 =	sshrl.u32 s7, $0x3  }
0xb: {  	s9 =	sshrl.u32 s30, $0x2;
	s10 =	ssub.s32 s6, s31;
	s7 =	sadd.s32 s7, s4  }
0xc: {  	s4 =	sadd.s32 s9, s1;
	s5 =	sadd.s32 s5, s8;
	s6 =	sadd.s32 $0x1E00, s7  }
0xd: {  	s7 =	smax.u32 s10, $0x1;
	s8 =	sadd.s32 $0x4000, s4;
	s9 =	sadd.s32 $0x8000, s4  }
0xe: {  	v0 =	vimm.f32 $0.0e+00;
	v1 =	vimm.f32 $1.000000000e+00;
	s10 =	sadd.s32 $0xC000, s4;
	s11 =	sadd.s32 $0x10000, s4;
	s16 =	sshrl.u32 s4, $0x3  }
.LBB2_1:
0xf: {  	s17 =	simm.s32 $0x200;
	s18 =	simm.s32 $0x0  }
.LBB2_2:
0x10: {  	p0 =	sne.s32 s17, $0xFE00;
	[tilespmem:s18+$0x2800] =	vst v0;
	s18 =	smov.u32 s17;
	s17 =	sadd.s32 $0x200, s17  }
.Ltmp0:
0x11: {  	(pc) =	sbr.rel @p0 .LBB2_2-.Ltmp0, $2  }
0x12: {  	_ =	sdelay $0x2  }
0x13: {  	s18 =	sshra.s32 s18, $0x2  }
0x14: {  	[tilespmem:s18+$0x2800] =	vst v0  }
0x15: {  	[spmem:s4] =	stream.linear.scatter [tilespmem:s12], [sflag:$0x1], $0x4000, $0x38;
	[tilespmem:$0x9000] =	vst v63  }
0x16: {  	_ =	swait.ge [sflag:s13], $0x4000  }
0x17: {  	[sflag:s13] =	ssyncset.done $0x0  }
0x18: {  	[sflag:s13] =	ssyncadd.s32 $0xFFFFC000  }
0x19: {  	[spmem:s8] =	stream.linear.scatter [tilespmem:s12], [sflag:$0x1], $0x4000, $0x38;
	[tilespmem:$0x9000] =	vst v63  }
0x1a: {  	_ =	swait.ge [sflag:s13], $0x4000  }
0x1b: {  	[sflag:s13] =	ssyncset.done $0x0  }
0x1c: {  	[sflag:s13] =	ssyncadd.s32 $0xFFFFC000  }
0x1d: {  	[spmem:s9] =	stream.linear.scatter [tilespmem:s12], [sflag:$0x1], $0x4000, $0x38;
	[tilespmem:$0x9000] =	vst v63  }
0x1e: {  	_ =	swait.ge [sflag:s13], $0x4000  }
0x1f: {  	[sflag:s13] =	ssyncset.done $0x0  }
0x20: {  	[sflag:s13] =	ssyncadd.s32 $0xFFFFC000  }
0x21: {  	[spmem:s10] =	stream.linear.scatter [tilespmem:s12], [sflag:$0x1], $0x4000, $0x38;
	[tilespmem:$0x9000] =	vst v63  }
0x22: {  	_ =	swait.ge [sflag:s13], $0x4000  }
0x23: {  	[sflag:s13] =	ssyncset.done $0x0  }
0x24: {  	[sflag:s13] =	ssyncadd.s32 $0xFFFFC000  }
0x25: {  	[spmem:s11] =	stream.linear.scatter [tilespmem:s12], [sflag:$0x1], $0x4000, $0x38;
	[tilespmem:$0x9000] =	vst v63  }
0x26: {  	_ =	swait.ge [sflag:s13], $0x4000  }
0x27: {  	[sflag:s13] =	ssyncset.done $0x0  }
0x28: {  	s17 =	simm.s32 $0x200;
	s18 =	simm.s32 $0x0;
	[sflag:s13] =	ssyncadd.s32 $0xFFFFC000  }
.LBB2_4:
0x29: {  	p0 =	sne.s32 s17, $0xFE00;
	[tilespmem:s18+$0x2800] =	vst v1;
	s18 =	smov.u32 s17;
	s17 =	sadd.s32 $0x200, s17  }
.Ltmp1:
0x2a: {  	(pc) =	sbr.rel @p0 .LBB2_4-.Ltmp1, $2  }
0x2b: {  	_ =	sdelay $0x2  }
0x2c: {  	s18 =	sshra.s32 s18, $0x2  }
0x2d: {  	[tilespmem:s18+$0x2800] =	vst v1;
	s17 =	simm.s32 $0x0  }
0x2e: {  	[tilespmem:s17], [sflag:$0x1] =	stream.linear.gather [hbm4b:s5+s17], $0x2800, $0x38;
	[tilespmem:$0x9000] =	vst v63  }
0x2f: {  	_ =	swait.ge [sflag:s13], $0x2800  }
0x30: {  	[sflag:s13] =	ssyncset.done $0x0  }
0x31: {  	[sflag:s13] =	ssyncadd.s32 $0xFFFFD800  }
0x32: {  	s31 =	simm.s32 $0x0;
	[bflag:$0x0] =	sbarrier.arrive $0xFFFF  }
0x33: {  	[spmem:s1] =	stream.indirect.scatter.add.f32 [tilespmem:s12], [sflag:$0x1], $0x10, s31, s14, $0xb8;
	[tilespmem:$0x9000] =	vst v63  }
0x34: {  	_ =	swait.ge [sflag:s13], $0x800  }
0x35: {  	s17 =	simm.s32 $0x200;
	[sflag:s13] =	ssyncset.done $0x0  }
.LBB2_6:
0x36: {  	s18 =	sshra.s32 s17, $0x2;
	[sflag:s13] =	ssyncadd.s32 $0xFFFFF800;
	p0 =	sne.s32 s17, $0x9E00  }
0x37: {  	[spmem:s1] =	stream.indirect.scatter.add.f32 [tilespmem:s12], [sflag:$0x1], $0x10, s18, s14, $0xb8;
	[tilespmem:$0x9000] =	vst v63  }
.Ltmp2:
0x38: {  	_ = 	snop;
	(pc) =	sbr.rel @p0 .LBB2_6-.Ltmp2, $4  }
0x39: {  	_ = 	snop  }
0x3a: {  	s17 =	sadd.s32 $0x200, s17  }
0x3b: {  	_ =	swait.ge [sflag:s13], $0x800  }
0x3c: {  	[sflag:s13] =	ssyncset.done $0x0  }
0x3d: {  	s3 =	sadd.s32 $0x1, s3  }
0x3e: {  	[sflag:s13] =	ssyncadd.s32 $0xFFFFF800;
	p0 =	sne.s32 s3, s7  }
.Ltmp3:
0x3f: {  	[bflag:$0x0] =	sbarrier.arrive $0xFFFF;
	(pc) =	sbr.rel @p0 .LBB2_1-.Ltmp3, $4  }
0x40: {  	[hbm:s6], [sflag:s15] =	dma.local [spmem:s16], $0x2800  }
0x41: {  	_ =	swait.ge [sflag:s13], $0x2800  }
0x42: {  	[sflag:s13] =	ssyncset.done $0x0  }
0x43: {  	[sflag:s13] =	ssyncadd.s32 $0xFFFFD800  }
0x44: {  	_ =	sfence.sel $0x180000  }
0x45: {  	[bflag:$0x0] =	sbarrier.arrive $0xFFFF  }
0x46: {  	p0 =	sne.s32 s2, $0x0;
	_ =	strace $0x90000047  }
0x47: {  	s0 =	sadd.s32 @!p0 $0x100000, s0;
	[bflag:$0x2] =	sbarrier.arrive $0xFFFF  }
0x48: {  	[sflag:s0] =	ssyncadd.tile.s32 @!p0 $0x1;
	_ =	shalt  }
.Lfunc_end2:
_tile_overlayer_lowered:
.L_overlay_start_2:
0x49: {  	(tag) =	ssettag $0x2  }
0x4a: {  	s0 =	rddreg [dreg:$0x0];
	s2 =	stileid.u32  }
0x4b: {  	s1 =	rddreg [dreg:$0x1];
	p0 =	sne.s32 s2, $0x0  }
0x4c: {  	s3 =	rddreg [dreg:$0x2];
	[bflag:$0x3] =	sbarrier.arrive $0xFFFF;
	s2 =	simm.s32 @!p0 $0x1C01  }
0x4d: {  	[timem:s3], [sflag:s2] =	dma.local @!p0 [hbm:s0], s1  }
0x4e: {  	s0 =	simm.s32 @!p0 $0x1  }
0x4f: {  	_ =	swait.ge @!p0 [sflag:s0], s1  }
0x50: {  	s1 =	ssub.s32 @!p0 $0x0, s1;
	[sflag:s0] =	ssyncset.done @!p0 $0x0  }
0x51: {  	[sflag:s0] =	ssyncadd.s32 @!p0 s1  }
0x52: {  	[bflag:$0x3] =	sbarrier.arrive $0xFFFF  }
0x53: {  	_ =	shalt  }

// kernel: kernel.13.cloned.1.call-start
scs
__scs_entry_jumppad:
0x0: {  	(pc) =	sbr.rel $0x88, $3  }
0x1: {  	(tag) =	ssettag $0x0;
	lr =	simm.s32 $0x1  }
0x2: {  	[smem:$0x3F99] =	sst lr;
	_ =	strace $0xD0000000  }
0x3: {  	_ = 	snop  }
0x4: {  	_ = 	snop  }
0x5: {  	_ = 	snop  }
0x6: {  	_ = 	snop  }
0x7: {  	_ = 	snop  }
__scs_overlays_trampoline_lowered:
0x8: {  	[smem:$0x3FA8] =	sst s0  }
0x9: {  	[smem:$0x3FA9] =	sst s1  }
0xa: {  	[smem:$0x3FAA] =	sst s2  }
0xb: {  	[smem:$0x3FAB] =	sst s3  }
0xc: {  	[smem:$0x3FAC] =	sst s4  }
0xd: {  	[smem:$0x3FAD] =	sst s5  }
0xe: {  	[smem:$0x3FAE] =	sst s6  }
0xf: {  	[smem:$0x3FAF] =	sst s7  }
0x10: {  	[smem:$0x3FB0] =	sst s8  }
0x11: {  	[smem:$0x3FB1] =	sst s9;
	s0 =	simm.s32 @!p0 $0x0  }
0x12: {  	s1 =	sld [smem:$0x3F97];
	s0 =	simm.s32 @p0 $0x1  }
0x13: {  	[smem:$0x3FB2] =	sst s0;
	s0 =	simm.s32 @!p1 $0x0  }
0x14: {  	s2 =	sld [smem:$0x3F96];
	s0 =	simm.s32 @p1 $0x1  }
0x15: {  	[smem:$0x3FB3] =	sst s0;
	s0 =	simm.s32 @!p2 $0x0  }
0x16: {  	s3 =	sld [smem:$0x3FDB];
	s0 =	simm.s32 @p2 $0x1  }
0x17: {  	s4 =	simm.s32 $0x1BF5;
	[smem:$0x3FB5] =	sst s0  }
0x18: {  	s0 =	sld [smem:$0x3F98];
	_ =	swait.ge [sflag:s4], $0x0  }
0x19: {  	s7 =	sld [smem:$0x3F99]  }
0x1a: {  	s8 =	sadd.s32 $0xFFFFE003, lr  }
0x1b: {  	s9 =	sadd.s32 $0xFFFFFEF7, lr;
	s5 =	simm.s32 $0xFFFFFFFF;
	p2 =	slt.u32 s8, $0xFFFFF086  }
0x1c: {  	p1 =	slt.u32 s9, $0xF7A;
	s5 =	simm.s32 @!p2 $0x0  }
0x1d: {  	s5 =	simm.s32 @p1 $0x1;
	p0 =	seq.s32 s7, s2  }
0x1e: {  	s7 =	smul.u32 @!p0 $0xF7A, s2;
	p2 =	seq.s32 @!p0 s5, $0x0  }
0x1f: {  	s9 =	smul.u32 $0xF7A, s1;
	s8 =	simm.s32 @!p0 $0x1BF5;
	p2 =	por !p2, p0  }
0x20: {  	[sflag:s8] =	ssyncset.s32 @!p0 $0xFFFFF086;
	s6 =	sadd.s32 @!p0 s3, s7;
	s7 =	simm.s32 @!p0 $0x108  }
0x21: {  	s3 =	sadd.s32 s3, s9;
	s6 =	sadd.s32 @!p0 $0x88, s6;
	s7 =	simm.s32 @p2 $0x1082  }
0x22: {  	[simem:s7], [sflag:s8] =	dma.local @!p0 [hbm:s6], $0xF7A  }
0x23: {  	s9 =	sor.u32 $0xD0000000, s2;
	s6 =	simm.s32 $0x108;
	_ =	swait.ge @!p0 [sflag:s8], $0x0  }
0x24: {  	s3 =	sadd.s32 $0x88, s3;
	s6 =	simm.s32 @!p1 $0x1082;
	[sflag:s4] =	ssyncset.s32 $0xFFFFF086  }
0x25: {  	[simem:s6], [sflag:s4] =	dma.local [hbm:s3], $0xF7A  }
0x26: {  	[smem:$0x3F99] =	sst s1;
	(tag) =	ssettag s2;
	_ =	strace s9  }
0x27: {  	s1 =	sld [smem:$0x3FA9]  }
0x28: {  	s2 =	sld [smem:$0x3FAA]  }
0x29: {  	s4 =	sld [smem:$0x3FAC]  }
0x2a: {  	p0 =	seq.s32 s5, $0x0;
	s5 =	sld [smem:$0x3FAD]  }
0x2b: {  	s6 =	sld [smem:$0x3FAE]  }
0x2c: {  	s7 =	sld [smem:$0x3FAF]  }
0x2d: {  	s3 =	simm.s32 $0x108;
	s8 =	sld [smem:$0x3FB0]  }
0x2e: {  	s3 =	simm.s32 @!p0 $0x1082;
	s9 =	sld [smem:$0x3FB1]  }
0x2f: {  	lr =	sadd.s32 s0, s3;
	s0 =	sld [smem:$0x3FA8]  }
0x30: {  	s3 =	sld [smem:$0x3FAB]  }
0x31: {  	[smem:$0x3FB4] =	sst s10  }
0x32: {  	s10 =	sld [smem:$0x3FB2];
	_ =	sdelay $0x3  }
0x33: {  	p0 =	seq.s32 s10, $0x1;
	s10 =	sld [smem:$0x3FB4];
	_ =	sdelay $0x3  }
0x34: {  	[smem:$0x3FB4] =	sst s10  }
0x35: {  	s10 =	sld [smem:$0x3FB3];
	_ =	sdelay $0x3  }
0x36: {  	p1 =	seq.s32 s10, $0x1;
	s10 =	sld [smem:$0x3FB4];
	_ =	sdelay $0x3  }
0x37: {  	[smem:$0x3FB4] =	sst s10  }
0x38: {  	s10 =	sld [smem:$0x3FB5]  }
0x39: {  	_ = 	snop;
	(pc) =	sbr.ind lr, $3  }
0x3a: {  	_ = 	snop  }
0x3b: {  	_ = 	snop  }
0x3c: {  	p2 =	seq.s32 s10, $0x1;
	s10 =	sld [smem:$0x3FB4]  }
0x3d: {  	_ =	shalt  }
0x3e: {  	_ =	shalt  }
0x3f: {  	_ =	shalt  }
0x40: {  	_ =	shalt  }
0x41: {  	_ =	shalt  }
0x42: {  	_ =	shalt  }
0x43: {  	_ =	shalt  }
0x44: {  	_ =	shalt  }
0x45: {  	_ =	shalt  }
0x46: {  	_ =	shalt  }
0x47: {  	_ =	shalt  }
0x48: {  	_ =	shalt  }
0x49: {  	_ =	shalt  }
0x4a: {  	_ =	shalt  }
0x4b: {  	_ =	shalt  }
0x4c: {  	_ =	shalt  }
0x4d: {  	_ =	shalt  }
0x4e: {  	_ =	shalt  }
0x4f: {  	_ =	shalt  }
0x50: {  	_ =	shalt  }
0x51: {  	_ =	shalt  }
0x52: {  	_ =	shalt  }
0x53: {  	_ =	shalt  }
0x54: {  	_ =	shalt  }
0x55: {  	_ =	shalt  }
0x56: {  	_ =	shalt  }
0x57: {  	_ =	shalt  }
0x58: {  	_ =	shalt  }
0x59: {  	_ =	shalt  }
0x5a: {  	_ =	shalt  }
0x5b: {  	_ =	shalt  }
0x5c: {  	_ =	shalt  }
0x5d: {  	_ =	shalt  }
0x5e: {  	_ =	shalt  }
0x5f: {  	_ =	shalt  }
0x60: {  	_ =	shalt  }
0x61: {  	_ =	shalt  }
0x62: {  	_ =	shalt  }
0x63: {  	_ =	shalt  }
0x64: {  	_ =	shalt  }
0x65: {  	_ =	shalt  }
0x66: {  	_ =	shalt  }
0x67: {  	_ =	shalt  }
0x68: {  	_ =	shalt  }
0x69: {  	_ =	shalt  }
0x6a: {  	_ =	shalt  }
0x6b: {  	_ =	shalt  }
0x6c: {  	_ =	shalt  }
0x6d: {  	_ =	shalt  }
0x6e: {  	_ =	shalt  }
0x6f: {  	_ =	shalt  }
0x70: {  	_ =	shalt  }
0x71: {  	_ =	shalt  }
0x72: {  	_ =	shalt  }
0x73: {  	_ =	shalt  }
0x74: {  	_ =	shalt  }
0x75: {  	_ =	shalt  }
0x76: {  	_ =	shalt  }
0x77: {  	_ =	shalt  }
0x78: {  	_ =	shalt  }
0x79: {  	_ =	shalt  }
0x7a: {  	_ =	shalt  }
0x7b: {  	_ =	shalt  }
0x7c: {  	_ =	shalt  }
0x7d: {  	_ =	shalt  }
0x7e: {  	_ =	shalt  }
0x7f: {  	_ =	shalt  }
0x80: {  	_ =	shalt  }
0x81: {  	_ =	shalt  }
0x82: {  	_ =	shalt  }
0x83: {  	_ =	shalt  }
0x84: {  	_ =	shalt  }
0x85: {  	_ =	shalt  }
0x86: {  	_ =	shalt  }
0x87: {  	_ =	shalt  }
.Lfunc_end0:
.L_simem_size_0:
called_computation.1_lowered:
.L_overlay_start_0:
0x88: {  	s2 =	sld [smem:$0x3FD9]  }
0x89: {  	s3 =	sld [smem:$0x3FFE];
	_ =	sdelay $0x1  }
0x8a: {  	s1 =	srdreg.scid  }
0x8b: {  	s0 =	sand.u32 $0x1, s1  }
0x8c: {  	s16 =	sshll.u32 s0, $0xA;
	s2 =	sadd.s32 s3, s2  }
0x8d: {  	s2 =	sadd.s32 s2, s16  }
0x8e: {  	[smem:$0x3FC0] =	sst s2  }
0x8f: {  	_ = 	snop  }
0x90: {  	(tm) =	ssettm $0x1  }
0x91: {  	s17 =	sld [smem:$0x3FFB];
	_ =	sdelay $0x3  }
0x92: {  	_ =	strace s17  }
0x93: {  	s2 =	sld [smem:$0x3FFC];
	_ =	sdelay $0x3  }
0x94: {  	_ =	strace s2  }
0x95: {  	s2 =	sld [smem:$0x3FFD];
	_ =	sdelay $0x3  }
0x96: {  	_ =	strace s2  }
0x97: {  	_ =	strace $0x8FFFFFFF  }
0x98: {  	s18 =	sld [smem:$0x3FDB];
	_ =	sdelay $0x1  }
0x99: {  	s19 =	simm.s32 $_scs_section_size  }
0x9a: {  	s4 =	simm.s32 $_size__tile_overlayer_lowered;
	s5 =	simm.s32 $_tile_overlayer_lowered  }
0x9b: {  	s22 =	simm.s32 $0x1BFF;
	s21 =	sshll.u32 s5, $0x1;
	s2 =	sadd.s32 s19, s18  }
0x9c: {  	s6 =	simm.s32 $0x0;
	s20 =	sshll.u32 s4, $0x1;
	s4 =	sadd.s32 s21, s2  }
0x9d: {  	[timem:s6], [sflag:s22] =	dma.local [hbm:s4], s20  }
0x9e: {  	_ =	swait.ge [sflag:s22], s20  }
0x9f: {  	s3 =	ssub.s32 $0x0, s20;
	[sflag:s22] =	ssyncset.done $0x0  }
0xa0: {  	[sflag:s22] =	ssyncadd.s32 s3;
	_ =	sdelay $0x1  }
0xa1: {  	s23 =	simm.s32 $0x1B8B  }
0xa2: {  	_ =	swait.ge [sflag:s23], $0x1  }
0xa3: {  	[sflag:s23] =	ssyncset.done $0x0  }
0xa4: {  	s25 =	simm.s32 $0x1B8E;
	s24 =	sld [smem:$0x3FFE];
	[sflag:s23] =	ssyncadd.s32 $0xFFFFFFFF  }
0xa5: {  	s26 =	simm.s32 $execute0_lowered;
	[smem:$0x3FD2] =	sst s25  }
0xa6: {  	s4 =	sshll.u32 s26, $0x1;
	_ =	strace $0x80000049;
	[dreg:$0x1] =	wrdreg $0xFFFFFFFF  }
0xa7: {  	s28 =	simm.s32 $_size_execute0_lowered;
	s2 =	sadd.s32 s2, s4;
	[dreg:$0x0] =	wrdreg $0x0  }
0xa8: {  	s4 =	sshll.u32 s28, $0x1;
	[dreg:$0x2] =	wrdreg s2  }
0xa9: {  	[dreg:$0x3] =	wrdreg s4  }
0xaa: {  	[dreg:$0x4] =	wrdreg $0xC0  }
0xab: {  	_ =	task [dreg:s6], $0x5FFFF  }
0xac: {  	[dreg:$0x1] =	wrdreg $0xFFFFFFFF  }
0xad: {  	[dreg:$0x0] =	wrdreg $0x60  }
0xae: {  	[dreg:$0x2] =	wrdreg s24  }
0xaf: {  	[dreg:$0x3] =	wrdreg $0xAA000  }
0xb0: {  	[dreg:$0x4] =	wrdreg $0x9  }
0xb1: {  	_ =	task.clear_ibuf [dreg:s6], $0x5FFFF;
	_ =	strace $0x90000049  }
0xb2: {  	s29 =	simm.s32 $0x9;
	_ =	strace $0x8000004B  }
0xb3: {  	_ =	swait.ge [sflag:s29], $0x1  }
0xb4: {  	[sflag:s29] =	ssyncadd.s32 $0xFFFFFFFF  }
0xb5: {  	_ =	strace $0x9000004B  }
0xb6: {  	_ =	sfence  }
0xb7: {  	s30 =	sld [smem:$0x0];
	_ =	sdelay $0x2  }
0xb8: {  	s31 =	sshll.u32 s1, $0xD;
	s1 =	sshrl.u32 s1, $0x2  }
0xb9: {  	s3 =	sand.u32 $0x4000, s31;
	s1 =	sadd.s32 s1, s30  }
0xba: {  	s0 =	sor.u32 s3, s0;
	s1 =	sshll.u32 s1, $0x11  }
0xbb: {  	s0 =	sor.u32 s1, s0  }
0xbc: {  	s0 =	sadd.s32 $0x8F2B, s0  }
0xbd: {  	[sflag:s0] =	ssyncadd.remote.s32 $0x1  }
0xbe: {  	_ =	sfence.sel $0xFFFF  }
0xbf: {  	[dreg:$0x0] =	wrdreg $0xFFFFFFFF;
	(pc) =	sbr.abs _section_cstart, $3  }
0xc0: {  	[dreg:$0x1] =	wrdreg $0xFFFFFFFF  }
0xc1: {  	_ =	task.clear_ibuf [dreg:s6], $0x2FFFF;
	_ =	strace $0x9FFFFFFF  }
0xc2: {  	(tm) =	ssettm $0x7FFFFFFF  }
0xc3: {  	_ =	shalt  }
tec
execute0_lowered:
.L_overlay_start_1:
0x0: {  	(tag) =	ssettag $0x1  }
0x1: {  	s5 =	rddreg [dreg:$0x0]  }
0x2: {  	s1 =	rddreg [dreg:$0x1]  }
0x3: {  	s2 =	srdreg.scid;
	s0 =	rddreg [dreg:$0x2];
	s3 =	simm.s32 $0x0  }
0x4: {  	s17 =	simm.s32 $0x80;
	s18 =	simm.s32 $0x2800;
	s19 =	simm.s32 $0x2A00  }
0x5: {  	s20 =	simm.s32 $0x2900;
	s21 =	simm.s32 $0x2880;
	s14 =	sand.u32 $0x1, s2  }
0x6: {  	s22 =	simm.s32 $0x6A00;
	s2 =	stileid.u32;
	s6 =	smul.u32 $0x140000, s14  }
0x7: {  	s23 =	simm.s32 $0x2980;
	s24 =	simm.s32 $0x0;
	s7 =	smul.u32 $0x14000, s2  }
0x8: {  	[smem:$0x7FF] =	sst s3;
	s4 =	sshll.u32 s14, $0x4;
	s31 =	smul.u32 $0x50000, s2  }
0x9: {  	_ =	strace $0x8000004A;
	s9 =	ssub.s32 $0x2, s14;
	s11 =	smul.u32 $0x2800, s2  }
0xa: {  	s15 =	sshll.u32 s2, $0x6;
	p0 =	sne.s32 s14, $0x0;
	s14 =	simm.s32 $0x1  }
0xb: {  	s4 =	sor.u32 s2, s4;
	s10 =	sshrl.u32 s9, $0x1;
	s15 =	sor.u32 $0x1C01, s15  }
0xc: {  	s8 =	smul.u32 $0x500, s4;
	s4 =	sadd.s32 $0x1E00, s5;
	s6 =	sadd.s32 s7, s6  }
0xd: {  	s7 =	sshrl.u32 s31, $0x2;
	s9 =	ssub.s32 s9, s10;
	s6 =	sshrl.u32 s6, $0x3  }
0xe: {  	s9 =	smax.u32 s9, $0x1;
	s8 =	sadd.s32 s8, s5;
	s12 =	sadd.s32 s6, s5  }
0xf: {  	s5 =	sadd.s32 s7, s1;
	s6 =	sadd.s32 s4, s11;
	s7 =	sadd.s32 $0x51E00, s8  }
0x10: {  	s8 =	sadd.s32 $0x5BE00, s12;
	s10 =	sadd.s32 $0x4000, s5;
	s11 =	sadd.s32 $0x8000, s5  }
0x11: {  	v0 =	vimm.f32 $0.0e+00;
	s12 =	sadd.s32 $0xC000, s5;
	s13 =	sadd.s32 $0x10000, s5;
	s16 =	sshrl.u32 s5, $0x3  }
.LBB2_1:
.Ltmp0:
0x12: {  	(pc) =	sbr.rel @p0 .LBB2_3-.Ltmp0, $1  }
0x13: {  	_ =	sdelay $0x3  }
.Ltmp1:
0x14: {  	(pc) =	sbr.rel .LBB2_6-.Ltmp1, $4  }
0x15: {  	[spmem:s16], [sflag:s15] =	dma.local [hbm:s6], $0x2800  }
0x16: {  	_ =	swait.ge [sflag:s14], $0x2800  }
0x17: {  	[sflag:s14] =	ssyncset.done $0x0  }
0x18: {  	[sflag:s14] =	ssyncadd.s32 $0xFFFFD800  }
.LBB2_3:
0x19: {  	s25 =	sshra.s32 s3, $0x2;
	s26 =	sadd.s32 $0x200, s3  }
.LBB2_4:
0x1a: {  	p1 =	seq.s32 s26, $0xFE00;
	[tilespmem:s25+$0x2A70] =	vst v0  }
0x1b: {  	[tilespmem:s25+$0x2A00] =	vst v0  }
0x1c: {  	[tilespmem:s25+$0x2A10] =	vst v0  }
.Ltmp2:
0x1d: {  	[tilespmem:s25+$0x2A20] =	vst v0;
	(pc) =	sbr.rel @!p1 .LBB2_4-.Ltmp2, $4  }
0x1e: {  	[tilespmem:s25+$0x2A30] =	vst v0  }
0x1f: {  	[tilespmem:s25+$0x2A40] =	vst v0  }
0x20: {  	[tilespmem:s25+$0x2A50] =	vst v0  }
0x21: {  	[tilespmem:s25+$0x2A60] =	vst v0;
	s25 =	sshra.s32 s26, $0x2;
	s26 =	sadd.s32 $0x200, s26  }
0x22: {  	[tilespmem:s25+$0x2A70] =	vst v0  }
0x23: {  	[tilespmem:s25+$0x2A00] =	vst v0  }
0x24: {  	[tilespmem:s25+$0x2A10] =	vst v0  }
0x25: {  	[tilespmem:s25+$0x2A20] =	vst v0  }
0x26: {  	[tilespmem:s25+$0x2A30] =	vst v0  }
0x27: {  	[tilespmem:s25+$0x2A40] =	vst v0  }
0x28: {  	[tilespmem:s25+$0x2A50] =	vst v0  }
0x29: {  	[tilespmem:s25+$0x2A60] =	vst v0  }
0x2a: {  	[spmem:s5] =	stream.linear.scatter [tilespmem:s19], [sflag:$0x1], $0x4000, $0x38;
	[tilespmem:$0x1EA00] =	vst v63  }
0x2b: {  	_ =	swait.ge [sflag:s14], $0x4000  }
0x2c: {  	[sflag:s14] =	ssyncset.done $0x0  }
0x2d: {  	[sflag:s14] =	ssyncadd.s32 $0xFFFFC000  }
0x2e: {  	[spmem:s10] =	stream.linear.scatter [tilespmem:s19], [sflag:$0x1], $0x4000, $0x38;
	[tilespmem:$0x1EA00] =	vst v63  }
0x2f: {  	_ =	swait.ge [sflag:s14], $0x4000  }
0x30: {  	[sflag:s14] =	ssyncset.done $0x0  }
0x31: {  	[sflag:s14] =	ssyncadd.s32 $0xFFFFC000  }
0x32: {  	[spmem:s11] =	stream.linear.scatter [tilespmem:s19], [sflag:$0x1], $0x4000, $0x38;
	[tilespmem:$0x1EA00] =	vst v63  }
0x33: {  	_ =	swait.ge [sflag:s14], $0x4000  }
0x34: {  	[sflag:s14] =	ssyncset.done $0x0  }
0x35: {  	[sflag:s14] =	ssyncadd.s32 $0xFFFFC000  }
0x36: {  	[spmem:s12] =	stream.linear.scatter [tilespmem:s19], [sflag:$0x1], $0x4000, $0x38;
	[tilespmem:$0x1EA00] =	vst v63  }
0x37: {  	_ =	swait.ge [sflag:s14], $0x4000  }
0x38: {  	[sflag:s14] =	ssyncset.done $0x0  }
0x39: {  	[sflag:s14] =	ssyncadd.s32 $0xFFFFC000  }
0x3a: {  	[spmem:s13] =	stream.linear.scatter [tilespmem:s19], [sflag:$0x1], $0x4000, $0x38;
	[tilespmem:$0x1EA00] =	vst v63  }
0x3b: {  	_ =	swait.ge [sflag:s14], $0x4000  }
0x3c: {  	[sflag:s14] =	ssyncset.done $0x0  }
0x3d: {  	[sflag:s14] =	ssyncadd.s32 $0xFFFFC000  }
.LBB2_6:
0x3e: {  	s25 =	simm.s32 $0x0  }
0x3f: {  	[tilespmem:s25], [sflag:$0x1] =	stream.linear.gather [hbm4b:s7+s25], $0x2800, $0x38;
	[tilespmem:$0x1EA00] =	vst v63  }
0x40: {  	_ =	swait.ge [sflag:s14], $0x2800  }
0x41: {  	[sflag:s14] =	ssyncset.done $0x0  }
0x42: {  	[sflag:s14] =	ssyncadd.s32 $0xFFFFD800  }
0x43: {  	s31 =	simm.s32 $0x0;
	[bflag:$0x0] =	sbarrier.arrive $0xFFFF  }
0x44: {  	v1 =	vld [tilespmem:s31+$0x0];
	_ =	sdelay $0x4  }
0x45: {  	v1 =	vand.u32 $0xFFFF, v1  }
0x46: {  	[tilespmem:$0x2800] =	vst v1  }
0x47: {  	v1 =	vld [tilespmem:s31+$0x10];
	_ =	sdelay $0x4  }
0x48: {  	v1 =	vand.u32 $0xFFFF, v1  }
0x49: {  	[tilespmem:$0x2810] =	vst v1  }
0x4a: {  	v1 =	vld [tilespmem:s31+$0x20];
	_ =	sdelay $0x4  }
0x4b: {  	v1 =	vand.u32 $0xFFFF, v1  }
0x4c: {  	[tilespmem:$0x2820] =	vst v1  }
0x4d: {  	v1 =	vld [tilespmem:s31+$0x30];
	_ =	sdelay $0x4  }
0x4e: {  	v1 =	vand.u32 $0xFFFF, v1  }
0x4f: {  	[tilespmem:$0x2830] =	vst v1  }
0x50: {  	v1 =	vld [tilespmem:s31+$0x40];
	_ =	sdelay $0x4  }
0x51: {  	v1 =	vand.u32 $0xFFFF, v1  }
0x52: {  	[tilespmem:$0x2840] =	vst v1  }
0x53: {  	v1 =	vld [tilespmem:s31+$0x50];
	_ =	sdelay $0x4  }
0x54: {  	v1 =	vand.u32 $0xFFFF, v1  }
0x55: {  	[tilespmem:$0x2850] =	vst v1  }
0x56: {  	v1 =	vld [tilespmem:s31+$0x60];
	_ =	sdelay $0x4  }
0x57: {  	v1 =	vand.u32 $0xFFFF, v1  }
0x58: {  	[tilespmem:$0x2860] =	vst v1  }
0x59: {  	v1 =	vld [tilespmem:s31+$0x70];
	_ =	sdelay $0x4  }
0x5a: {  	v1 =	vand.u32 $0xFFFF, v1  }
0x5b: {  	[tilespmem:$0x2870] =	vst v1  }
0x5c: {  	[tilespmem:s19], [sflag:$0x1] =	stream.indirect.gather [hbm4b:s4+s17], $0x80, s18, s17, $0xb8;
	[tilespmem:$0x1EA00] =	vst v63  }
0x5d: {  	_ =	swait.ge [sflag:s14], $0x4000  }
0x5e: {  	[sflag:s14] =	ssyncset.done $0x0  }
0x5f: {  	[sflag:s14] =	ssyncadd.s32 $0xFFFFC000  }
0x60: {  	v1 =	vld [tilespmem:s31+$0x0];
	_ =	sdelay $0x4  }
0x61: {  	v1 =	vshrl.u32 v1, $0x10  }
0x62: {  	[tilespmem:$0x2900] =	vst v1  }
0x63: {  	v1 =	vld [tilespmem:s31+$0x10];
	_ =	sdelay $0x4  }
0x64: {  	v1 =	vshrl.u32 v1, $0x10  }
0x65: {  	[tilespmem:$0x2910] =	vst v1  }
0x66: {  	v1 =	vld [tilespmem:s31+$0x20];
	_ =	sdelay $0x4  }
0x67: {  	v1 =	vshrl.u32 v1, $0x10  }
0x68: {  	[tilespmem:$0x2920] =	vst v1  }
0x69: {  	v1 =	vld [tilespmem:s31+$0x30];
	_ =	sdelay $0x4  }
0x6a: {  	v1 =	vshrl.u32 v1, $0x10  }
0x6b: {  	[tilespmem:$0x2930] =	vst v1  }
0x6c: {  	v1 =	vld [tilespmem:s31+$0x40];
	_ =	sdelay $0x4  }
0x6d: {  	v1 =	vshrl.u32 v1, $0x10  }
0x6e: {  	[tilespmem:$0x2940] =	vst v1  }
0x6f: {  	v1 =	vld [tilespmem:s31+$0x50];
	_ =	sdelay $0x4  }
0x70: {  	v1 =	vshrl.u32 v1, $0x10  }
0x71: {  	[tilespmem:$0x2950] =	vst v1  }
0x72: {  	v1 =	vld [tilespmem:s31+$0x60];
	_ =	sdelay $0x4  }
0x73: {  	v1 =	vshrl.u32 v1, $0x10  }
0x74: {  	[tilespmem:$0x2960] =	vst v1  }
0x75: {  	v1 =	vld [tilespmem:s31+$0x70];
	_ =	sdelay $0x4  }
0x76: {  	v1 =	vshrl.u32 v1, $0x10  }
0x77: {  	[tilespmem:$0x2970] =	vst v1  }
0x78: {  	[spmem:s1] =	stream.indirect.scatter.add.f32 [tilespmem:s19], [sflag:$0x1], $0x80, s20, s17, $0xb8;
	[tilespmem:$0x1EA00] =	vst v63  }
0x79: {  	_ =	swait.ge [sflag:s14], $0x4000  }
0x7a: {  	[sflag:s14] =	ssyncset.done $0x0  }
0x7b: {  	[sflag:s14] =	ssyncadd.s32 $0xFFFFC000  }
0x7c: {  	v1 =	vld [tilespmem:s31+$0x80];
	_ =	sdelay $0x4  }
0x7d: {  	v1 =	vand.u32 $0xFFFF, v1  }
0x7e: {  	[tilespmem:$0x2880] =	vst v1  }
0x7f: {  	v1 =	vld [tilespmem:s31+$0x90];
	_ =	sdelay $0x4  }
0x80: {  	v1 =	vand.u32 $0xFFFF, v1  }
0x81: {  	[tilespmem:$0x2890] =	vst v1  }
0x82: {  	v1 =	vld [tilespmem:s31+$0xA0];
	_ =	sdelay $0x4  }
0x83: {  	v1 =	vand.u32 $0xFFFF, v1  }
0x84: {  	[tilespmem:$0x28A0] =	vst v1  }
0x85: {  	v1 =	vld [tilespmem:s31+$0xB0];
	_ =	sdelay $0x4  }
0x86: {  	v1 =	vand.u32 $0xFFFF, v1  }
0x87: {  	[tilespmem:$0x28B0] =	vst v1  }
0x88: {  	v1 =	vld [tilespmem:s31+$0xC0];
	_ =	sdelay $0x4  }
0x89: {  	v1 =	vand.u32 $0xFFFF, v1  }
0x8a: {  	[tilespmem:$0x28C0] =	vst v1  }
0x8b: {  	v1 =	vld [tilespmem:s31+$0xD0];
	_ =	sdelay $0x4  }
0x8c: {  	v1 =	vand.u32 $0xFFFF, v1  }
0x8d: {  	[tilespmem:$0x28D0] =	vst v1  }
0x8e: {  	v1 =	vld [tilespmem:s31+$0xE0];
	_ =	sdelay $0x4  }
0x8f: {  	v1 =	vand.u32 $0xFFFF, v1  }
0x90: {  	[tilespmem:$0x28E0] =	vst v1  }
0x91: {  	v1 =	vld [tilespmem:s31+$0xF0];
	_ =	sdelay $0x4  }
0x92: {  	v1 =	vand.u32 $0xFFFF, v1  }
0x93: {  	[tilespmem:$0x28F0] =	vst v1  }
0x94: {  	[tilespmem:s22], [sflag:$0x1] =	stream.indirect.gather [hbm4b:s4+s17], $0x80, s21, s17, $0xb8;
	[tilespmem:$0x1EA00] =	vst v63  }
0x95: {  	_ =	swait.ge [sflag:s14], $0x4000  }
0x96: {  	[sflag:s14] =	ssyncset.done $0x0  }
0x97: {  	[sflag:s14] =	ssyncadd.s32 $0xFFFFC000  }
0x98: {  	v1 =	vld [tilespmem:s31+$0x80];
	_ =	sdelay $0x4  }
0x99: {  	v1 =	vshrl.u32 v1, $0x10  }
0x9a: {  	[tilespmem:$0x2980] =	vst v1  }
0x9b: {  	v1 =	vld [tilespmem:s31+$0x90];
	_ =	sdelay $0x4  }
0x9c: {  	v1 =	vshrl.u32 v1, $0x10  }
0x9d: {  	[tilespmem:$0x2990] =	vst v1  }
0x9e: {  	v1 =	vld [tilespmem:s31+$0xA0];
	_ =	sdelay $0x4  }
0x9f: {  	v1 =	vshrl.u32 v1, $0x10  }
0xa0: {  	[tilespmem:$0x29A0] =	vst v1  }
0xa1: {  	v1 =	vld [tilespmem:s31+$0xB0];
	_ =	sdelay $0x4  }
0xa2: {  	v1 =	vshrl.u32 v1, $0x10  }
0xa3: {  	[tilespmem:$0x29B0] =	vst v1  }
0xa4: {  	v1 =	vld [tilespmem:s31+$0xC0];
	_ =	sdelay $0x4  }
0xa5: {  	v1 =	vshrl.u32 v1, $0x10  }
0xa6: {  	[tilespmem:$0x29C0] =	vst v1  }
0xa7: {  	v1 =	vld [tilespmem:s31+$0xD0];
	_ =	sdelay $0x4  }
0xa8: {  	v1 =	vshrl.u32 v1, $0x10  }
0xa9: {  	[tilespmem:$0x29D0] =	vst v1  }
0xaa: {  	v1 =	vld [tilespmem:s31+$0xE0];
	_ =	sdelay $0x4  }
0xab: {  	v1 =	vshrl.u32 v1, $0x10  }
0xac: {  	[tilespmem:$0x29E0] =	vst v1  }
0xad: {  	v1 =	vld [tilespmem:s31+$0xF0];
	_ =	sdelay $0x4  }
0xae: {  	v1 =	vshrl.u32 v1, $0x10  }
0xaf: {  	[tilespmem:$0x29F0] =	vst v1  }
0xb0: {  	[spmem:s1] =	stream.indirect.scatter.add.f32 [tilespmem:s22], [sflag:$0x1], $0x80, s23, s17, $0xb8;
	[tilespmem:$0x1EA00] =	vst v63  }
0xb1: {  	_ =	swait.ge [sflag:s14], $0x4000  }
0xb2: {  	s29 =	simm.s32 $0x800;
	s25 =	simm.s32 $0x400;
	[sflag:s14] =	ssyncset.done $0x0  }
.LBB2_7:
0xb3: {  	s28 =	sshra.s32 s25, $0x2  }
0xb4: {  	[sflag:s14] =	ssyncadd.s32 $0xFFFFC000;
	s25 =	smov.u32 s29;
	s26 =	sadd.s32 $0x400, s29  }
0xb5: {  	p1 =	sne.s32 s29, $0x9C00;
	v1 =	vld [tilespmem:s28+$0x0];
	_ =	sdelay $0x4  }
0xb6: {  	v1 =	vand.u32 $0xFFFF, v1  }
0xb7: {  	[tilespmem:$0x2800] =	vst v1  }
0xb8: {  	v1 =	vld [tilespmem:s28+$0x10];
	_ =	sdelay $0x4  }
0xb9: {  	v1 =	vand.u32 $0xFFFF, v1  }
0xba: {  	[tilespmem:$0x2810] =	vst v1  }
0xbb: {  	v1 =	vld [tilespmem:s28+$0x20];
	_ =	sdelay $0x4  }
0xbc: {  	v1 =	vand.u32 $0xFFFF, v1  }
0xbd: {  	[tilespmem:$0x2820] =	vst v1  }
0xbe: {  	v1 =	vld [tilespmem:s28+$0x30];
	_ =	sdelay $0x4  }
0xbf: {  	v1 =	vand.u32 $0xFFFF, v1  }
0xc0: {  	[tilespmem:$0x2830] =	vst v1  }
0xc1: {  	v1 =	vld [tilespmem:s28+$0x40];
	_ =	sdelay $0x4  }
0xc2: {  	v1 =	vand.u32 $0xFFFF, v1  }
0xc3: {  	[tilespmem:$0x2840] =	vst v1  }
0xc4: {  	v1 =	vld [tilespmem:s28+$0x50];
	_ =	sdelay $0x4  }
0xc5: {  	v1 =	vand.u32 $0xFFFF, v1  }
0xc6: {  	[tilespmem:$0x2850] =	vst v1  }
0xc7: {  	v1 =	vld [tilespmem:s28+$0x60];
	_ =	sdelay $0x4  }
0xc8: {  	v1 =	vand.u32 $0xFFFF, v1  }
0xc9: {  	[tilespmem:$0x2860] =	vst v1  }
0xca: {  	v1 =	vld [tilespmem:s28+$0x70];
	_ =	sdelay $0x4  }
0xcb: {  	v1 =	vand.u32 $0xFFFF, v1  }
0xcc: {  	[tilespmem:$0x2870] =	vst v1  }
0xcd: {  	[tilespmem:s19], [sflag:$0x1] =	stream.indirect.gather [hbm4b:s4+s17], $0x80, s18, s17, $0xb8;
	[tilespmem:$0x1EA00] =	vst v63  }
0xce: {  	_ =	swait.ge [sflag:s14], $0x4000  }
0xcf: {  	[sflag:s14] =	ssyncset.done $0x0  }
0xd0: {  	[sflag:s14] =	ssyncadd.s32 $0xFFFFC000  }
0xd1: {  	v1 =	vld [tilespmem:s28+$0x0];
	_ =	sdelay $0x4  }
0xd2: {  	v1 =	vshrl.u32 v1, $0x10  }
0xd3: {  	[tilespmem:$0x2900] =	vst v1  }
0xd4: {  	v1 =	vld [tilespmem:s28+$0x10];
	_ =	sdelay $0x4  }
0xd5: {  	v1 =	vshrl.u32 v1, $0x10  }
0xd6: {  	[tilespmem:$0x2910] =	vst v1  }
0xd7: {  	v1 =	vld [tilespmem:s28+$0x20];
	_ =	sdelay $0x4  }
0xd8: {  	v1 =	vshrl.u32 v1, $0x10  }
0xd9: {  	[tilespmem:$0x2920] =	vst v1  }
0xda: {  	v1 =	vld [tilespmem:s28+$0x30];
	_ =	sdelay $0x4  }
0xdb: {  	v1 =	vshrl.u32 v1, $0x10  }
0xdc: {  	[tilespmem:$0x2930] =	vst v1  }
0xdd: {  	v1 =	vld [tilespmem:s28+$0x40];
	_ =	sdelay $0x4  }
0xde: {  	v1 =	vshrl.u32 v1, $0x10  }
0xdf: {  	[tilespmem:$0x2940] =	vst v1  }
0xe0: {  	v1 =	vld [tilespmem:s28+$0x50];
	_ =	sdelay $0x4  }
0xe1: {  	v1 =	vshrl.u32 v1, $0x10  }
0xe2: {  	[tilespmem:$0x2950] =	vst v1  }
0xe3: {  	v1 =	vld [tilespmem:s28+$0x60];
	_ =	sdelay $0x4  }
0xe4: {  	v1 =	vshrl.u32 v1, $0x10  }
0xe5: {  	[tilespmem:$0x2960] =	vst v1  }
0xe6: {  	v1 =	vld [tilespmem:s28+$0x70];
	_ =	sdelay $0x4  }
0xe7: {  	v1 =	vshrl.u32 v1, $0x10  }
0xe8: {  	[tilespmem:$0x2970] =	vst v1  }
0xe9: {  	[spmem:s1] =	stream.indirect.scatter.add.f32 [tilespmem:s19], [sflag:$0x1], $0x80, s20, s17, $0xb8;
	[tilespmem:$0x1EA00] =	vst v63  }
0xea: {  	_ =	swait.ge [sflag:s14], $0x4000  }
0xeb: {  	[sflag:s14] =	ssyncset.done $0x0  }
0xec: {  	[sflag:s14] =	ssyncadd.s32 $0xFFFFC000  }
0xed: {  	v1 =	vld [tilespmem:s28+$0x80];
	_ =	sdelay $0x4  }
0xee: {  	v1 =	vand.u32 $0xFFFF, v1  }
0xef: {  	[tilespmem:$0x2880] =	vst v1  }
0xf0: {  	v1 =	vld [tilespmem:s28+$0x90];
	_ =	sdelay $0x4  }
0xf1: {  	v1 =	vand.u32 $0xFFFF, v1  }
0xf2: {  	[tilespmem:$0x2890] =	vst v1  }
0xf3: {  	v1 =	vld [tilespmem:s28+$0xA0];
	_ =	sdelay $0x4  }
0xf4: {  	v1 =	vand.u32 $0xFFFF, v1  }
0xf5: {  	[tilespmem:$0x28A0] =	vst v1  }
0xf6: {  	v1 =	vld [tilespmem:s28+$0xB0];
	_ =	sdelay $0x4  }
0xf7: {  	v1 =	vand.u32 $0xFFFF, v1  }
0xf8: {  	[tilespmem:$0x28B0] =	vst v1  }
0xf9: {  	v1 =	vld [tilespmem:s28+$0xC0];
	_ =	sdelay $0x4  }
0xfa: {  	v1 =	vand.u32 $0xFFFF, v1  }
0xfb: {  	[tilespmem:$0x28C0] =	vst v1  }
0xfc: {  	v1 =	vld [tilespmem:s28+$0xD0];
	_ =	sdelay $0x4  }
0xfd: {  	v1 =	vand.u32 $0xFFFF, v1  }
0xfe: {  	[tilespmem:$0x28D0] =	vst v1  }
0xff: {  	v1 =	vld [tilespmem:s28+$0xE0];
	_ =	sdelay $0x4  }
0x100: {  	v1 =	vand.u32 $0xFFFF, v1  }
0x101: {  	[tilespmem:$0x28E0] =	vst v1  }
0x102: {  	v1 =	vld [tilespmem:s28+$0xF0];
	_ =	sdelay $0x4  }
0x103: {  	v1 =	vand.u32 $0xFFFF, v1  }
0x104: {  	[tilespmem:$0x28F0] =	vst v1  }
0x105: {  	[tilespmem:s22], [sflag:$0x1] =	stream.indirect.gather [hbm4b:s4+s17], $0x80, s21, s17, $0xb8;
	[tilespmem:$0x1EA00] =	vst v63  }
0x106: {  	_ =	swait.ge [sflag:s14], $0x4000  }
0x107: {  	[sflag:s14] =	ssyncset.done $0x0  }
0x108: {  	[sflag:s14] =	ssyncadd.s32 $0xFFFFC000  }
0x109: {  	v1 =	vld [tilespmem:s28+$0x80];
	_ =	sdelay $0x4  }
0x10a: {  	v1 =	vshrl.u32 v1, $0x10  }
0x10b: {  	[tilespmem:$0x2980] =	vst v1  }
0x10c: {  	v1 =	vld [tilespmem:s28+$0x90];
	_ =	sdelay $0x4  }
0x10d: {  	v1 =	vshrl.u32 v1, $0x10  }
0x10e: {  	[tilespmem:$0x2990] =	vst v1  }
0x10f: {  	v1 =	vld [tilespmem:s28+$0xA0];
	_ =	sdelay $0x4  }
0x110: {  	v1 =	vshrl.u32 v1, $0x10  }
0x111: {  	[tilespmem:$0x29A0] =	vst v1  }
0x112: {  	v1 =	vld [tilespmem:s28+$0xB0];
	_ =	sdelay $0x4  }
0x113: {  	v1 =	vshrl.u32 v1, $0x10  }
0x114: {  	[tilespmem:$0x29B0] =	vst v1  }
0x115: {  	v1 =	vld [tilespmem:s28+$0xC0];
	_ =	sdelay $0x4  }
0x116: {  	v1 =	vshrl.u32 v1, $0x10  }
0x117: {  	[tilespmem:$0x29C0] =	vst v1  }
0x118: {  	v1 =	vld [tilespmem:s28+$0xD0];
	_ =	sdelay $0x4  }
0x119: {  	v1 =	vshrl.u32 v1, $0x10  }
0x11a: {  	[tilespmem:$0x29D0] =	vst v1  }
0x11b: {  	v1 =	vld [tilespmem:s28+$0xE0];
	_ =	sdelay $0x4  }
0x11c: {  	v1 =	vshrl.u32 v1, $0x10  }
0x11d: {  	[tilespmem:$0x29E0] =	vst v1  }
0x11e: {  	v1 =	vld [tilespmem:s28+$0xF0];
	_ =	sdelay $0x4  }
.Ltmp3:
0x11f: {  	v1 =	vshrl.u32 v1, $0x10;
	(pc) =	sbr.rel @p1 .LBB2_7-.Ltmp3, $4  }
0x120: {  	[tilespmem:$0x29F0] =	vst v1  }
0x121: {  	[spmem:s1] =	stream.indirect.scatter.add.f32 [tilespmem:s22], [sflag:$0x1], $0x80, s23, s17, $0xb8;
	[tilespmem:$0x1EA00] =	vst v63  }
0x122: {  	_ =	swait.ge [sflag:s14], $0x4000  }
0x123: {  	s29 =	smov.u32 s26;
	[sflag:s14] =	ssyncset.done $0x0  }
0x124: {  	s25 =	sshra.s32 s25, $0x2;
	[sflag:s14] =	ssyncadd.s32 $0xFFFFC000  }
0x125: {  	v1 =	vld [tilespmem:s25+$0x0];
	_ =	sdelay $0x4  }
0x126: {  	v1 =	vand.u32 $0xFFFF, v1  }
0x127: {  	[tilespmem:$0x2800] =	vst v1  }
0x128: {  	v1 =	vld [tilespmem:s25+$0x10];
	_ =	sdelay $0x4  }
0x129: {  	v1 =	vand.u32 $0xFFFF, v1  }
0x12a: {  	[tilespmem:$0x2810] =	vst v1  }
0x12b: {  	v1 =	vld [tilespmem:s25+$0x20];
	_ =	sdelay $0x4  }
0x12c: {  	v1 =	vand.u32 $0xFFFF, v1  }
0x12d: {  	[tilespmem:$0x2820] =	vst v1  }
0x12e: {  	v1 =	vld [tilespmem:s25+$0x30];
	_ =	sdelay $0x4  }
0x12f: {  	v1 =	vand.u32 $0xFFFF, v1  }
0x130: {  	[tilespmem:$0x2830] =	vst v1  }
0x131: {  	v1 =	vld [tilespmem:s25+$0x40];
	_ =	sdelay $0x4  }
0x132: {  	v1 =	vand.u32 $0xFFFF, v1  }
0x133: {  	[tilespmem:$0x2840] =	vst v1  }
0x134: {  	v1 =	vld [tilespmem:s25+$0x50];
	_ =	sdelay $0x4  }
0x135: {  	v1 =	vand.u32 $0xFFFF, v1  }
0x136: {  	[tilespmem:$0x2850] =	vst v1  }
0x137: {  	v1 =	vld [tilespmem:s25+$0x60];
	_ =	sdelay $0x4  }
0x138: {  	v1 =	vand.u32 $0xFFFF, v1  }
0x139: {  	[tilespmem:$0x2860] =	vst v1  }
0x13a: {  	v1 =	vld [tilespmem:s25+$0x70];
	_ =	sdelay $0x4  }
0x13b: {  	v1 =	vand.u32 $0xFFFF, v1  }
0x13c: {  	[tilespmem:$0x2870] =	vst v1  }
0x13d: {  	[tilespmem:s19], [sflag:$0x1] =	stream.indirect.gather [hbm4b:s4+s17], $0x80, s18, s17, $0xb8;
	[tilespmem:$0x1EA00] =	vst v63  }
0x13e: {  	_ =	swait.ge [sflag:s14], $0x4000  }
0x13f: {  	[sflag:s14] =	ssyncset.done $0x0  }
0x140: {  	[sflag:s14] =	ssyncadd.s32 $0xFFFFC000  }
0x141: {  	v1 =	vld [tilespmem:s25+$0x0];
	_ =	sdelay $0x4  }
0x142: {  	v1 =	vshrl.u32 v1, $0x10  }
0x143: {  	[tilespmem:$0x2900] =	vst v1  }
0x144: {  	v1 =	vld [tilespmem:s25+$0x10];
	_ =	sdelay $0x4  }
0x145: {  	v1 =	vshrl.u32 v1, $0x10  }
0x146: {  	[tilespmem:$0x2910] =	vst v1  }
0x147: {  	v1 =	vld [tilespmem:s25+$0x20];
	_ =	sdelay $0x4  }
0x148: {  	v1 =	vshrl.u32 v1, $0x10  }
0x149: {  	[tilespmem:$0x2920] =	vst v1  }
0x14a: {  	v1 =	vld [tilespmem:s25+$0x30];
	_ =	sdelay $0x4  }
0x14b: {  	v1 =	vshrl.u32 v1, $0x10  }
0x14c: {  	[tilespmem:$0x2930] =	vst v1  }
0x14d: {  	v1 =	vld [tilespmem:s25+$0x40];
	_ =	sdelay $0x4  }
0x14e: {  	v1 =	vshrl.u32 v1, $0x10  }
0x14f: {  	[tilespmem:$0x2940] =	vst v1  }
0x150: {  	v1 =	vld [tilespmem:s25+$0x50];
	_ =	sdelay $0x4  }
0x151: {  	v1 =	vshrl.u32 v1, $0x10  }
0x152: {  	[tilespmem:$0x2950] =	vst v1  }
0x153: {  	v1 =	vld [tilespmem:s25+$0x60];
	_ =	sdelay $0x4  }
0x154: {  	v1 =	vshrl.u32 v1, $0x10  }
0x155: {  	[tilespmem:$0x2960] =	vst v1  }
0x156: {  	v1 =	vld [tilespmem:s25+$0x70];
	_ =	sdelay $0x4  }
0x157: {  	v1 =	vshrl.u32 v1, $0x10  }
0x158: {  	[tilespmem:$0x2970] =	vst v1  }
0x159: {  	[spmem:s1] =	stream.indirect.scatter.add.f32 [tilespmem:s19], [sflag:$0x1], $0x80, s20, s17, $0xb8;
	[tilespmem:$0x1EA00] =	vst v63  }
0x15a: {  	_ =	swait.ge [sflag:s14], $0x4000  }
0x15b: {  	[sflag:s14] =	ssyncset.done $0x0  }
0x15c: {  	[sflag:s14] =	ssyncadd.s32 $0xFFFFC000  }
0x15d: {  	v1 =	vld [tilespmem:s25+$0x80];
	_ =	sdelay $0x4  }
0x15e: {  	v1 =	vand.u32 $0xFFFF, v1  }
0x15f: {  	[tilespmem:$0x2880] =	vst v1  }
0x160: {  	v1 =	vld [tilespmem:s25+$0x90];
	_ =	sdelay $0x4  }
0x161: {  	v1 =	vand.u32 $0xFFFF, v1  }
0x162: {  	[tilespmem:$0x2890] =	vst v1  }
0x163: {  	v1 =	vld [tilespmem:s25+$0xA0];
	_ =	sdelay $0x4  }
0x164: {  	v1 =	vand.u32 $0xFFFF, v1  }
0x165: {  	[tilespmem:$0x28A0] =	vst v1  }
0x166: {  	v1 =	vld [tilespmem:s25+$0xB0];
	_ =	sdelay $0x4  }
0x167: {  	v1 =	vand.u32 $0xFFFF, v1  }
0x168: {  	[tilespmem:$0x28B0] =	vst v1  }
0x169: {  	v1 =	vld [tilespmem:s25+$0xC0];
	_ =	sdelay $0x4  }
0x16a: {  	v1 =	vand.u32 $0xFFFF, v1  }
0x16b: {  	[tilespmem:$0x28C0] =	vst v1  }
0x16c: {  	v1 =	vld [tilespmem:s25+$0xD0];
	_ =	sdelay $0x4  }
0x16d: {  	v1 =	vand.u32 $0xFFFF, v1  }
0x16e: {  	[tilespmem:$0x28D0] =	vst v1  }
0x16f: {  	v1 =	vld [tilespmem:s25+$0xE0];
	_ =	sdelay $0x4  }
0x170: {  	v1 =	vand.u32 $0xFFFF, v1  }
0x171: {  	[tilespmem:$0x28E0] =	vst v1  }
0x172: {  	v1 =	vld [tilespmem:s25+$0xF0];
	_ =	sdelay $0x4  }
0x173: {  	v1 =	vand.u32 $0xFFFF, v1  }
0x174: {  	[tilespmem:$0x28F0] =	vst v1  }
0x175: {  	[tilespmem:s22], [sflag:$0x1] =	stream.indirect.gather [hbm4b:s4+s17], $0x80, s21, s17, $0xb8;
	[tilespmem:$0x1EA00] =	vst v63  }
0x176: {  	_ =	swait.ge [sflag:s14], $0x4000  }
0x177: {  	[sflag:s14] =	ssyncset.done $0x0  }
0x178: {  	[sflag:s14] =	ssyncadd.s32 $0xFFFFC000  }
0x179: {  	v1 =	vld [tilespmem:s25+$0x80];
	_ =	sdelay $0x4  }
0x17a: {  	v1 =	vshrl.u32 v1, $0x10  }
0x17b: {  	[tilespmem:$0x2980] =	vst v1  }
0x17c: {  	v1 =	vld [tilespmem:s25+$0x90];
	_ =	sdelay $0x4  }
0x17d: {  	v1 =	vshrl.u32 v1, $0x10  }
0x17e: {  	[tilespmem:$0x2990] =	vst v1  }
0x17f: {  	v1 =	vld [tilespmem:s25+$0xA0];
	_ =	sdelay $0x4  }
0x180: {  	v1 =	vshrl.u32 v1, $0x10  }
0x181: {  	[tilespmem:$0x29A0] =	vst v1  }
0x182: {  	v1 =	vld [tilespmem:s25+$0xB0];
	_ =	sdelay $0x4  }
0x183: {  	v1 =	vshrl.u32 v1, $0x10  }
0x184: {  	[tilespmem:$0x29B0] =	vst v1  }
0x185: {  	v1 =	vld [tilespmem:s25+$0xC0];
	_ =	sdelay $0x4  }
0x186: {  	v1 =	vshrl.u32 v1, $0x10  }
0x187: {  	[tilespmem:$0x29C0] =	vst v1  }
0x188: {  	v1 =	vld [tilespmem:s25+$0xD0];
	_ =	sdelay $0x4  }
0x189: {  	v1 =	vshrl.u32 v1, $0x10  }
0x18a: {  	[tilespmem:$0x29D0] =	vst v1  }
0x18b: {  	v1 =	vld [tilespmem:s25+$0xE0];
	_ =	sdelay $0x4  }
0x18c: {  	v1 =	vshrl.u32 v1, $0x10  }
0x18d: {  	[tilespmem:$0x29E0] =	vst v1  }
0x18e: {  	v1 =	vld [tilespmem:s25+$0xF0];
	_ =	sdelay $0x4  }
0x18f: {  	v1 =	vshrl.u32 v1, $0x10  }
0x190: {  	[tilespmem:$0x29F0] =	vst v1  }
0x191: {  	[spmem:s1] =	stream.indirect.scatter.add.f32 [tilespmem:s22], [sflag:$0x1], $0x80, s23, s17, $0xb8;
	[tilespmem:$0x1EA00] =	vst v63  }
0x192: {  	_ =	swait.ge [sflag:s14], $0x4000  }
0x193: {  	s24 =	sadd.s32 $0x1, s24;
	[sflag:s14] =	ssyncset.done $0x0  }
0x194: {  	p1 =	sne.s32 s24, s9;
	[sflag:s14] =	ssyncadd.s32 $0xFFFFC000  }
.Ltmp4:
0x195: {  	[bflag:$0x0] =	sbarrier.arrive $0xFFFF;
	(pc) =	sbr.rel @p1 .LBB2_1-.Ltmp4, $4  }
0x196: {  	[hbm:s8], [sflag:s15] =	dma.local [spmem:s16], $0x2800  }
0x197: {  	_ =	swait.ge [sflag:s14], $0x2800  }
0x198: {  	[sflag:s14] =	ssyncset.done $0x0  }
0x199: {  	[sflag:s14] =	ssyncadd.s32 $0xFFFFD800  }
0x19a: {  	_ =	sfence.sel $0x180000  }
0x19b: {  	[bflag:$0x0] =	sbarrier.arrive $0xFFFF  }
0x19c: {  	p0 =	sne.s32 s2, $0x0;
	_ =	strace $0x9000004A  }
0x19d: {  	s0 =	sadd.s32 @!p0 $0x100000, s0;
	[bflag:$0x2] =	sbarrier.arrive $0xFFFF  }
0x19e: {  	[sflag:s0] =	ssyncadd.tile.s32 @!p0 $0x1;
	_ =	shalt  }
.Lfunc_end2:
_tile_overlayer_lowered:
.L_overlay_start_2:
0x19f: {  	(tag) =	ssettag $0x2  }
0x1a0: {  	s0 =	rddreg [dreg:$0x0];
	s2 =	stileid.u32  }
0x1a1: {  	s1 =	rddreg [dreg:$0x1];
	p0 =	sne.s32 s2, $0x0  }
0x1a2: {  	s3 =	rddreg [dreg:$0x2];
	[bflag:$0x3] =	sbarrier.arrive $0xFFFF;
	s2 =	simm.s32 @!p0 $0x1C01  }
0x1a3: {  	[timem:s3], [sflag:s2] =	dma.local @!p0 [hbm:s0], s1  }
0x1a4: {  	s0 =	simm.s32 @!p0 $0x1  }
0x1a5: {  	_ =	swait.ge @!p0 [sflag:s0], s1  }
0x1a6: {  	s1 =	ssub.s32 @!p0 $0x0, s1;
	[sflag:s0] =	ssyncset.done @!p0 $0x0  }
0x1a7: {  	[sflag:s0] =	ssyncadd.s32 @!p0 s1  }
0x1a8: {  	[bflag:$0x3] =	sbarrier.arrive $0xFFFF  }
0x1a9: {  	_ =	shalt  }

// kernel: kernel.16.cloned.1.call-start
scs
__scs_entry_jumppad:
0x0: {  	(pc) =	sbr.rel $0x88, $3  }
0x1: {  	(tag) =	ssettag $0x0;
	lr =	simm.s32 $0x1  }
0x2: {  	[smem:$0x3F99] =	sst lr;
	_ =	strace $0xD0000000  }
0x3: {  	_ = 	snop  }
0x4: {  	_ = 	snop  }
0x5: {  	_ = 	snop  }
0x6: {  	_ = 	snop  }
0x7: {  	_ = 	snop  }
__scs_overlays_trampoline_lowered:
0x8: {  	[smem:$0x3FA8] =	sst s0  }
0x9: {  	[smem:$0x3FA9] =	sst s1  }
0xa: {  	[smem:$0x3FAA] =	sst s2  }
0xb: {  	[smem:$0x3FAB] =	sst s3  }
0xc: {  	[smem:$0x3FAC] =	sst s4  }
0xd: {  	[smem:$0x3FAD] =	sst s5  }
0xe: {  	[smem:$0x3FAE] =	sst s6  }
0xf: {  	[smem:$0x3FAF] =	sst s7  }
0x10: {  	[smem:$0x3FB0] =	sst s8  }
0x11: {  	[smem:$0x3FB1] =	sst s9;
	s0 =	simm.s32 @!p0 $0x0  }
0x12: {  	s1 =	sld [smem:$0x3F97];
	s0 =	simm.s32 @p0 $0x1  }
0x13: {  	[smem:$0x3FB2] =	sst s0;
	s0 =	simm.s32 @!p1 $0x0  }
0x14: {  	s2 =	sld [smem:$0x3F96];
	s0 =	simm.s32 @p1 $0x1  }
0x15: {  	[smem:$0x3FB3] =	sst s0;
	s0 =	simm.s32 @!p2 $0x0  }
0x16: {  	s3 =	sld [smem:$0x3FDB];
	s0 =	simm.s32 @p2 $0x1  }
0x17: {  	s4 =	simm.s32 $0x1BF5;
	[smem:$0x3FB5] =	sst s0  }
0x18: {  	s0 =	sld [smem:$0x3F98];
	_ =	swait.ge [sflag:s4], $0x0  }
0x19: {  	s7 =	sld [smem:$0x3F99]  }
0x1a: {  	s8 =	sadd.s32 $0xFFFFE003, lr  }
0x1b: {  	s9 =	sadd.s32 $0xFFFFFEF7, lr;
	s5 =	simm.s32 $0xFFFFFFFF;
	p2 =	slt.u32 s8, $0xFFFFF086  }
0x1c: {  	p1 =	slt.u32 s9, $0xF7A;
	s5 =	simm.s32 @!p2 $0x0  }
0x1d: {  	s5 =	simm.s32 @p1 $0x1;
	p0 =	seq.s32 s7, s2  }
0x1e: {  	s7 =	smul.u32 @!p0 $0xF7A, s2;
	p2 =	seq.s32 @!p0 s5, $0x0  }
0x1f: {  	s9 =	smul.u32 $0xF7A, s1;
	s8 =	simm.s32 @!p0 $0x1BF5;
	p2 =	por !p2, p0  }
0x20: {  	[sflag:s8] =	ssyncset.s32 @!p0 $0xFFFFF086;
	s6 =	sadd.s32 @!p0 s3, s7;
	s7 =	simm.s32 @!p0 $0x108  }
0x21: {  	s3 =	sadd.s32 s3, s9;
	s6 =	sadd.s32 @!p0 $0x88, s6;
	s7 =	simm.s32 @p2 $0x1082  }
0x22: {  	[simem:s7], [sflag:s8] =	dma.local @!p0 [hbm:s6], $0xF7A  }
0x23: {  	s9 =	sor.u32 $0xD0000000, s2;
	s6 =	simm.s32 $0x108;
	_ =	swait.ge @!p0 [sflag:s8], $0x0  }
0x24: {  	s3 =	sadd.s32 $0x88, s3;
	s6 =	simm.s32 @!p1 $0x1082;
	[sflag:s4] =	ssyncset.s32 $0xFFFFF086  }
0x25: {  	[simem:s6], [sflag:s4] =	dma.local [hbm:s3], $0xF7A  }
0x26: {  	[smem:$0x3F99] =	sst s1;
	(tag) =	ssettag s2;
	_ =	strace s9  }
0x27: {  	s1 =	sld [smem:$0x3FA9]  }
0x28: {  	s2 =	sld [smem:$0x3FAA]  }
0x29: {  	s4 =	sld [smem:$0x3FAC]  }
0x2a: {  	p0 =	seq.s32 s5, $0x0;
	s5 =	sld [smem:$0x3FAD]  }
0x2b: {  	s6 =	sld [smem:$0x3FAE]  }
0x2c: {  	s7 =	sld [smem:$0x3FAF]  }
0x2d: {  	s3 =	simm.s32 $0x108;
	s8 =	sld [smem:$0x3FB0]  }
0x2e: {  	s3 =	simm.s32 @!p0 $0x1082;
	s9 =	sld [smem:$0x3FB1]  }
0x2f: {  	lr =	sadd.s32 s0, s3;
	s0 =	sld [smem:$0x3FA8]  }
0x30: {  	s3 =	sld [smem:$0x3FAB]  }
0x31: {  	[smem:$0x3FB4] =	sst s10  }
0x32: {  	s10 =	sld [smem:$0x3FB2];
	_ =	sdelay $0x3  }
0x33: {  	p0 =	seq.s32 s10, $0x1;
	s10 =	sld [smem:$0x3FB4];
	_ =	sdelay $0x3  }
0x34: {  	[smem:$0x3FB4] =	sst s10  }
0x35: {  	s10 =	sld [smem:$0x3FB3];
	_ =	sdelay $0x3  }
0x36: {  	p1 =	seq.s32 s10, $0x1;
	s10 =	sld [smem:$0x3FB4];
	_ =	sdelay $0x3  }
0x37: {  	[smem:$0x3FB4] =	sst s10  }
0x38: {  	s10 =	sld [smem:$0x3FB5]  }
0x39: {  	_ = 	snop;
	(pc) =	sbr.ind lr, $3  }
0x3a: {  	_ = 	snop  }
0x3b: {  	_ = 	snop  }
0x3c: {  	p2 =	seq.s32 s10, $0x1;
	s10 =	sld [smem:$0x3FB4]  }
0x3d: {  	_ =	shalt  }
0x3e: {  	_ =	shalt  }
0x3f: {  	_ =	shalt  }
0x40: {  	_ =	shalt  }
0x41: {  	_ =	shalt  }
0x42: {  	_ =	shalt  }
0x43: {  	_ =	shalt  }
0x44: {  	_ =	shalt  }
0x45: {  	_ =	shalt  }
0x46: {  	_ =	shalt  }
0x47: {  	_ =	shalt  }
0x48: {  	_ =	shalt  }
0x49: {  	_ =	shalt  }
0x4a: {  	_ =	shalt  }
0x4b: {  	_ =	shalt  }
0x4c: {  	_ =	shalt  }
0x4d: {  	_ =	shalt  }
0x4e: {  	_ =	shalt  }
0x4f: {  	_ =	shalt  }
0x50: {  	_ =	shalt  }
0x51: {  	_ =	shalt  }
0x52: {  	_ =	shalt  }
0x53: {  	_ =	shalt  }
0x54: {  	_ =	shalt  }
0x55: {  	_ =	shalt  }
0x56: {  	_ =	shalt  }
0x57: {  	_ =	shalt  }
0x58: {  	_ =	shalt  }
0x59: {  	_ =	shalt  }
0x5a: {  	_ =	shalt  }
0x5b: {  	_ =	shalt  }
0x5c: {  	_ =	shalt  }
0x5d: {  	_ =	shalt  }
0x5e: {  	_ =	shalt  }
0x5f: {  	_ =	shalt  }
0x60: {  	_ =	shalt  }
0x61: {  	_ =	shalt  }
0x62: {  	_ =	shalt  }
0x63: {  	_ =	shalt  }
0x64: {  	_ =	shalt  }
0x65: {  	_ =	shalt  }
0x66: {  	_ =	shalt  }
0x67: {  	_ =	shalt  }
0x68: {  	_ =	shalt  }
0x69: {  	_ =	shalt  }
0x6a: {  	_ =	shalt  }
0x6b: {  	_ =	shalt  }
0x6c: {  	_ =	shalt  }
0x6d: {  	_ =	shalt  }
0x6e: {  	_ =	shalt  }
0x6f: {  	_ =	shalt  }
0x70: {  	_ =	shalt  }
0x71: {  	_ =	shalt  }
0x72: {  	_ =	shalt  }
0x73: {  	_ =	shalt  }
0x74: {  	_ =	shalt  }
0x75: {  	_ =	shalt  }
0x76: {  	_ =	shalt  }
0x77: {  	_ =	shalt  }
0x78: {  	_ =	shalt  }
0x79: {  	_ =	shalt  }
0x7a: {  	_ =	shalt  }
0x7b: {  	_ =	shalt  }
0x7c: {  	_ =	shalt  }
0x7d: {  	_ =	shalt  }
0x7e: {  	_ =	shalt  }
0x7f: {  	_ =	shalt  }
0x80: {  	_ =	shalt  }
0x81: {  	_ =	shalt  }
0x82: {  	_ =	shalt  }
0x83: {  	_ =	shalt  }
0x84: {  	_ =	shalt  }
0x85: {  	_ =	shalt  }
0x86: {  	_ =	shalt  }
0x87: {  	_ =	shalt  }
.Lfunc_end0:
.L_simem_size_0:
called_computation.2_lowered:
.L_overlay_start_0:
0x88: {  	s2 =	sld [smem:$0x3FD9]  }
0x89: {  	s3 =	sld [smem:$0x3FFE];
	_ =	sdelay $0x1  }
0x8a: {  	s1 =	srdreg.scid  }
0x8b: {  	s0 =	sand.u32 $0x1, s1  }
0x8c: {  	s16 =	sshll.u32 s0, $0xA;
	s2 =	sadd.s32 s3, s2  }
0x8d: {  	s2 =	sadd.s32 s2, s16  }
0x8e: {  	[smem:$0x3FC0] =	sst s2  }
0x8f: {  	_ = 	snop  }
0x90: {  	(tm) =	ssettm $0x1  }
0x91: {  	s17 =	sld [smem:$0x3FFB];
	_ =	sdelay $0x3  }
0x92: {  	_ =	strace s17  }
0x93: {  	s2 =	sld [smem:$0x3FFC];
	_ =	sdelay $0x3  }
0x94: {  	_ =	strace s2  }
0x95: {  	s2 =	sld [smem:$0x3FFD];
	_ =	sdelay $0x3  }
0x96: {  	_ =	strace s2  }
0x97: {  	_ =	strace $0x8FFFFFFF  }
0x98: {  	s18 =	sld [smem:$0x3FDB];
	_ =	sdelay $0x1  }
0x99: {  	s19 =	simm.s32 $_scs_section_size  }
0x9a: {  	s4 =	simm.s32 $_size__tile_overlayer_lowered;
	s5 =	simm.s32 $_tile_overlayer_lowered  }
0x9b: {  	s22 =	simm.s32 $0x1BFF;
	s21 =	sshll.u32 s5, $0x1;
	s2 =	sadd.s32 s19, s18  }
0x9c: {  	s6 =	simm.s32 $0x0;
	s20 =	sshll.u32 s4, $0x1;
	s4 =	sadd.s32 s21, s2  }
0x9d: {  	[timem:s6], [sflag:s22] =	dma.local [hbm:s4], s20  }
0x9e: {  	_ =	swait.ge [sflag:s22], s20  }
0x9f: {  	s3 =	ssub.s32 $0x0, s20;
	[sflag:s22] =	ssyncset.done $0x0  }
0xa0: {  	[sflag:s22] =	ssyncadd.s32 s3;
	_ =	sdelay $0x1  }
0xa1: {  	s23 =	simm.s32 $0x1B8B  }
0xa2: {  	_ =	swait.ge [sflag:s23], $0x1  }
0xa3: {  	[sflag:s23] =	ssyncset.done $0x0  }
0xa4: {  	s25 =	simm.s32 $0x1B8E;
	s24 =	sld [smem:$0x3FFE];
	[sflag:s23] =	ssyncadd.s32 $0xFFFFFFFF  }
0xa5: {  	s26 =	simm.s32 $execute0_lowered;
	[smem:$0x3FD2] =	sst s25  }
0xa6: {  	s4 =	sshll.u32 s26, $0x1;
	_ =	strace $0x8000004C;
	[dreg:$0x1] =	wrdreg $0xFFFFFFFF  }
0xa7: {  	s28 =	simm.s32 $_size_execute0_lowered;
	s2 =	sadd.s32 s2, s4;
	[dreg:$0x0] =	wrdreg $0x0  }
0xa8: {  	s4 =	sshll.u32 s28, $0x1;
	[dreg:$0x2] =	wrdreg s2  }
0xa9: {  	[dreg:$0x3] =	wrdreg s4  }
0xaa: {  	[dreg:$0x4] =	wrdreg $0xC0  }
0xab: {  	_ =	task [dreg:s6], $0x5FFFF  }
0xac: {  	[dreg:$0x1] =	wrdreg $0xFFFFFFFF  }
0xad: {  	[dreg:$0x0] =	wrdreg $0x60  }
0xae: {  	[dreg:$0x2] =	wrdreg s24  }
0xaf: {  	[dreg:$0x3] =	wrdreg $0xAA000  }
0xb0: {  	[dreg:$0x4] =	wrdreg $0x9  }
0xb1: {  	_ =	task.clear_ibuf [dreg:s6], $0x5FFFF;
	_ =	strace $0x9000004C  }
0xb2: {  	s29 =	simm.s32 $0x9;
	_ =	strace $0x8000004E  }
0xb3: {  	_ =	swait.ge [sflag:s29], $0x1  }
0xb4: {  	[sflag:s29] =	ssyncadd.s32 $0xFFFFFFFF  }
0xb5: {  	_ =	strace $0x9000004E  }
0xb6: {  	_ =	sfence  }
0xb7: {  	s30 =	sld [smem:$0x0];
	_ =	sdelay $0x2  }
0xb8: {  	s31 =	sshll.u32 s1, $0xD;
	s1 =	sshrl.u32 s1, $0x2  }
0xb9: {  	s3 =	sand.u32 $0x4000, s31;
	s1 =	sadd.s32 s1, s30  }
0xba: {  	s0 =	sor.u32 s3, s0;
	s1 =	sshll.u32 s1, $0x11  }
0xbb: {  	s0 =	sor.u32 s1, s0  }
0xbc: {  	s0 =	sadd.s32 $0x8F2B, s0  }
0xbd: {  	[sflag:s0] =	ssyncadd.remote.s32 $0x1  }
0xbe: {  	_ =	sfence.sel $0xFFFF  }
0xbf: {  	[dreg:$0x0] =	wrdreg $0xFFFFFFFF;
	(pc) =	sbr.abs _section_cstart, $3  }
0xc0: {  	[dreg:$0x1] =	wrdreg $0xFFFFFFFF  }
0xc1: {  	_ =	task.clear_ibuf [dreg:s6], $0x2FFFF;
	_ =	strace $0x9FFFFFFF  }
0xc2: {  	(tm) =	ssettm $0x7FFFFFFF  }
0xc3: {  	_ =	shalt  }
tec
execute0_lowered:
.L_overlay_start_1:
0x0: {  	(tag) =	ssettag $0x1  }
0x1: {  	s5 =	rddreg [dreg:$0x0]  }
0x2: {  	s1 =	rddreg [dreg:$0x1]  }
0x3: {  	s2 =	srdreg.scid;
	s0 =	rddreg [dreg:$0x2];
	s3 =	simm.s32 $0x0  }
0x4: {  	s17 =	simm.s32 $0x80;
	s18 =	simm.s32 $0x2800;
	s19 =	simm.s32 $0x2A00  }
0x5: {  	s20 =	simm.s32 $0x2900;
	s21 =	simm.s32 $0x2880;
	s14 =	sand.u32 $0x1, s2  }
0x6: {  	s22 =	simm.s32 $0x6A00;
	s2 =	stileid.u32;
	s6 =	smul.u32 $0x140000, s14  }
0x7: {  	s23 =	simm.s32 $0x2980;
	s24 =	simm.s32 $0x0;
	s7 =	smul.u32 $0x14000, s2  }
0x8: {  	[smem:$0x7FF] =	sst s3;
	s4 =	sshll.u32 s14, $0x4;
	s31 =	smul.u32 $0x50000, s2  }
0x9: {  	_ =	strace $0x8000004D;
	s9 =	ssub.s32 $0x2, s14;
	s11 =	smul.u32 $0x2800, s2  }
0xa: {  	s15 =	sshll.u32 s2, $0x6;
	p0 =	sne.s32 s14, $0x0;
	s14 =	simm.s32 $0x1  }
0xb: {  	s4 =	sor.u32 s2, s4;
	s10 =	sshrl.u32 s9, $0x1;
	s15 =	sor.u32 $0x1C01, s15  }
0xc: {  	s8 =	smul.u32 $0x500, s4;
	s4 =	sadd.s32 $0x1E00, s5;
	s6 =	sadd.s32 s7, s6  }
0xd: {  	s7 =	sshrl.u32 s31, $0x2;
	s9 =	ssub.s32 s9, s10;
	s6 =	sshrl.u32 s6, $0x3  }
0xe: {  	s9 =	smax.u32 s9, $0x1;
	s8 =	sadd.s32 s8, s5;
	s12 =	sadd.s32 s6, s5  }
0xf: {  	s5 =	sadd.s32 s7, s1;
	s6 =	sadd.s32 s4, s11;
	s7 =	sadd.s32 $0x51E00, s8  }
0x10: {  	s8 =	sadd.s32 $0x5BE00, s12;
	s10 =	sadd.s32 $0x4000, s5;
	s11 =	sadd.s32 $0x8000, s5  }
0x11: {  	v0 =	vimm.f32 $0.0e+00;
	s12 =	sadd.s32 $0xC000, s5;
	s13 =	sadd.s32 $0x10000, s5;
	s16 =	sshrl.u32 s5, $0x3  }
.LBB2_1:
.Ltmp0:
0x12: {  	(pc) =	sbr.rel @p0 .LBB2_3-.Ltmp0, $1  }
0x13: {  	_ =	sdelay $0x3  }
.Ltmp1:
0x14: {  	(pc) =	sbr.rel .LBB2_6-.Ltmp1, $4  }
0x15: {  	[spmem:s16], [sflag:s15] =	dma.local [hbm:s6], $0x2800  }
0x16: {  	_ =	swait.ge [sflag:s14], $0x2800  }
0x17: {  	[sflag:s14] =	ssyncset.done $0x0  }
0x18: {  	[sflag:s14] =	ssyncadd.s32 $0xFFFFD800  }
.LBB2_3:
0x19: {  	s25 =	sshra.s32 s3, $0x2;
	s26 =	sadd.s32 $0x200, s3  }
.LBB2_4:
0x1a: {  	p1 =	seq.s32 s26, $0xFE00;
	[tilespmem:s25+$0x2A70] =	vst v0  }
0x1b: {  	[tilespmem:s25+$0x2A00] =	vst v0  }
0x1c: {  	[tilespmem:s25+$0x2A10] =	vst v0  }
.Ltmp2:
0x1d: {  	[tilespmem:s25+$0x2A20] =	vst v0;
	(pc) =	sbr.rel @!p1 .LBB2_4-.Ltmp2, $4  }
0x1e: {  	[tilespmem:s25+$0x2A30] =	vst v0  }
0x1f: {  	[tilespmem:s25+$0x2A40] =	vst v0  }
0x20: {  	[tilespmem:s25+$0x2A50] =	vst v0  }
0x21: {  	[tilespmem:s25+$0x2A60] =	vst v0;
	s25 =	sshra.s32 s26, $0x2;
	s26 =	sadd.s32 $0x200, s26  }
0x22: {  	[tilespmem:s25+$0x2A70] =	vst v0  }
0x23: {  	[tilespmem:s25+$0x2A00] =	vst v0  }
0x24: {  	[tilespmem:s25+$0x2A10] =	vst v0  }
0x25: {  	[tilespmem:s25+$0x2A20] =	vst v0  }
0x26: {  	[tilespmem:s25+$0x2A30] =	vst v0  }
0x27: {  	[tilespmem:s25+$0x2A40] =	vst v0  }
0x28: {  	[tilespmem:s25+$0x2A50] =	vst v0  }
0x29: {  	[tilespmem:s25+$0x2A60] =	vst v0  }
0x2a: {  	[spmem:s5] =	stream.linear.scatter [tilespmem:s19], [sflag:$0x1], $0x4000, $0x38;
	[tilespmem:$0x1EA00] =	vst v63  }
0x2b: {  	_ =	swait.ge [sflag:s14], $0x4000  }
0x2c: {  	[sflag:s14] =	ssyncset.done $0x0  }
0x2d: {  	[sflag:s14] =	ssyncadd.s32 $0xFFFFC000  }
0x2e: {  	[spmem:s10] =	stream.linear.scatter [tilespmem:s19], [sflag:$0x1], $0x4000, $0x38;
	[tilespmem:$0x1EA00] =	vst v63  }
0x2f: {  	_ =	swait.ge [sflag:s14], $0x4000  }
0x30: {  	[sflag:s14] =	ssyncset.done $0x0  }
0x31: {  	[sflag:s14] =	ssyncadd.s32 $0xFFFFC000  }
0x32: {  	[spmem:s11] =	stream.linear.scatter [tilespmem:s19], [sflag:$0x1], $0x4000, $0x38;
	[tilespmem:$0x1EA00] =	vst v63  }
0x33: {  	_ =	swait.ge [sflag:s14], $0x4000  }
0x34: {  	[sflag:s14] =	ssyncset.done $0x0  }
0x35: {  	[sflag:s14] =	ssyncadd.s32 $0xFFFFC000  }
0x36: {  	[spmem:s12] =	stream.linear.scatter [tilespmem:s19], [sflag:$0x1], $0x4000, $0x38;
	[tilespmem:$0x1EA00] =	vst v63  }
0x37: {  	_ =	swait.ge [sflag:s14], $0x4000  }
0x38: {  	[sflag:s14] =	ssyncset.done $0x0  }
0x39: {  	[sflag:s14] =	ssyncadd.s32 $0xFFFFC000  }
0x3a: {  	[spmem:s13] =	stream.linear.scatter [tilespmem:s19], [sflag:$0x1], $0x4000, $0x38;
	[tilespmem:$0x1EA00] =	vst v63  }
0x3b: {  	_ =	swait.ge [sflag:s14], $0x4000  }
0x3c: {  	[sflag:s14] =	ssyncset.done $0x0  }
0x3d: {  	[sflag:s14] =	ssyncadd.s32 $0xFFFFC000  }
.LBB2_6:
0x3e: {  	s25 =	simm.s32 $0x0  }
0x3f: {  	[tilespmem:s25], [sflag:$0x1] =	stream.linear.gather [hbm4b:s7+s25], $0x2800, $0x38;
	[tilespmem:$0x1EA00] =	vst v63  }
0x40: {  	_ =	swait.ge [sflag:s14], $0x2800  }
0x41: {  	[sflag:s14] =	ssyncset.done $0x0  }
0x42: {  	[sflag:s14] =	ssyncadd.s32 $0xFFFFD800  }
0x43: {  	s31 =	simm.s32 $0x0;
	[bflag:$0x0] =	sbarrier.arrive $0xFFFF  }
0x44: {  	v1 =	vld [tilespmem:s31+$0x0];
	_ =	sdelay $0x4  }
0x45: {  	v1 =	vand.u32 $0xFFFF, v1  }
0x46: {  	[tilespmem:$0x2800] =	vst v1  }
0x47: {  	v1 =	vld [tilespmem:s31+$0x10];
	_ =	sdelay $0x4  }
0x48: {  	v1 =	vand.u32 $0xFFFF, v1  }
0x49: {  	[tilespmem:$0x2810] =	vst v1  }
0x4a: {  	v1 =	vld [tilespmem:s31+$0x20];
	_ =	sdelay $0x4  }
0x4b: {  	v1 =	vand.u32 $0xFFFF, v1  }
0x4c: {  	[tilespmem:$0x2820] =	vst v1  }
0x4d: {  	v1 =	vld [tilespmem:s31+$0x30];
	_ =	sdelay $0x4  }
0x4e: {  	v1 =	vand.u32 $0xFFFF, v1  }
0x4f: {  	[tilespmem:$0x2830] =	vst v1  }
0x50: {  	v1 =	vld [tilespmem:s31+$0x40];
	_ =	sdelay $0x4  }
0x51: {  	v1 =	vand.u32 $0xFFFF, v1  }
0x52: {  	[tilespmem:$0x2840] =	vst v1  }
0x53: {  	v1 =	vld [tilespmem:s31+$0x50];
	_ =	sdelay $0x4  }
0x54: {  	v1 =	vand.u32 $0xFFFF, v1  }
0x55: {  	[tilespmem:$0x2850] =	vst v1  }
0x56: {  	v1 =	vld [tilespmem:s31+$0x60];
	_ =	sdelay $0x4  }
0x57: {  	v1 =	vand.u32 $0xFFFF, v1  }
0x58: {  	[tilespmem:$0x2860] =	vst v1  }
0x59: {  	v1 =	vld [tilespmem:s31+$0x70];
	_ =	sdelay $0x4  }
0x5a: {  	v1 =	vand.u32 $0xFFFF, v1  }
0x5b: {  	[tilespmem:$0x2870] =	vst v1  }
0x5c: {  	[tilespmem:s19], [sflag:$0x1] =	stream.indirect.gather [hbm4b:s4+s17], $0x80, s18, s17, $0xb8;
	[tilespmem:$0x1EA00] =	vst v63  }
0x5d: {  	_ =	swait.ge [sflag:s14], $0x4000  }
0x5e: {  	[sflag:s14] =	ssyncset.done $0x0  }
0x5f: {  	[sflag:s14] =	ssyncadd.s32 $0xFFFFC000  }
0x60: {  	v1 =	vld [tilespmem:s31+$0x0];
	_ =	sdelay $0x4  }
0x61: {  	v1 =	vshrl.u32 v1, $0x10  }
0x62: {  	[tilespmem:$0x2900] =	vst v1  }
0x63: {  	v1 =	vld [tilespmem:s31+$0x10];
	_ =	sdelay $0x4  }
0x64: {  	v1 =	vshrl.u32 v1, $0x10  }
0x65: {  	[tilespmem:$0x2910] =	vst v1  }
0x66: {  	v1 =	vld [tilespmem:s31+$0x20];
	_ =	sdelay $0x4  }
0x67: {  	v1 =	vshrl.u32 v1, $0x10  }
0x68: {  	[tilespmem:$0x2920] =	vst v1  }
0x69: {  	v1 =	vld [tilespmem:s31+$0x30];
	_ =	sdelay $0x4  }
0x6a: {  	v1 =	vshrl.u32 v1, $0x10  }
0x6b: {  	[tilespmem:$0x2930] =	vst v1  }
0x6c: {  	v1 =	vld [tilespmem:s31+$0x40];
	_ =	sdelay $0x4  }
0x6d: {  	v1 =	vshrl.u32 v1, $0x10  }
0x6e: {  	[tilespmem:$0x2940] =	vst v1  }
0x6f: {  	v1 =	vld [tilespmem:s31+$0x50];
	_ =	sdelay $0x4  }
0x70: {  	v1 =	vshrl.u32 v1, $0x10  }
0x71: {  	[tilespmem:$0x2950] =	vst v1  }
0x72: {  	v1 =	vld [tilespmem:s31+$0x60];
	_ =	sdelay $0x4  }
0x73: {  	v1 =	vshrl.u32 v1, $0x10  }
0x74: {  	[tilespmem:$0x2960] =	vst v1  }
0x75: {  	v1 =	vld [tilespmem:s31+$0x70];
	_ =	sdelay $0x4  }
0x76: {  	v1 =	vshrl.u32 v1, $0x10  }
0x77: {  	[tilespmem:$0x2970] =	vst v1  }
0x78: {  	[spmem:s1] =	stream.indirect.scatter.add.f32 [tilespmem:s19], [sflag:$0x1], $0x80, s20, s17, $0xb8;
	[tilespmem:$0x1EA00] =	vst v63  }
0x79: {  	_ =	swait.ge [sflag:s14], $0x4000  }
0x7a: {  	[sflag:s14] =	ssyncset.done $0x0  }
0x7b: {  	[sflag:s14] =	ssyncadd.s32 $0xFFFFC000  }
0x7c: {  	v1 =	vld [tilespmem:s31+$0x80];
	_ =	sdelay $0x4  }
0x7d: {  	v1 =	vand.u32 $0xFFFF, v1  }
0x7e: {  	[tilespmem:$0x2880] =	vst v1  }
0x7f: {  	v1 =	vld [tilespmem:s31+$0x90];
	_ =	sdelay $0x4  }
0x80: {  	v1 =	vand.u32 $0xFFFF, v1  }
0x81: {  	[tilespmem:$0x2890] =	vst v1  }
0x82: {  	v1 =	vld [tilespmem:s31+$0xA0];
	_ =	sdelay $0x4  }
0x83: {  	v1 =	vand.u32 $0xFFFF, v1  }
0x84: {  	[tilespmem:$0x28A0] =	vst v1  }
0x85: {  	v1 =	vld [tilespmem:s31+$0xB0];
	_ =	sdelay $0x4  }
0x86: {  	v1 =	vand.u32 $0xFFFF, v1  }
0x87: {  	[tilespmem:$0x28B0] =	vst v1  }
0x88: {  	v1 =	vld [tilespmem:s31+$0xC0];
	_ =	sdelay $0x4  }
0x89: {  	v1 =	vand.u32 $0xFFFF, v1  }
0x8a: {  	[tilespmem:$0x28C0] =	vst v1  }
0x8b: {  	v1 =	vld [tilespmem:s31+$0xD0];
	_ =	sdelay $0x4  }
0x8c: {  	v1 =	vand.u32 $0xFFFF, v1  }
0x8d: {  	[tilespmem:$0x28D0] =	vst v1  }
0x8e: {  	v1 =	vld [tilespmem:s31+$0xE0];
	_ =	sdelay $0x4  }
0x8f: {  	v1 =	vand.u32 $0xFFFF, v1  }
0x90: {  	[tilespmem:$0x28E0] =	vst v1  }
0x91: {  	v1 =	vld [tilespmem:s31+$0xF0];
	_ =	sdelay $0x4  }
0x92: {  	v1 =	vand.u32 $0xFFFF, v1  }
0x93: {  	[tilespmem:$0x28F0] =	vst v1  }
0x94: {  	[tilespmem:s22], [sflag:$0x1] =	stream.indirect.gather [hbm4b:s4+s17], $0x80, s21, s17, $0xb8;
	[tilespmem:$0x1EA00] =	vst v63  }
0x95: {  	_ =	swait.ge [sflag:s14], $0x4000  }
0x96: {  	[sflag:s14] =	ssyncset.done $0x0  }
0x97: {  	[sflag:s14] =	ssyncadd.s32 $0xFFFFC000  }
0x98: {  	v1 =	vld [tilespmem:s31+$0x80];
	_ =	sdelay $0x4  }
0x99: {  	v1 =	vshrl.u32 v1, $0x10  }
0x9a: {  	[tilespmem:$0x2980] =	vst v1  }
0x9b: {  	v1 =	vld [tilespmem:s31+$0x90];
	_ =	sdelay $0x4  }
0x9c: {  	v1 =	vshrl.u32 v1, $0x10  }
0x9d: {  	[tilespmem:$0x2990] =	vst v1  }
0x9e: {  	v1 =	vld [tilespmem:s31+$0xA0];
	_ =	sdelay $0x4  }
0x9f: {  	v1 =	vshrl.u32 v1, $0x10  }
0xa0: {  	[tilespmem:$0x29A0] =	vst v1  }
0xa1: {  	v1 =	vld [tilespmem:s31+$0xB0];
	_ =	sdelay $0x4  }
0xa2: {  	v1 =	vshrl.u32 v1, $0x10  }
0xa3: {  	[tilespmem:$0x29B0] =	vst v1  }
0xa4: {  	v1 =	vld [tilespmem:s31+$0xC0];
	_ =	sdelay $0x4  }
0xa5: {  	v1 =	vshrl.u32 v1, $0x10  }
0xa6: {  	[tilespmem:$0x29C0] =	vst v1  }
0xa7: {  	v1 =	vld [tilespmem:s31+$0xD0];
	_ =	sdelay $0x4  }
0xa8: {  	v1 =	vshrl.u32 v1, $0x10  }
0xa9: {  	[tilespmem:$0x29D0] =	vst v1  }
0xaa: {  	v1 =	vld [tilespmem:s31+$0xE0];
	_ =	sdelay $0x4  }
0xab: {  	v1 =	vshrl.u32 v1, $0x10  }
0xac: {  	[tilespmem:$0x29E0] =	vst v1  }
0xad: {  	v1 =	vld [tilespmem:s31+$0xF0];
	_ =	sdelay $0x4  }
0xae: {  	v1 =	vshrl.u32 v1, $0x10  }
0xaf: {  	[tilespmem:$0x29F0] =	vst v1  }
0xb0: {  	[spmem:s1] =	stream.indirect.scatter.add.f32 [tilespmem:s22], [sflag:$0x1], $0x80, s23, s17, $0xb8;
	[tilespmem:$0x1EA00] =	vst v63  }
0xb1: {  	_ =	swait.ge [sflag:s14], $0x4000  }
0xb2: {  	s29 =	simm.s32 $0x800;
	s25 =	simm.s32 $0x400;
	[sflag:s14] =	ssyncset.done $0x0  }
.LBB2_7:
0xb3: {  	s28 =	sshra.s32 s25, $0x2  }
0xb4: {  	[sflag:s14] =	ssyncadd.s32 $0xFFFFC000;
	s25 =	smov.u32 s29;
	s26 =	sadd.s32 $0x400, s29  }
0xb5: {  	p1 =	sne.s32 s29, $0x9C00;
	v1 =	vld [tilespmem:s28+$0x0];
	_ =	sdelay $0x4  }
0xb6: {  	v1 =	vand.u32 $0xFFFF, v1  }
0xb7: {  	[tilespmem:$0x2800] =	vst v1  }
0xb8: {  	v1 =	vld [tilespmem:s28+$0x10];
	_ =	sdelay $0x4  }
0xb9: {  	v1 =	vand.u32 $0xFFFF, v1  }
0xba: {  	[tilespmem:$0x2810] =	vst v1  }
0xbb: {  	v1 =	vld [tilespmem:s28+$0x20];
	_ =	sdelay $0x4  }
0xbc: {  	v1 =	vand.u32 $0xFFFF, v1  }
0xbd: {  	[tilespmem:$0x2820] =	vst v1  }
0xbe: {  	v1 =	vld [tilespmem:s28+$0x30];
	_ =	sdelay $0x4  }
0xbf: {  	v1 =	vand.u32 $0xFFFF, v1  }
0xc0: {  	[tilespmem:$0x2830] =	vst v1  }
0xc1: {  	v1 =	vld [tilespmem:s28+$0x40];
	_ =	sdelay $0x4  }
0xc2: {  	v1 =	vand.u32 $0xFFFF, v1  }
0xc3: {  	[tilespmem:$0x2840] =	vst v1  }
0xc4: {  	v1 =	vld [tilespmem:s28+$0x50];
	_ =	sdelay $0x4  }
0xc5: {  	v1 =	vand.u32 $0xFFFF, v1  }
0xc6: {  	[tilespmem:$0x2850] =	vst v1  }
0xc7: {  	v1 =	vld [tilespmem:s28+$0x60];
	_ =	sdelay $0x4  }
0xc8: {  	v1 =	vand.u32 $0xFFFF, v1  }
0xc9: {  	[tilespmem:$0x2860] =	vst v1  }
0xca: {  	v1 =	vld [tilespmem:s28+$0x70];
	_ =	sdelay $0x4  }
0xcb: {  	v1 =	vand.u32 $0xFFFF, v1  }
0xcc: {  	[tilespmem:$0x2870] =	vst v1  }
0xcd: {  	[tilespmem:s19], [sflag:$0x1] =	stream.indirect.gather [hbm4b:s4+s17], $0x80, s18, s17, $0xb8;
	[tilespmem:$0x1EA00] =	vst v63  }
0xce: {  	_ =	swait.ge [sflag:s14], $0x4000  }
0xcf: {  	[sflag:s14] =	ssyncset.done $0x0  }
0xd0: {  	[sflag:s14] =	ssyncadd.s32 $0xFFFFC000  }
0xd1: {  	v1 =	vld [tilespmem:s28+$0x0];
	_ =	sdelay $0x4  }
0xd2: {  	v1 =	vshrl.u32 v1, $0x10  }
0xd3: {  	[tilespmem:$0x2900] =	vst v1  }
0xd4: {  	v1 =	vld [tilespmem:s28+$0x10];
	_ =	sdelay $0x4  }
0xd5: {  	v1 =	vshrl.u32 v1, $0x10  }
0xd6: {  	[tilespmem:$0x2910] =	vst v1  }
0xd7: {  	v1 =	vld [tilespmem:s28+$0x20];
	_ =	sdelay $0x4  }
0xd8: {  	v1 =	vshrl.u32 v1, $0x10  }
0xd9: {  	[tilespmem:$0x2920] =	vst v1  }
0xda: {  	v1 =	vld [tilespmem:s28+$0x30];
	_ =	sdelay $0x4  }
0xdb: {  	v1 =	vshrl.u32 v1, $0x10  }
0xdc: {  	[tilespmem:$0x2930] =	vst v1  }
0xdd: {  	v1 =	vld [tilespmem:s28+$0x40];
	_ =	sdelay $0x4  }
0xde: {  	v1 =	vshrl.u32 v1, $0x10  }
0xdf: {  	[tilespmem:$0x2940] =	vst v1  }
0xe0: {  	v1 =	vld [tilespmem:s28+$0x50];
	_ =	sdelay $0x4  }
0xe1: {  	v1 =	vshrl.u32 v1, $0x10  }
0xe2: {  	[tilespmem:$0x2950] =	vst v1  }
0xe3: {  	v1 =	vld [tilespmem:s28+$0x60];
	_ =	sdelay $0x4  }
0xe4: {  	v1 =	vshrl.u32 v1, $0x10  }
0xe5: {  	[tilespmem:$0x2960] =	vst v1  }
0xe6: {  	v1 =	vld [tilespmem:s28+$0x70];
	_ =	sdelay $0x4  }
0xe7: {  	v1 =	vshrl.u32 v1, $0x10  }
0xe8: {  	[tilespmem:$0x2970] =	vst v1  }
0xe9: {  	[spmem:s1] =	stream.indirect.scatter.add.f32 [tilespmem:s19], [sflag:$0x1], $0x80, s20, s17, $0xb8;
	[tilespmem:$0x1EA00] =	vst v63  }
0xea: {  	_ =	swait.ge [sflag:s14], $0x4000  }
0xeb: {  	[sflag:s14] =	ssyncset.done $0x0  }
0xec: {  	[sflag:s14] =	ssyncadd.s32 $0xFFFFC000  }
0xed: {  	v1 =	vld [tilespmem:s28+$0x80];
	_ =	sdelay $0x4  }
0xee: {  	v1 =	vand.u32 $0xFFFF, v1  }
0xef: {  	[tilespmem:$0x2880] =	vst v1  }
0xf0: {  	v1 =	vld [tilespmem:s28+$0x90];
	_ =	sdelay $0x4  }
0xf1: {  	v1 =	vand.u32 $0xFFFF, v1  }
0xf2: {  	[tilespmem:$0x2890] =	vst v1  }
0xf3: {  	v1 =	vld [tilespmem:s28+$0xA0];
	_ =	sdelay $0x4  }
0xf4: {  	v1 =	vand.u32 $0xFFFF, v1  }
0xf5: {  	[tilespmem:$0x28A0] =	vst v1  }
0xf6: {  	v1 =	vld [tilespmem:s28+$0xB0];
	_ =	sdelay $0x4  }
0xf7: {  	v1 =	vand.u32 $0xFFFF, v1  }
0xf8: {  	[tilespmem:$0x28B0] =	vst v1  }
0xf9: {  	v1 =	vld [tilespmem:s28+$0xC0];
	_ =	sdelay $0x4  }
0xfa: {  	v1 =	vand.u32 $0xFFFF, v1  }
0xfb: {  	[tilespmem:$0x28C0] =	vst v1  }
0xfc: {  	v1 =	vld [tilespmem:s28+$0xD0];
	_ =	sdelay $0x4  }
0xfd: {  	v1 =	vand.u32 $0xFFFF, v1  }
0xfe: {  	[tilespmem:$0x28D0] =	vst v1  }
0xff: {  	v1 =	vld [tilespmem:s28+$0xE0];
	_ =	sdelay $0x4  }
0x100: {  	v1 =	vand.u32 $0xFFFF, v1  }
0x101: {  	[tilespmem:$0x28E0] =	vst v1  }
0x102: {  	v1 =	vld [tilespmem:s28+$0xF0];
	_ =	sdelay $0x4  }
0x103: {  	v1 =	vand.u32 $0xFFFF, v1  }
0x104: {  	[tilespmem:$0x28F0] =	vst v1  }
0x105: {  	[tilespmem:s22], [sflag:$0x1] =	stream.indirect.gather [hbm4b:s4+s17], $0x80, s21, s17, $0xb8;
	[tilespmem:$0x1EA00] =	vst v63  }
0x106: {  	_ =	swait.ge [sflag:s14], $0x4000  }
0x107: {  	[sflag:s14] =	ssyncset.done $0x0  }
0x108: {  	[sflag:s14] =	ssyncadd.s32 $0xFFFFC000  }
0x109: {  	v1 =	vld [tilespmem:s28+$0x80];
	_ =	sdelay $0x4  }
0x10a: {  	v1 =	vshrl.u32 v1, $0x10  }
0x10b: {  	[tilespmem:$0x2980] =	vst v1  }
0x10c: {  	v1 =	vld [tilespmem:s28+$0x90];
	_ =	sdelay $0x4  }
0x10d: {  	v1 =	vshrl.u32 v1, $0x10  }
0x10e: {  	[tilespmem:$0x2990] =	vst v1  }
0x10f: {  	v1 =	vld [tilespmem:s28+$0xA0];
	_ =	sdelay $0x4  }
0x110: {  	v1 =	vshrl.u32 v1, $0x10  }
0x111: {  	[tilespmem:$0x29A0] =	vst v1  }
0x112: {  	v1 =	vld [tilespmem:s28+$0xB0];
	_ =	sdelay $0x4  }
0x113: {  	v1 =	vshrl.u32 v1, $0x10  }
0x114: {  	[tilespmem:$0x29B0] =	vst v1  }
0x115: {  	v1 =	vld [tilespmem:s28+$0xC0];
	_ =	sdelay $0x4  }
0x116: {  	v1 =	vshrl.u32 v1, $0x10  }
0x117: {  	[tilespmem:$0x29C0] =	vst v1  }
0x118: {  	v1 =	vld [tilespmem:s28+$0xD0];
	_ =	sdelay $0x4  }
0x119: {  	v1 =	vshrl.u32 v1, $0x10  }
0x11a: {  	[tilespmem:$0x29D0] =	vst v1  }
0x11b: {  	v1 =	vld [tilespmem:s28+$0xE0];
	_ =	sdelay $0x4  }
0x11c: {  	v1 =	vshrl.u32 v1, $0x10  }
0x11d: {  	[tilespmem:$0x29E0] =	vst v1  }
0x11e: {  	v1 =	vld [tilespmem:s28+$0xF0];
	_ =	sdelay $0x4  }
.Ltmp3:
0x11f: {  	v1 =	vshrl.u32 v1, $0x10;
	(pc) =	sbr.rel @p1 .LBB2_7-.Ltmp3, $4  }
0x120: {  	[tilespmem:$0x29F0] =	vst v1  }
0x121: {  	[spmem:s1] =	stream.indirect.scatter.add.f32 [tilespmem:s22], [sflag:$0x1], $0x80, s23, s17, $0xb8;
	[tilespmem:$0x1EA00] =	vst v63  }
0x122: {  	_ =	swait.ge [sflag:s14], $0x4000  }
0x123: {  	s29 =	smov.u32 s26;
	[sflag:s14] =	ssyncset.done $0x0  }
0x124: {  	s25 =	sshra.s32 s25, $0x2;
	[sflag:s14] =	ssyncadd.s32 $0xFFFFC000  }
0x125: {  	v1 =	vld [tilespmem:s25+$0x0];
	_ =	sdelay $0x4  }
0x126: {  	v1 =	vand.u32 $0xFFFF, v1  }
0x127: {  	[tilespmem:$0x2800] =	vst v1  }
0x128: {  	v1 =	vld [tilespmem:s25+$0x10];
	_ =	sdelay $0x4  }
0x129: {  	v1 =	vand.u32 $0xFFFF, v1  }
0x12a: {  	[tilespmem:$0x2810] =	vst v1  }
0x12b: {  	v1 =	vld [tilespmem:s25+$0x20];
	_ =	sdelay $0x4  }
0x12c: {  	v1 =	vand.u32 $0xFFFF, v1  }
0x12d: {  	[tilespmem:$0x2820] =	vst v1  }
0x12e: {  	v1 =	vld [tilespmem:s25+$0x30];
	_ =	sdelay $0x4  }
0x12f: {  	v1 =	vand.u32 $0xFFFF, v1  }
0x130: {  	[tilespmem:$0x2830] =	vst v1  }
0x131: {  	v1 =	vld [tilespmem:s25+$0x40];
	_ =	sdelay $0x4  }
0x132: {  	v1 =	vand.u32 $0xFFFF, v1  }
0x133: {  	[tilespmem:$0x2840] =	vst v1  }
0x134: {  	v1 =	vld [tilespmem:s25+$0x50];
	_ =	sdelay $0x4  }
0x135: {  	v1 =	vand.u32 $0xFFFF, v1  }
0x136: {  	[tilespmem:$0x2850] =	vst v1  }
0x137: {  	v1 =	vld [tilespmem:s25+$0x60];
	_ =	sdelay $0x4  }
0x138: {  	v1 =	vand.u32 $0xFFFF, v1  }
0x139: {  	[tilespmem:$0x2860] =	vst v1  }
0x13a: {  	v1 =	vld [tilespmem:s25+$0x70];
	_ =	sdelay $0x4  }
0x13b: {  	v1 =	vand.u32 $0xFFFF, v1  }
0x13c: {  	[tilespmem:$0x2870] =	vst v1  }
0x13d: {  	[tilespmem:s19], [sflag:$0x1] =	stream.indirect.gather [hbm4b:s4+s17], $0x80, s18, s17, $0xb8;
	[tilespmem:$0x1EA00] =	vst v63  }
0x13e: {  	_ =	swait.ge [sflag:s14], $0x4000  }
0x13f: {  	[sflag:s14] =	ssyncset.done $0x0  }
0x140: {  	[sflag:s14] =	ssyncadd.s32 $0xFFFFC000  }
0x141: {  	v1 =	vld [tilespmem:s25+$0x0];
	_ =	sdelay $0x4  }
0x142: {  	v1 =	vshrl.u32 v1, $0x10  }
0x143: {  	[tilespmem:$0x2900] =	vst v1  }
0x144: {  	v1 =	vld [tilespmem:s25+$0x10];
	_ =	sdelay $0x4  }
0x145: {  	v1 =	vshrl.u32 v1, $0x10  }
0x146: {  	[tilespmem:$0x2910] =	vst v1  }
0x147: {  	v1 =	vld [tilespmem:s25+$0x20];
	_ =	sdelay $0x4  }
0x148: {  	v1 =	vshrl.u32 v1, $0x10  }
0x149: {  	[tilespmem:$0x2920] =	vst v1  }
0x14a: {  	v1 =	vld [tilespmem:s25+$0x30];
	_ =	sdelay $0x4  }
0x14b: {  	v1 =	vshrl.u32 v1, $0x10  }
0x14c: {  	[tilespmem:$0x2930] =	vst v1  }
0x14d: {  	v1 =	vld [tilespmem:s25+$0x40];
	_ =	sdelay $0x4  }
0x14e: {  	v1 =	vshrl.u32 v1, $0x10  }
0x14f: {  	[tilespmem:$0x2940] =	vst v1  }
0x150: {  	v1 =	vld [tilespmem:s25+$0x50];
	_ =	sdelay $0x4  }
0x151: {  	v1 =	vshrl.u32 v1, $0x10  }
0x152: {  	[tilespmem:$0x2950] =	vst v1  }
0x153: {  	v1 =	vld [tilespmem:s25+$0x60];
	_ =	sdelay $0x4  }
0x154: {  	v1 =	vshrl.u32 v1, $0x10  }
0x155: {  	[tilespmem:$0x2960] =	vst v1  }
0x156: {  	v1 =	vld [tilespmem:s25+$0x70];
	_ =	sdelay $0x4  }
0x157: {  	v1 =	vshrl.u32 v1, $0x10  }
0x158: {  	[tilespmem:$0x2970] =	vst v1  }
0x159: {  	[spmem:s1] =	stream.indirect.scatter.add.f32 [tilespmem:s19], [sflag:$0x1], $0x80, s20, s17, $0xb8;
	[tilespmem:$0x1EA00] =	vst v63  }
0x15a: {  	_ =	swait.ge [sflag:s14], $0x4000  }
0x15b: {  	[sflag:s14] =	ssyncset.done $0x0  }
0x15c: {  	[sflag:s14] =	ssyncadd.s32 $0xFFFFC000  }
0x15d: {  	v1 =	vld [tilespmem:s25+$0x80];
	_ =	sdelay $0x4  }
0x15e: {  	v1 =	vand.u32 $0xFFFF, v1  }
0x15f: {  	[tilespmem:$0x2880] =	vst v1  }
0x160: {  	v1 =	vld [tilespmem:s25+$0x90];
	_ =	sdelay $0x4  }
0x161: {  	v1 =	vand.u32 $0xFFFF, v1  }
0x162: {  	[tilespmem:$0x2890] =	vst v1  }
0x163: {  	v1 =	vld [tilespmem:s25+$0xA0];
	_ =	sdelay $0x4  }
0x164: {  	v1 =	vand.u32 $0xFFFF, v1  }
0x165: {  	[tilespmem:$0x28A0] =	vst v1  }
0x166: {  	v1 =	vld [tilespmem:s25+$0xB0];
	_ =	sdelay $0x4  }
0x167: {  	v1 =	vand.u32 $0xFFFF, v1  }
0x168: {  	[tilespmem:$0x28B0] =	vst v1  }
0x169: {  	v1 =	vld [tilespmem:s25+$0xC0];
	_ =	sdelay $0x4  }
0x16a: {  	v1 =	vand.u32 $0xFFFF, v1  }
0x16b: {  	[tilespmem:$0x28C0] =	vst v1  }
0x16c: {  	v1 =	vld [tilespmem:s25+$0xD0];
	_ =	sdelay $0x4  }
0x16d: {  	v1 =	vand.u32 $0xFFFF, v1  }
0x16e: {  	[tilespmem:$0x28D0] =	vst v1  }
0x16f: {  	v1 =	vld [tilespmem:s25+$0xE0];
	_ =	sdelay $0x4  }
0x170: {  	v1 =	vand.u32 $0xFFFF, v1  }
0x171: {  	[tilespmem:$0x28E0] =	vst v1  }
0x172: {  	v1 =	vld [tilespmem:s25+$0xF0];
	_ =	sdelay $0x4  }
0x173: {  	v1 =	vand.u32 $0xFFFF, v1  }
0x174: {  	[tilespmem:$0x28F0] =	vst v1  }
0x175: {  	[tilespmem:s22], [sflag:$0x1] =	stream.indirect.gather [hbm4b:s4+s17], $0x80, s21, s17, $0xb8;
	[tilespmem:$0x1EA00] =	vst v63  }
0x176: {  	_ =	swait.ge [sflag:s14], $0x4000  }
0x177: {  	[sflag:s14] =	ssyncset.done $0x0  }
0x178: {  	[sflag:s14] =	ssyncadd.s32 $0xFFFFC000  }
0x179: {  	v1 =	vld [tilespmem:s25+$0x80];
	_ =	sdelay $0x4  }
0x17a: {  	v1 =	vshrl.u32 v1, $0x10  }
0x17b: {  	[tilespmem:$0x2980] =	vst v1  }
0x17c: {  	v1 =	vld [tilespmem:s25+$0x90];
	_ =	sdelay $0x4  }
0x17d: {  	v1 =	vshrl.u32 v1, $0x10  }
0x17e: {  	[tilespmem:$0x2990] =	vst v1  }
0x17f: {  	v1 =	vld [tilespmem:s25+$0xA0];
	_ =	sdelay $0x4  }
0x180: {  	v1 =	vshrl.u32 v1, $0x10  }
0x181: {  	[tilespmem:$0x29A0] =	vst v1  }
0x182: {  	v1 =	vld [tilespmem:s25+$0xB0];
	_ =	sdelay $0x4  }
0x183: {  	v1 =	vshrl.u32 v1, $0x10  }
0x184: {  	[tilespmem:$0x29B0] =	vst v1  }
0x185: {  	v1 =	vld [tilespmem:s25+$0xC0];
	_ =	sdelay $0x4  }
0x186: {  	v1 =	vshrl.u32 v1, $0x10  }
0x187: {  	[tilespmem:$0x29C0] =	vst v1  }
0x188: {  	v1 =	vld [tilespmem:s25+$0xD0];
	_ =	sdelay $0x4  }
0x189: {  	v1 =	vshrl.u32 v1, $0x10  }
0x18a: {  	[tilespmem:$0x29D0] =	vst v1  }
0x18b: {  	v1 =	vld [tilespmem:s25+$0xE0];
	_ =	sdelay $0x4  }
0x18c: {  	v1 =	vshrl.u32 v1, $0x10  }
0x18d: {  	[tilespmem:$0x29E0] =	vst v1  }
0x18e: {  	v1 =	vld [tilespmem:s25+$0xF0];
	_ =	sdelay $0x4  }
0x18f: {  	v1 =	vshrl.u32 v1, $0x10  }
0x190: {  	[tilespmem:$0x29F0] =	vst v1  }
0x191: {  	[spmem:s1] =	stream.indirect.scatter.add.f32 [tilespmem:s22], [sflag:$0x1], $0x80, s23, s17, $0xb8;
	[tilespmem:$0x1EA00] =	vst v63  }
0x192: {  	_ =	swait.ge [sflag:s14], $0x4000  }
0x193: {  	s24 =	sadd.s32 $0x1, s24;
	[sflag:s14] =	ssyncset.done $0x0  }
0x194: {  	p1 =	sne.s32 s24, s9;
	[sflag:s14] =	ssyncadd.s32 $0xFFFFC000  }
.Ltmp4:
0x195: {  	[bflag:$0x0] =	sbarrier.arrive $0xFFFF;
	(pc) =	sbr.rel @p1 .LBB2_1-.Ltmp4, $4  }
0x196: {  	[hbm:s8], [sflag:s15] =	dma.local [spmem:s16], $0x2800  }
0x197: {  	_ =	swait.ge [sflag:s14], $0x2800  }
0x198: {  	[sflag:s14] =	ssyncset.done $0x0  }
0x199: {  	[sflag:s14] =	ssyncadd.s32 $0xFFFFD800  }
0x19a: {  	_ =	sfence.sel $0x180000  }
0x19b: {  	[bflag:$0x0] =	sbarrier.arrive $0xFFFF  }
0x19c: {  	p0 =	sne.s32 s2, $0x0;
	_ =	strace $0x9000004D  }
0x19d: {  	s0 =	sadd.s32 @!p0 $0x100000, s0;
	[bflag:$0x2] =	sbarrier.arrive $0xFFFF  }
0x19e: {  	[sflag:s0] =	ssyncadd.tile.s32 @!p0 $0x1;
	_ =	shalt  }
.Lfunc_end2:
_tile_overlayer_lowered:
.L_overlay_start_2:
0x19f: {  	(tag) =	ssettag $0x2  }
0x1a0: {  	s0 =	rddreg [dreg:$0x0];
	s2 =	stileid.u32  }
0x1a1: {  	s1 =	rddreg [dreg:$0x1];
	p0 =	sne.s32 s2, $0x0  }
0x1a2: {  	s3 =	rddreg [dreg:$0x2];
	[bflag:$0x3] =	sbarrier.arrive $0xFFFF;
	s2 =	simm.s32 @!p0 $0x1C01  }
0x1a3: {  	[timem:s3], [sflag:s2] =	dma.local @!p0 [hbm:s0], s1  }
0x1a4: {  	s0 =	simm.s32 @!p0 $0x1  }
0x1a5: {  	_ =	swait.ge @!p0 [sflag:s0], s1  }
0x1a6: {  	s1 =	ssub.s32 @!p0 $0x0, s1;
	[sflag:s0] =	ssyncset.done @!p0 $0x0  }
0x1a7: {  	[sflag:s0] =	ssyncadd.s32 @!p0 s1  }
0x1a8: {  	[bflag:$0x3] =	sbarrier.arrive $0xFFFF  }
0x1a9: {  	_ =	shalt  }

</sc_bundles>
